<compile_context>
chip_gen: v7x
topology: tpu7x:2x2x1
jax: 0.10.2.dev20260603
libtpu: 0.0.44.dev20260713+nightly
codegen_flags: <defaults>
</compile_context>

<pallas_src>
import functools

import jax
import jax.numpy as jnp
from jax import lax
from jax.experimental import pallas as pl
from jax.experimental.pallas import tpu as pltpu
from jax.experimental.pallas import tpu_sc as plsc

_NC = 2
_NS = 16
_NW = _NC * _NS

_B = 4096
_D = 32
_N = 1000000
_BPW = _B // _NW
_CH = 8


def _fire(tbl_hbm, idx16, j0, blocks_v, sem):
    qa = (idx16 >> 7) << 7
    ca = idx16 & 127
    copies = []
    for j in range(j0, j0 + _CH):
        c0 = pl.multiple_of(qa[j], 128)
        copies.append(pltpu.async_copy(
            tbl_hbm.at[:, pl.ds(c0, 128)], blocks_v.at[j - j0], sem))
    return copies, ca


def _extract(copies, ca, j0, row0, blocks_v, cols_v):
    d_lo = jnp.arange(16, dtype=jnp.int32)
    d_hi = d_lo + 16
    for cp in copies:
        cp.wait()
    for j in range(j0, j0 + _CH):
        csp = jnp.full((16,), ca[j], jnp.int32)
        isp = jnp.full((16,), row0 + j, jnp.int32)
        lo = plsc.load_gather(blocks_v.at[j - j0], [d_lo, csp])
        hi = plsc.load_gather(blocks_v.at[j - j0], [d_hi, csp])
        plsc.store_scatter(cols_v, [d_lo, isp], lo)
        plsc.store_scatter(cols_v, [d_hi, isp], hi)


def _sc_gather_body(ut_hbm, uidx_hbm, vt_hbm, tidx_hbm, u_out, t_out,
                    uidx_v, tidx_v, ublocks_v, tblocks_v, ucols_v, tcols_v,
                    sem_u, sem_t):
    wid = lax.axis_index("s") * _NC + lax.axis_index("c")
    base = wid * _BPW
    pltpu.sync_copy(uidx_hbm.at[pl.ds(base, _BPW)], uidx_v)
    pltpu.sync_copy(tidx_hbm.at[pl.ds(base, _BPW)], tidx_v)

    def step(g, _):
        o = pl.multiple_of(g * 16, 16)
        uv = uidx_v[pl.ds(o, 16)]
        tv = tidx_v[pl.ds(o, 16)]
        ucp0, uca0 = _fire(ut_hbm, uv, 0, ublocks_v, sem_u)
        tcp0, tca0 = _fire(vt_hbm, tv, 0, tblocks_v, sem_t)
        _extract(ucp0, uca0, 0, o, ublocks_v, ucols_v)
        ucp1, uca1 = _fire(ut_hbm, uv, _CH, ublocks_v, sem_u)
        _extract(tcp0, tca0, 0, o, tblocks_v, tcols_v)
        tcp1, tca1 = _fire(vt_hbm, tv, _CH, tblocks_v, sem_t)
        _extract(ucp1, uca1, _CH, o, ublocks_v, ucols_v)
        _extract(tcp1, tca1, _CH, o, tblocks_v, tcols_v)
        return 0
    lax.fori_loop(0, _BPW // 16, step, 0)

    pltpu.sync_copy(ucols_v, u_out.at[:, pl.ds(base, _BPW)])
    pltpu.sync_copy(tcols_v, t_out.at[:, pl.ds(base, _BPW)])


_sc_gather = functools.partial(
    pl.kernel,
    mesh=plsc.VectorSubcoreMesh(core_axis_name="c", subcore_axis_name="s"),
    out_type=[
        jax.ShapeDtypeStruct((_D, _B), jnp.float32),
        jax.ShapeDtypeStruct((_D, _B), jnp.float32),
    ],
    scratch_types=[
        pltpu.VMEM((_BPW,), jnp.int32),
        pltpu.VMEM((_BPW,), jnp.int32),
        pltpu.VMEM((_CH, _D, 128), jnp.float32),
        pltpu.VMEM((_CH, _D, 128), jnp.float32),
        pltpu.VMEM((_D, _BPW), jnp.float32),
        pltpu.VMEM((_D, _BPW), jnp.float32),
        pltpu.SemaphoreType.DMA,
        pltpu.SemaphoreType.DMA,
    ],
    compiler_params=pltpu.CompilerParams(needs_layout_passes=False),
)(_sc_gather_body)


_BM = 512


def _mm_body(u_ref, t_ref, o_ref):
    o_ref[...] = lax.dot_general(
        u_ref[...], t_ref[...],
        (((0,), (0,)), ((), ())),
        preferred_element_type=jnp.float32,
    )


def kernel(user_indices, item_seq_indices, target_item_indices,
           target_domain, U, V):
    del item_seq_indices, target_domain
    uidx = user_indices.astype(jnp.int32)
    tidx = target_item_indices.reshape(-1).astype(jnp.int32)

    user_ebd_t, tgt_ebd_t = _sc_gather(U.T, uidx, V.T, tidx)

    score = pl.pallas_call(
        _mm_body,
        grid=(_B // _BM,),
        in_specs=[
            pl.BlockSpec((_D, _BM), lambda i: (0, i)),
            pl.BlockSpec((_D, _B), lambda i: (0, 0)),
        ],
        out_specs=pl.BlockSpec((_BM, _B), lambda i: (i, 0)),
        out_shape=jax.ShapeDtypeStruct((_B, _B), jnp.float32),
    )(user_ebd_t, tgt_ebd_t)
    return score

# --- scband reference (transcript-rebuilt; emitter-appended) ---
"""Pipeline reference for scband-bpr-16518444220731 (READ-ONLY COPY).

The authoritative reference and input builder live on the scoring server;
editing this copy changes nothing except your own understanding.
"""

import jax, jax.numpy as jnp
import numpy as np

NUM_ITEMS = 1000000
NUM_SEQS = 1000000
DIMS = 32
B = 4096
L = 50


def setup_inputs(seed: int = 0) -> dict:
    key = jax.random.key(seed)
    k1, k2, k3, k4, k5 = jax.random.split(key, 5)
    # Embedding tables initialized normal(0, 1/dims), padding_idx=0 zeroed
    V = jax.random.normal(k1, (NUM_ITEMS, DIMS), dtype=jnp.float32) * (1.0 / DIMS)
    V = V.at[0].set(0.0)
    U = jax.random.normal(k2, (NUM_SEQS, DIMS), dtype=jnp.float32) * (1.0 / DIMS)
    U = U.at[0].set(0.0)
    user_indices = jax.random.randint(k3, (B,), 0, NUM_SEQS, dtype=jnp.int64 if jax.config.jax_enable_x64 else jnp.int32)
    item_seq_indices = jax.random.randint(k4, (B, L), 0, NUM_ITEMS, dtype=jnp.int32)
    target_item_indices = jax.random.randint(k5, (B, 1), 0, NUM_ITEMS, dtype=jnp.int32)
    return {
        "user_indices": user_indices,
        "item_seq_indices": item_seq_indices,
        "target_item_indices": target_item_indices,
        "target_domain": 0,
        "U": U,
        "V": V,
    }


def reference(user_indices, item_seq_indices, target_item_indices, target_domain, U, V):
    # graph_convolution: ebd = cat(U, V); graph layers are commented out in source -> g_ebd = ebd
    ebd = jnp.concatenate([U, V], axis=0)
    user_ebd = jnp.take(ebd, user_indices, axis=0)                      # (B, dims)
    tgt_ebd = jnp.take(ebd, NUM_SEQS + target_item_indices, axis=0)     # (B, 1, dims)
    score = user_ebd @ jnp.squeeze(tgt_ebd, axis=1).T                   # (B, B)
    return score

if __name__ == "__main__":
    import jax
    _d = setup_inputs()
    print(jax.jit(kernel)(*tuple(_d.values())))

</pallas_src>

<mosaic_0001>
#map = affine_map<(d0, d1) -> (0, 0)>
#map1 = affine_map<(d0, d1) -> (0)>
module attributes {stable_mosaic.version = 14 : i64} {
  func.func @_sc_gather_body(%arg0: i32, %arg1: i32, %arg2: memref<32x1000000xf32, #tpu.memory_space<hbm>>, %arg3: memref<4096xi32, #tpu.memory_space<hbm>>, %arg4: memref<32x1000000xf32, #tpu.memory_space<hbm>>, %arg5: memref<4096xi32, #tpu.memory_space<hbm>>, %arg6: memref<32x4096xf32, #tpu.memory_space<hbm>>, %arg7: memref<32x4096xf32, #tpu.memory_space<hbm>>, %arg8: memref<128xi32, #tpu.memory_space<vmem>>, %arg9: memref<128xi32, #tpu.memory_space<vmem>>, %arg10: memref<8x32x128xf32, #tpu.memory_space<vmem>>, %arg11: memref<8x32x128xf32, #tpu.memory_space<vmem>>, %arg12: memref<32x128xf32, #tpu.memory_space<vmem>>, %arg13: memref<32x128xf32, #tpu.memory_space<vmem>>, %arg14: memref<!tpu.dma_semaphore, #tpu.memory_space<semaphore_mem>>, %arg15: memref<!tpu.dma_semaphore, #tpu.memory_space<semaphore_mem>>) attributes {dimension_semantics = [#tpu.dimension_semantics<core_parallel>, #tpu.dimension_semantics<subcore_parallel>], iteration_bounds = array<i64: 2, 16>, scalar_prefetch = 0 : i64, scratch_operands = 8 : i64, tpu.core_type = #tpu.core_type<sc_vector_subcore>, window_params = [{transform_indices = #map}, {transform_indices = #map1}, {transform_indices = #map}, {transform_indices = #map1}, {transform_indices = #map}, {transform_indices = #map}]} {
    %mul3A = arith.constant 2 : i32
    %mul3A_0 = arith.muli %arg1, %mul3A : i32
    %add3A = arith.addi %mul3A_0, %arg0 : i32
    %mul3A_1 = arith.constant 128 : i32
    %mul3A_2 = arith.muli %add3A, %mul3A_1 : i32
    "tpu.region"() ({
      %run_scoped3A = tpu.sem_alloc : memref<!tpu.dma_semaphore, #tpu.memory_space<semaphore_mem>>
      %dma_start3A = tpu.memref_slice %arg3[%mul3A_2] : memref<4096xi32, #tpu.memory_space<hbm>> -> memref<128xi32, #tpu.memory_space<hbm>>
      %dma_start3A_9 = tpu.memref_slice %arg3[%mul3A_2] : memref<4096xi32, #tpu.memory_space<hbm>> -> memref<128xi32, #tpu.memory_space<hbm>>
      tpu.enqueue_dma source(%dma_start3A_9 : memref<128xi32, #tpu.memory_space<hbm>>) target(%arg8 : memref<128xi32, #tpu.memory_space<vmem>>) target_semaphore(%run_scoped3A : memref<!tpu.dma_semaphore, #tpu.memory_space<semaphore_mem>>)
      %dma_wait3A = tpu.memref_slice %arg3[%mul3A_2] : memref<4096xi32, #tpu.memory_space<hbm>> -> memref<128xi32, #tpu.memory_space<hbm>>
      %dma_wait3A_10 = tpu.memref_slice %arg3[%mul3A_2] : memref<4096xi32, #tpu.memory_space<hbm>> -> memref<128xi32, #tpu.memory_space<hbm>>
      tpu.wait_dma2 semaphore(%run_scoped3A : memref<!tpu.dma_semaphore, #tpu.memory_space<semaphore_mem>>) src(%dma_wait3A_10 : memref<128xi32, #tpu.memory_space<hbm>>) dst(%arg8 : memref<128xi32, #tpu.memory_space<vmem>>)
      tpu.yield
    }) : () -> ()
    "tpu.region"() ({
      %run_scoped3A = tpu.sem_alloc : memref<!tpu.dma_semaphore, #tpu.memory_space<semaphore_mem>>
      %dma_start3A = tpu.memref_slice %arg5[%mul3A_2] : memref<4096xi32, #tpu.memory_space<hbm>> -> memref<128xi32, #tpu.memory_space<hbm>>
      %dma_start3A_9 = tpu.memref_slice %arg5[%mul3A_2] : memref<4096xi32, #tpu.memory_space<hbm>> -> memref<128xi32, #tpu.memory_space<hbm>>
      tpu.enqueue_dma source(%dma_start3A_9 : memref<128xi32, #tpu.memory_space<hbm>>) target(%arg9 : memref<128xi32, #tpu.memory_space<vmem>>) target_semaphore(%run_scoped3A : memref<!tpu.dma_semaphore, #tpu.memory_space<semaphore_mem>>)
      %dma_wait3A = tpu.memref_slice %arg5[%mul3A_2] : memref<4096xi32, #tpu.memory_space<hbm>> -> memref<128xi32, #tpu.memory_space<hbm>>
      %dma_wait3A_10 = tpu.memref_slice %arg5[%mul3A_2] : memref<4096xi32, #tpu.memory_space<hbm>> -> memref<128xi32, #tpu.memory_space<hbm>>
      tpu.wait_dma2 semaphore(%run_scoped3A : memref<!tpu.dma_semaphore, #tpu.memory_space<semaphore_mem>>) src(%dma_wait3A_10 : memref<128xi32, #tpu.memory_space<hbm>>) dst(%arg9 : memref<128xi32, #tpu.memory_space<vmem>>)
      tpu.yield
    }) : () -> ()
    %scan3A = arith.constant 0 : i32
    %scan3A_3 = arith.constant 0 : i32
    %scan3A_4 = arith.constant 8 : i32
    %scan3A_5 = arith.addi %scan3A_3, %scan3A_4 : i32
    %scan3A_6 = arith.constant 1 : i32
    %scan3A_7 = scf.for %scan3A_9 = %scan3A_3 to %scan3A_5 step %scan3A_6 iter_args(%scan3A_10 = %scan3A) -> (i32)  : i32 {
      %mul3A_11 = arith.constant 16 : i32
      %mul3A_12 = arith.muli %scan3A_9, %mul3A_11 : i32
      %multiple_of3A = tpu.assume_multiple %mul3A_12, 16 : i32
      %get3A = arith.index_cast %multiple_of3A : i32 to index
      %get3A_13 = tpu.vector_load %arg8[%get3A] {strides = array<i32>} : memref<128xi32, #tpu.memory_space<vmem>>, vector<16xi32>,
      %get3A_14 = arith.index_cast %multiple_of3A : i32 to index
      %get3A_15 = tpu.vector_load %arg9[%get3A_14] {strides = array<i32>} : memref<128xi32, #tpu.memory_space<vmem>>, vector<16xi32>,
      %shift_right_arithmetic3A = arith.constant 7 : i32
      %shift_right_arithmetic3A_16 = vector.broadcast %shift_right_arithmetic3A : i32 to vector<16xi32>
      %shift_right_arithmetic3A_17 = arith.shrsi %get3A_13, %shift_right_arithmetic3A_16 : vector<16xi32>
      %shift_left3A = arith.constant 7 : i32
      %shift_left3A_18 = vector.broadcast %shift_left3A : i32 to vector<16xi32>
      %shift_left3A_19 = arith.shli %shift_right_arithmetic3A_17, %shift_left3A_18 : vector<16xi32>
      %and3A = arith.constant 127 : i32
      %and3A_20 = vector.broadcast %and3A : i32 to vector<16xi32>
      %and3A_21 = arith.andi %get3A_13, %and3A_20 : vector<16xi32>
      %slice3A = vector.extract_strided_slice %shift_left3A_19 {offsets = [0], sizes = [1], strides = [1]} : vector<16xi32> to vector<1xi32>
      %squeeze3A = vector.extract %slice3A[0] : i32 from vector<1xi32>
      %multiple_of3A_22 = tpu.assume_multiple %squeeze3A, 128 : i32
      %dma_start3A = arith.constant 0 : i32
      %dma_start3A_23 = arith.constant 0 : i32
      %dma_start3A_24 = arith.constant 0 : i32
      %dma_start3A_25 = tpu.memref_slice %arg10[%dma_start3A, %dma_start3A_23, %dma_start3A_24] : memref<8x32x128xf32, #tpu.memory_space<vmem>> -> memref<1x32x128xf32, #tpu.memory_space<vmem>>
      %dma_start3A_26 = tpu.memref_squeeze %dma_start3A_25 : memref<1x32x128xf32, #tpu.memory_space<vmem>> -> memref<32x128xf32, #tpu.memory_space<vmem>>
      %dma_start3A_27 = arith.constant 0 : i32
      %dma_start3A_28 = tpu.memref_slice %arg2[%dma_start3A_27, %multiple_of3A_22] : memref<32x1000000xf32, #tpu.memory_space<hbm>> -> memref<32x128xf32, #tpu.memory_space<hbm>>
      %dma_start3A_29 = arith.constant 0 : i32
      %dma_start3A_30 = arith.constant 0 : i32
      %dma_start3A_31 = tpu.memref_slice %arg10[%dma_start3A, %dma_start3A_29, %dma_start3A_30] : memref<8x32x128xf32, #tpu.memory_space<vmem>> -> memref<1x32x128xf32, #tpu.memory_space<vmem>>
      %dma_start3A_32 = tpu.memref_squeeze %dma_start3A_31 : memref<1x32x128xf32, #tpu.memory_space<vmem>> -> memref<32x128xf32, #tpu.memory_space<vmem>>
      %dma_start3A_33 = arith.constant 0 : i32
      %dma_start3A_34 = tpu.memref_slice %arg2[%dma_start3A_33, %multiple_of3A_22] : memref<32x1000000xf32, #tpu.memory_space<hbm>> -> memref<32x128xf32, #tpu.memory_space<hbm>>
      tpu.enqueue_dma source(%dma_start3A_34 : memref<32x128xf32, #tpu.memory_space<hbm>>) target(%dma_start3A_32 : memref<32x128xf32, #tpu.memory_space<vmem>>) target_semaphore(%arg14 : memref<!tpu.dma_semaphore, #tpu.memory_space<semaphore_mem>>)
      %slice3A_35 = vector.extract_strided_slice %shift_left3A_19 {offsets = [1], sizes = [1], strides = [1]} : vector<16xi32> to vector<1xi32>
      %squeeze3A_36 = vector.extract %slice3A_35[0] : i32 from vector<1xi32>
      %multiple_of3A_37 = tpu.assume_multiple %squeeze3A_36, 128 : i32
      %dma_start3A_38 = arith.constant 1 : i32
      %dma_start3A_39 = arith.constant 0 : i32
      %dma_start3A_40 = arith.constant 0 : i32
      %dma_start3A_41 = tpu.memref_slice %arg10[%dma_start3A_38, %dma_start3A_39, %dma_start3A_40] : memref<8x32x128xf32, #tpu.memory_space<vmem>> -> memref<1x32x128xf32, #tpu.memory_space<vmem>>
      %dma_start3A_42 = tpu.memref_squeeze %dma_start3A_41 : memref<1x32x128xf32, #tpu.memory_space<vmem>> -> memref<32x128xf32, #tpu.memory_space<vmem>>
      %dma_start3A_43 = arith.constant 0 : i32
      %dma_start3A_44 = tpu.memref_slice %arg2[%dma_start3A_43, %multiple_of3A_37] : memref<32x1000000xf32, #tpu.memory_space<hbm>> -> memref<32x128xf32, #tpu.memory_space<hbm>>
      %dma_start3A_45 = arith.constant 0 : i32
      %dma_start3A_46 = arith.constant 0 : i32
      %dma_start3A_47 = tpu.memref_slice %arg10[%dma_start3A_38, %dma_start3A_45, %dma_start3A_46] : memref<8x32x128xf32, #tpu.memory_space<vmem>> -> memref<1x32x128xf32, #tpu.memory_space<vmem>>
      %dma_start3A_48 = tpu.memref_squeeze %dma_start3A_47 : memref<1x32x128xf32, #tpu.memory_space<vmem>> -> memref<32x128xf32, #tpu.memory_space<vmem>>
      %dma_start3A_49 = arith.constant 0 : i32
      %dma_start3A_50 = tpu.memref_slice %arg2[%dma_start3A_49, %multiple_of3A_37] : memref<32x1000000xf32, #tpu.memory_space<hbm>> -> memref<32x128xf32, #tpu.memory_space<hbm>>
      tpu.enqueue_dma source(%dma_start3A_50 : memref<32x128xf32, #tpu.memory_space<hbm>>) target(%dma_start3A_48 : memref<32x128xf32, #tpu.memory_space<vmem>>) target_semaphore(%arg14 : memref<!tpu.dma_semaphore, #tpu.memory_space<semaphore_mem>>)
      %slice3A_51 = vector.extract_strided_slice %shift_left3A_19 {offsets = [2], sizes = [1], strides = [1]} : vector<16xi32> to vector<1xi32>
      %squeeze3A_52 = vector.extract %slice3A_51[0] : i32 from vector<1xi32>
      %multiple_of3A_53 = tpu.assume_multiple %squeeze3A_52, 128 : i32
      %dma_start3A_54 = arith.constant 2 : i32
      %dma_start3A_55 = arith.constant 0 : i32
      %dma_start3A_56 = arith.constant 0 : i32
      %dma_start3A_57 = tpu.memref_slice %arg10[%dma_start3A_54, %dma_start3A_55, %dma_start3A_56] : memref<8x32x128xf32, #tpu.memory_space<vmem>> -> memref<1x32x128xf32, #tpu.memory_space<vmem>>
      %dma_start3A_58 = tpu.memref_squeeze %dma_start3A_57 : memref<1x32x128xf32, #tpu.memory_space<vmem>> -> memref<32x128xf32, #tpu.memory_space<vmem>>
      %dma_start3A_59 = arith.constant 0 : i32
      %dma_start3A_60 = tpu.memref_slice %arg2[%dma_start3A_59, %multiple_of3A_53] : memref<32x1000000xf32, #tpu.memory_space<hbm>> -> memref<32x128xf32, #tpu.memory_space<hbm>>
      %dma_start3A_61 = arith.constant 0 : i32
      %dma_start3A_62 = arith.constant 0 : i32
      %dma_start3A_63 = tpu.memref_slice %arg10[%dma_start3A_54, %dma_start3A_61, %dma_start3A_62] : memref<8x32x128xf32, #tpu.memory_space<vmem>> -> memref<1x32x128xf32, #tpu.memory_space<vmem>>
      %dma_start3A_64 = tpu.memref_squeeze %dma_start3A_63 : memref<1x32x128xf32, #tpu.memory_space<vmem>> -> memref<32x128xf32, #tpu.memory_space<vmem>>
      %dma_start3A_65 = arith.constant 0 : i32
      %dma_start3A_66 = tpu.memref_slice %arg2[%dma_start3A_65, %multiple_of3A_53] : memref<32x1000000xf32, #tpu.memory_space<hbm>> -> memref<32x128xf32, #tpu.memory_space<hbm>>
      tpu.enqueue_dma source(%dma_start3A_66 : memref<32x128xf32, #tpu.memory_space<hbm>>) target(%dma_start3A_64 : memref<32x128xf32, #tpu.memory_space<vmem>>) target_semaphore(%arg14 : memref<!tpu.dma_semaphore, #tpu.memory_space<semaphore_mem>>)
      %slice3A_67 = vector.extract_strided_slice %shift_left3A_19 {offsets = [3], sizes = [1], strides = [1]} : vector<16xi32> to vector<1xi32>
      %squeeze3A_68 = vector.extract %slice3A_67[0] : i32 from vector<1xi32>
      %multiple_of3A_69 = tpu.assume_multiple %squeeze3A_68, 128 : i32
      %dma_start3A_70 = arith.constant 3 : i32
      %dma_start3A_71 = arith.constant 0 : i32
      %dma_start3A_72 = arith.constant 0 : i32
      %dma_start3A_73 = tpu.memref_slice %arg10[%dma_start3A_70, %dma_start3A_71, %dma_start3A_72] : memref<8x32x128xf32, #tpu.memory_space<vmem>> -> memref<1x32x128xf32, #tpu.memory_space<vmem>>
      %dma_start3A_74 = tpu.memref_squeeze %dma_start3A_73 : memref<1x32x128xf32, #tpu.memory_space<vmem>> -> memref<32x128xf32, #tpu.memory_space<vmem>>
      %dma_start3A_75 = arith.constant 0 : i32
      %dma_start3A_76 = tpu.memref_slice %arg2[%dma_start3A_75, %multiple_of3A_69] : memref<32x1000000xf32, #tpu.memory_space<hbm>> -> memref<32x128xf32, #tpu.memory_space<hbm>>
      %dma_start3A_77 = arith.constant 0 : i32
      %dma_start3A_78 = arith.constant 0 : i32
      %dma_start3A_79 = tpu.memref_slice %arg10[%dma_start3A_70, %dma_start3A_77, %dma_start3A_78] : memref<8x32x128xf32, #tpu.memory_space<vmem>> -> memref<1x32x128xf32, #tpu.memory_space<vmem>>
      %dma_start3A_80 = tpu.memref_squeeze %dma_start3A_79 : memref<1x32x128xf32, #tpu.memory_space<vmem>> -> memref<32x128xf32, #tpu.memory_space<vmem>>
      %dma_start3A_81 = arith.constant 0 : i32
      %dma_start3A_82 = tpu.memref_slice %arg2[%dma_start3A_81, %multiple_of3A_69] : memref<32x1000000xf32, #tpu.memory_space<hbm>> -> memref<32x128xf32, #tpu.memory_space<hbm>>
      tpu.enqueue_dma source(%dma_start3A_82 : memref<32x128xf32, #tpu.memory_space<hbm>>) target(%dma_start3A_80 : memref<32x128xf32, #tpu.memory_space<vmem>>) target_semaphore(%arg14 : memref<!tpu.dma_semaphore, #tpu.memory_space<semaphore_mem>>)
      %slice3A_83 = vector.extract_strided_slice %shift_left3A_19 {offsets = [4], sizes = [1], strides = [1]} : vector<16xi32> to vector<1xi32>
      %squeeze3A_84 = vector.extract %slice3A_83[0] : i32 from vector<1xi32>
      %multiple_of3A_85 = tpu.assume_multiple %squeeze3A_84, 128 : i32
      %dma_start3A_86 = arith.constant 4 : i32
      %dma_start3A_87 = arith.constant 0 : i32
      %dma_start3A_88 = arith.constant 0 : i32
      %dma_start3A_89 = tpu.memref_slice %arg10[%dma_start3A_86, %dma_start3A_87, %dma_start3A_88] : memref<8x32x128xf32, #tpu.memory_space<vmem>> -> memref<1x32x128xf32, #tpu.memory_space<vmem>>
      %dma_start3A_90 = tpu.memref_squeeze %dma_start3A_89 : memref<1x32x128xf32, #tpu.memory_space<vmem>> -> memref<32x128xf32, #tpu.memory_space<vmem>>
      %dma_start3A_91 = arith.constant 0 : i32
      %dma_start3A_92 = tpu.memref_slice %arg2[%dma_start3A_91, %multiple_of3A_85] : memref<32x1000000xf32, #tpu.memory_space<hbm>> -> memref<32x128xf32, #tpu.memory_space<hbm>>
      %dma_start3A_93 = arith.constant 0 : i32
      %dma_start3A_94 = arith.constant 0 : i32
      %dma_start3A_95 = tpu.memref_slice %arg10[%dma_start3A_86, %dma_start3A_93, %dma_start3A_94] : memref<8x32x128xf32, #tpu.memory_space<vmem>> -> memref<1x32x128xf32, #tpu.memory_space<vmem>>
      %dma_start3A_96 = tpu.memref_squeeze %dma_start3A_95 : memref<1x32x128xf32, #tpu.memory_space<vmem>> -> memref<32x128xf32, #tpu.memory_space<vmem>>
      %dma_start3A_97 = arith.constant 0 : i32
      %dma_start3A_98 = tpu.memref_slice %arg2[%dma_start3A_97, %multiple_of3A_85] : memref<32x1000000xf32, #tpu.memory_space<hbm>> -> memref<32x128xf32, #tpu.memory_space<hbm>>
      tpu.enqueue_dma source(%dma_start3A_98 : memref<32x128xf32, #tpu.memory_space<hbm>>) target(%dma_start3A_96 : memref<32x128xf32, #tpu.memory_space<vmem>>) target_semaphore(%arg14 : memref<!tpu.dma_semaphore, #tpu.memory_space<semaphore_mem>>)
      %slice3A_99 = vector.extract_strided_slice %shift_left3A_19 {offsets = [5], sizes = [1], strides = [1]} : vector<16xi32> to vector<1xi32>
      %squeeze3A_100 = vector.extract %slice3A_99[0] : i32 from vector<1xi32>
      %multiple_of3A_101 = tpu.assume_multiple %squeeze3A_100, 128 : i32
      %dma_start3A_102 = arith.constant 5 : i32
      %dma_start3A_103 = arith.constant 0 : i32
      %dma_start3A_104 = arith.constant 0 : i32
      %dma_start3A_105 = tpu.memref_slice %arg10[%dma_start3A_102, %dma_start3A_103, %dma_start3A_104] : memref<8x32x128xf32, #tpu.memory_space<vmem>> -> memref<1x32x128xf32, #tpu.memory_space<vmem>>
      %dma_start3A_106 = tpu.memref_squeeze %dma_start3A_105 : memref<1x32x128xf32, #tpu.memory_space<vmem>> -> memref<32x128xf32, #tpu.memory_space<vmem>>
      %dma_start3A_107 = arith.constant 0 : i32
      %dma_start3A_108 = tpu.memref_slice %arg2[%dma_start3A_107, %multiple_of3A_101] : memref<32x1000000xf32, #tpu.memory_space<hbm>> -> memref<32x128xf32, #tpu.memory_space<hbm>>
      %dma_start3A_109 = arith.constant 0 : i32
      %dma_start3A_110 = arith.constant 0 : i32
      %dma_start3A_111 = tpu.memref_slice %arg10[%dma_start3A_102, %dma_start3A_109, %dma_start3A_110] : memref<8x32x128xf32, #tpu.memory_space<vmem>> -> memref<1x32x128xf32, #tpu.memory_space<vmem>>
      %dma_start3A_112 = tpu.memref_squeeze %dma_start3A_111 : memref<1x32x128xf32, #tpu.memory_space<vmem>> -> memref<32x128xf32, #tpu.memory_space<vmem>>
      %dma_start3A_113 = arith.constant 0 : i32
      %dma_start3A_114 = tpu.memref_slice %arg2[%dma_start3A_113, %multiple_of3A_101] : memref<32x1000000xf32, #tpu.memory_space<hbm>> -> memref<32x128xf32, #tpu.memory_space<hbm>>
      tpu.enqueue_dma source(%dma_start3A_114 : memref<32x128xf32, #tpu.memory_space<hbm>>) target(%dma_start3A_112 : memref<32x128xf32, #tpu.memory_space<vmem>>) target_semaphore(%arg14 : memref<!tpu.dma_semaphore, #tpu.memory_space<semaphore_mem>>)
      %slice3A_115 = vector.extract_strided_slice %shift_left3A_19 {offsets = [6], sizes = [1], strides = [1]} : vector<16xi32> to vector<1xi32>
      %squeeze3A_116 = vector.extract %slice3A_115[0] : i32 from vector<1xi32>
      %multiple_of3A_117 = tpu.assume_multiple %squeeze3A_116, 128 : i32
      %dma_start3A_118 = arith.constant 6 : i32
      %dma_start3A_119 = arith.constant 0 : i32
      %dma_start3A_120 = arith.constant 0 : i32
      %dma_start3A_121 = tpu.memref_slice %arg10[%dma_start3A_118, %dma_start3A_119, %dma_start3A_120] : memref<8x32x128xf32, #tpu.memory_space<vmem>> -> memref<1x32x128xf32, #tpu.memory_space<vmem>>
      %dma_start3A_122 = tpu.memref_squeeze %dma_start3A_121 : memref<1x32x128xf32, #tpu.memory_space<vmem>> -> memref<32x128xf32, #tpu.memory_space<vmem>>
      %dma_start3A_123 = arith.constant 0 : i32
      %dma_start3A_124 = tpu.memref_slice %arg2[%dma_start3A_123, %multiple_of3A_117] : memref<32x1000000xf32, #tpu.memory_space<hbm>> -> memref<32x128xf32, #tpu.memory_space<hbm>>
      %dma_start3A_125 = arith.constant 0 : i32
      %dma_start3A_126 = arith.constant 0 : i32
      %dma_start3A_127 = tpu.memref_slice %arg10[%dma_start3A_118, %dma_start3A_125, %dma_start3A_126] : memref<8x32x128xf32, #tpu.memory_space<vmem>> -> memref<1x32x128xf32, #tpu.memory_space<vmem>>
      %dma_start3A_128 = tpu.memref_squeeze %dma_start3A_127 : memref<1x32x128xf32, #tpu.memory_space<vmem>> -> memref<32x128xf32, #tpu.memory_space<vmem>>
      %dma_start3A_129 = arith.constant 0 : i32
      %dma_start3A_130 = tpu.memref_slice %arg2[%dma_start3A_129, %multiple_of3A_117] : memref<32x1000000xf32, #tpu.memory_space<hbm>> -> memref<32x128xf32, #tpu.memory_space<hbm>>
      tpu.enqueue_dma source(%dma_start3A_130 : memref<32x128xf32, #tpu.memory_space<hbm>>) target(%dma_start3A_128 : memref<32x128xf32, #tpu.memory_space<vmem>>) target_semaphore(%arg14 : memref<!tpu.dma_semaphore, #tpu.memory_space<semaphore_mem>>)
      %slice3A_131 = vector.extract_strided_slice %shift_left3A_19 {offsets = [7], sizes = [1], strides = [1]} : vector<16xi32> to vector<1xi32>
      %squeeze3A_132 = vector.extract %slice3A_131[0] : i32 from vector<1xi32>
      %multiple_of3A_133 = tpu.assume_multiple %squeeze3A_132, 128 : i32
      %dma_start3A_134 = arith.constant 7 : i32
      %dma_start3A_135 = arith.constant 0 : i32
      %dma_start3A_136 = arith.constant 0 : i32
      %dma_start3A_137 = tpu.memref_slice %arg10[%dma_start3A_134, %dma_start3A_135, %dma_start3A_136] : memref<8x32x128xf32, #tpu.memory_space<vmem>> -> memref<1x32x128xf32, #tpu.memory_space<vmem>>
      %dma_start3A_138 = tpu.memref_squeeze %dma_start3A_137 : memref<1x32x128xf32, #tpu.memory_space<vmem>> -> memref<32x128xf32, #tpu.memory_space<vmem>>
      %dma_start3A_139 = arith.constant 0 : i32
      %dma_start3A_140 = tpu.memref_slice %arg2[%dma_start3A_139, %multiple_of3A_133] : memref<32x1000000xf32, #tpu.memory_space<hbm>> -> memref<32x128xf32, #tpu.memory_space<hbm>>
      %dma_start3A_141 = arith.constant 0 : i32
      %dma_start3A_142 = arith.constant 0 : i32
      %dma_start3A_143 = tpu.memref_slice %arg10[%dma_start3A_134, %dma_start3A_141, %dma_start3A_142] : memref<8x32x128xf32, #tpu.memory_space<vmem>> -> memref<1x32x128xf32, #tpu.memory_space<vmem>>
      %dma_start3A_144 = tpu.memref_squeeze %dma_start3A_143 : memref<1x32x128xf32, #tpu.memory_space<vmem>> -> memref<32x128xf32, #tpu.memory_space<vmem>>
      %dma_start3A_145 = arith.constant 0 : i32
      %dma_start3A_146 = tpu.memref_slice %arg2[%dma_start3A_145, %multiple_of3A_133] : memref<32x1000000xf32, #tpu.memory_space<hbm>> -> memref<32x128xf32, #tpu.memory_space<hbm>>
      tpu.enqueue_dma source(%dma_start3A_146 : memref<32x128xf32, #tpu.memory_space<hbm>>) target(%dma_start3A_144 : memref<32x128xf32, #tpu.memory_space<vmem>>) target_semaphore(%arg14 : memref<!tpu.dma_semaphore, #tpu.memory_space<semaphore_mem>>)
      %shift_right_arithmetic3A_147 = arith.constant 7 : i32
      %shift_right_arithmetic3A_148 = vector.broadcast %shift_right_arithmetic3A_147 : i32 to vector<16xi32>
      %shift_right_arithmetic3A_149 = arith.shrsi %get3A_15, %shift_right_arithmetic3A_148 : vector<16xi32>
      %shift_left3A_150 = arith.constant 7 : i32
      %shift_left3A_151 = vector.broadcast %shift_left3A_150 : i32 to vector<16xi32>
      %shift_left3A_152 = arith.shli %shift_right_arithmetic3A_149, %shift_left3A_151 : vector<16xi32>
      %and3A_153 = arith.constant 127 : i32
      %and3A_154 = vector.broadcast %and3A_153 : i32 to vector<16xi32>
      %and3A_155 = arith.andi %get3A_15, %and3A_154 : vector<16xi32>
      %slice3A_156 = vector.extract_strided_slice %shift_left3A_152 {offsets = [0], sizes = [1], strides = [1]} : vector<16xi32> to vector<1xi32>
      %squeeze3A_157 = vector.extract %slice3A_156[0] : i32 from vector<1xi32>
      %multiple_of3A_158 = tpu.assume_multiple %squeeze3A_157, 128 : i32
      %dma_start3A_159 = arith.constant 0 : i32
      %dma_start3A_160 = arith.constant 0 : i32
      %dma_start3A_161 = arith.constant 0 : i32
      %dma_start3A_162 = tpu.memref_slice %arg11[%dma_start3A_159, %dma_start3A_160, %dma_start3A_161] : memref<8x32x128xf32, #tpu.memory_space<vmem>> -> memref<1x32x128xf32, #tpu.memory_space<vmem>>
      %dma_start3A_163 = tpu.memref_squeeze %dma_start3A_162 : memref<1x32x128xf32, #tpu.memory_space<vmem>> -> memref<32x128xf32, #tpu.memory_space<vmem>>
      %dma_start3A_164 = arith.constant 0 : i32
      %dma_start3A_165 = tpu.memref_slice %arg4[%dma_start3A_164, %multiple_of3A_158] : memref<32x1000000xf32, #tpu.memory_space<hbm>> -> memref<32x128xf32, #tpu.memory_space<hbm>>
      %dma_start3A_166 = arith.constant 0 : i32
      %dma_start3A_167 = arith.constant 0 : i32
      %dma_start3A_168 = tpu.memref_slice %arg11[%dma_start3A_159, %dma_start3A_166, %dma_start3A_167] : memref<8x32x128xf32, #tpu.memory_space<vmem>> -> memref<1x32x128xf32, #tpu.memory_space<vmem>>
      %dma_start3A_169 = tpu.memref_squeeze %dma_start3A_168 : memref<1x32x128xf32, #tpu.memory_space<vmem>> -> memref<32x128xf32, #tpu.memory_space<vmem>>
      %dma_start3A_170 = arith.constant 0 : i32
      %dma_start3A_171 = tpu.memref_slice %arg4[%dma_start3A_170, %multiple_of3A_158] : memref<32x1000000xf32, #tpu.memory_space<hbm>> -> memref<32x128xf32, #tpu.memory_space<hbm>>
      tpu.enqueue_dma source(%dma_start3A_171 : memref<32x128xf32, #tpu.memory_space<hbm>>) target(%dma_start3A_169 : memref<32x128xf32, #tpu.memory_space<vmem>>) target_semaphore(%arg15 : memref<!tpu.dma_semaphore, #tpu.memory_space<semaphore_mem>>)
      %slice3A_172 = vector.extract_strided_slice %shift_left3A_152 {offsets = [1], sizes = [1], strides = [1]} : vector<16xi32> to vector<1xi32>
      %squeeze3A_173 = vector.extract %slice3A_172[0] : i32 from vector<1xi32>
      %multiple_of3A_174 = tpu.assume_multiple %squeeze3A_173, 128 : i32
      %dma_start3A_175 = arith.constant 1 : i32
      %dma_start3A_176 = arith.constant 0 : i32
      %dma_start3A_177 = arith.constant 0 : i32
      %dma_start3A_178 = tpu.memref_slice %arg11[%dma_start3A_175, %dma_start3A_176, %dma_start3A_177] : memref<8x32x128xf32, #tpu.memory_space<vmem>> -> memref<1x32x128xf32, #tpu.memory_space<vmem>>
      %dma_start3A_179 = tpu.memref_squeeze %dma_start3A_178 : memref<1x32x128xf32, #tpu.memory_space<vmem>> -> memref<32x128xf32, #tpu.memory_space<vmem>>
      %dma_start3A_180 = arith.constant 0 : i32
      %dma_start3A_181 = tpu.memref_slice %arg4[%dma_start3A_180, %multiple_of3A_174] : memref<32x1000000xf32, #tpu.memory_space<hbm>> -> memref<32x128xf32, #tpu.memory_space<hbm>>
      %dma_start3A_182 = arith.constant 0 : i32
      %dma_start3A_183 = arith.constant 0 : i32
      %dma_start3A_184 = tpu.memref_slice %arg11[%dma_start3A_175, %dma_start3A_182, %dma_start3A_183] : memref<8x32x128xf32, #tpu.memory_space<vmem>> -> memref<1x32x128xf32, #tpu.memory_space<vmem>>
      %dma_start3A_185 = tpu.memref_squeeze %dma_start3A_184 : memref<1x32x128xf32, #tpu.memory_space<vmem>> -> memref<32x128xf32, #tpu.memory_space<vmem>>
      %dma_start3A_186 = arith.constant 0 : i32
      %dma_start3A_187 = tpu.memref_slice %arg4[%dma_start3A_186, %multiple_of3A_174] : memref<32x1000000xf32, #tpu.memory_space<hbm>> -> memref<32x128xf32, #tpu.memory_space<hbm>>
      tpu.enqueue_dma source(%dma_start3A_187 : memref<32x128xf32, #tpu.memory_space<hbm>>) target(%dma_start3A_185 : memref<32x128xf32, #tpu.memory_space<vmem>>) target_semaphore(%arg15 : memref<!tpu.dma_semaphore, #tpu.memory_space<semaphore_mem>>)
      %slice3A_188 = vector.extract_strided_slice %shift_left3A_152 {offsets = [2], sizes = [1], strides = [1]} : vector<16xi32> to vector<1xi32>
      %squeeze3A_189 = vector.extract %slice3A_188[0] : i32 from vector<1xi32>
      %multiple_of3A_190 = tpu.assume_multiple %squeeze3A_189, 128 : i32
      %dma_start3A_191 = arith.constant 2 : i32
      %dma_start3A_192 = arith.constant 0 : i32
      %dma_start3A_193 = arith.constant 0 : i32
      %dma_start3A_194 = tpu.memref_slice %arg11[%dma_start3A_191, %dma_start3A_192, %dma_start3A_193] : memref<8x32x128xf32, #tpu.memory_space<vmem>> -> memref<1x32x128xf32, #tpu.memory_space<vmem>>
      %dma_start3A_195 = tpu.memref_squeeze %dma_start3A_194 : memref<1x32x128xf32, #tpu.memory_space<vmem>> -> memref<32x128xf32, #tpu.memory_space<vmem>>
      %dma_start3A_196 = arith.constant 0 : i32
      %dma_start3A_197 = tpu.memref_slice %arg4[%dma_start3A_196, %multiple_of3A_190] : memref<32x1000000xf32, #tpu.memory_space<hbm>> -> memref<32x128xf32, #tpu.memory_space<hbm>>
      %dma_start3A_198 = arith.constant 0 : i32
      %dma_start3A_199 = arith.constant 0 : i32
      %dma_start3A_200 = tpu.memref_slice %arg11[%dma_start3A_191, %dma_start3A_198, %dma_start3A_199] : memref<8x32x128xf32, #tpu.memory_space<vmem>> -> memref<1x32x128xf32, #tpu.memory_space<vmem>>
      %dma_start3A_201 = tpu.memref_squeeze %dma_start3A_200 : memref<1x32x128xf32, #tpu.memory_space<vmem>> -> memref<32x128xf32, #tpu.memory_space<vmem>>
      %dma_start3A_202 = arith.constant 0 : i32
      %dma_start3A_203 = tpu.memref_slice %arg4[%dma_start3A_202, %multiple_of3A_190] : memref<32x1000000xf32, #tpu.memory_space<hbm>> -> memref<32x128xf32, #tpu.memory_space<hbm>>
      tpu.enqueue_dma source(%dma_start3A_203 : memref<32x128xf32, #tpu.memory_space<hbm>>) target(%dma_start3A_201 : memref<32x128xf32, #tpu.memory_space<vmem>>) target_semaphore(%arg15 : memref<!tpu.dma_semaphore, #tpu.memory_space<semaphore_mem>>)
      %slice3A_204 = vector.extract_strided_slice %shift_left3A_152 {offsets = [3], sizes = [1], strides = [1]} : vector<16xi32> to vector<1xi32>
      %squeeze3A_205 = vector.extract %slice3A_204[0] : i32 from vector<1xi32>
      %multiple_of3A_206 = tpu.assume_multiple %squeeze3A_205, 128 : i32
      %dma_start3A_207 = arith.constant 3 : i32
      %dma_start3A_208 = arith.constant 0 : i32
      %dma_start3A_209 = arith.constant 0 : i32
      %dma_start3A_210 = tpu.memref_slice %arg11[%dma_start3A_207, %dma_start3A_208, %dma_start3A_209] : memref<8x32x128xf32, #tpu.memory_space<vmem>> -> memref<1x32x128xf32, #tpu.memory_space<vmem>>
      %dma_start3A_211 = tpu.memref_squeeze %dma_start3A_210 : memref<1x32x128xf32, #tpu.memory_space<vmem>> -> memref<32x128xf32, #tpu.memory_space<vmem>>
      %dma_start3A_212 = arith.constant 0 : i32
      %dma_start3A_213 = tpu.memref_slice %arg4[%dma_start3A_212, %multiple_of3A_206] : memref<32x1000000xf32, #tpu.memory_space<hbm>> -> memref<32x128xf32, #tpu.memory_space<hbm>>
      %dma_start3A_214 = arith.constant 0 : i32
      %dma_start3A_215 = arith.constant 0 : i32
      %dma_start3A_216 = tpu.memref_slice %arg11[%dma_start3A_207, %dma_start3A_214, %dma_start3A_215] : memref<8x32x128xf32, #tpu.memory_space<vmem>> -> memref<1x32x128xf32, #tpu.memory_space<vmem>>
      %dma_start3A_217 = tpu.memref_squeeze %dma_start3A_216 : memref<1x32x128xf32, #tpu.memory_space<vmem>> -> memref<32x128xf32, #tpu.memory_space<vmem>>
      %dma_start3A_218 = arith.constant 0 : i32
      %dma_start3A_219 = tpu.memref_slice %arg4[%dma_start3A_218, %multiple_of3A_206] : memref<32x1000000xf32, #tpu.memory_space<hbm>> -> memref<32x128xf32, #tpu.memory_space<hbm>>
      tpu.enqueue_dma source(%dma_start3A_219 : memref<32x128xf32, #tpu.memory_space<hbm>>) target(%dma_start3A_217 : memref<32x128xf32, #tpu.memory_space<vmem>>) target_semaphore(%arg15 : memref<!tpu.dma_semaphore, #tpu.memory_space<semaphore_mem>>)
      %slice3A_220 = vector.extract_strided_slice %shift_left3A_152 {offsets = [4], sizes = [1], strides = [1]} : vector<16xi32> to vector<1xi32>
      %squeeze3A_221 = vector.extract %slice3A_220[0] : i32 from vector<1xi32>
      %multiple_of3A_222 = tpu.assume_multiple %squeeze3A_221, 128 : i32
      %dma_start3A_223 = arith.constant 4 : i32
      %dma_start3A_224 = arith.constant 0 : i32
      %dma_start3A_225 = arith.constant 0 : i32
      %dma_start3A_226 = tpu.memref_slice %arg11[%dma_start3A_223, %dma_start3A_224, %dma_start3A_225] : memref<8x32x128xf32, #tpu.memory_space<vmem>> -> memref<1x32x128xf32, #tpu.memory_space<vmem>>
      %dma_start3A_227 = tpu.memref_squeeze %dma_start3A_226 : memref<1x32x128xf32, #tpu.memory_space<vmem>> -> memref<32x128xf32, #tpu.memory_space<vmem>>
      %dma_start3A_228 = arith.constant 0 : i32
      %dma_start3A_229 = tpu.memref_slice %arg4[%dma_start3A_228, %multiple_of3A_222] : memref<32x1000000xf32, #tpu.memory_space<hbm>> -> memref<32x128xf32, #tpu.memory_space<hbm>>
      %dma_start3A_230 = arith.constant 0 : i32
      %dma_start3A_231 = arith.constant 0 : i32
      %dma_start3A_232 = tpu.memref_slice %arg11[%dma_start3A_223, %dma_start3A_230, %dma_start3A_231] : memref<8x32x128xf32, #tpu.memory_space<vmem>> -> memref<1x32x128xf32, #tpu.memory_space<vmem>>
      %dma_start3A_233 = tpu.memref_squeeze %dma_start3A_232 : memref<1x32x128xf32, #tpu.memory_space<vmem>> -> memref<32x128xf32, #tpu.memory_space<vmem>>
      %dma_start3A_234 = arith.constant 0 : i32
      %dma_start3A_235 = tpu.memref_slice %arg4[%dma_start3A_234, %multiple_of3A_222] : memref<32x1000000xf32, #tpu.memory_space<hbm>> -> memref<32x128xf32, #tpu.memory_space<hbm>>
      tpu.enqueue_dma source(%dma_start3A_235 : memref<32x128xf32, #tpu.memory_space<hbm>>) target(%dma_start3A_233 : memref<32x128xf32, #tpu.memory_space<vmem>>) target_semaphore(%arg15 : memref<!tpu.dma_semaphore, #tpu.memory_space<semaphore_mem>>)
      %slice3A_236 = vector.extract_strided_slice %shift_left3A_152 {offsets = [5], sizes = [1], strides = [1]} : vector<16xi32> to vector<1xi32>
      %squeeze3A_237 = vector.extract %slice3A_236[0] : i32 from vector<1xi32>
      %multiple_of3A_238 = tpu.assume_multiple %squeeze3A_237, 128 : i32
      %dma_start3A_239 = arith.constant 5 : i32
      %dma_start3A_240 = arith.constant 0 : i32
      %dma_start3A_241 = arith.constant 0 : i32
      %dma_start3A_242 = tpu.memref_slice %arg11[%dma_start3A_239, %dma_start3A_240, %dma_start3A_241] : memref<8x32x128xf32, #tpu.memory_space<vmem>> -> memref<1x32x128xf32, #tpu.memory_space<vmem>>
      %dma_start3A_243 = tpu.memref_squeeze %dma_start3A_242 : memref<1x32x128xf32, #tpu.memory_space<vmem>> -> memref<32x128xf32, #tpu.memory_space<vmem>>
      %dma_start3A_244 = arith.constant 0 : i32
      %dma_start3A_245 = tpu.memref_slice %arg4[%dma_start3A_244, %multiple_of3A_238] : memref<32x1000000xf32, #tpu.memory_space<hbm>> -> memref<32x128xf32, #tpu.memory_space<hbm>>
      %dma_start3A_246 = arith.constant 0 : i32
      %dma_start3A_247 = arith.constant 0 : i32
      %dma_start3A_248 = tpu.memref_slice %arg11[%dma_start3A_239, %dma_start3A_246, %dma_start3A_247] : memref<8x32x128xf32, #tpu.memory_space<vmem>> -> memref<1x32x128xf32, #tpu.memory_space<vmem>>
      %dma_start3A_249 = tpu.memref_squeeze %dma_start3A_248 : memref<1x32x128xf32, #tpu.memory_space<vmem>> -> memref<32x128xf32, #tpu.memory_space<vmem>>
      %dma_start3A_250 = arith.constant 0 : i32
      %dma_start3A_251 = tpu.memref_slice %arg4[%dma_start3A_250, %multiple_of3A_238] : memref<32x1000000xf32, #tpu.memory_space<hbm>> -> memref<32x128xf32, #tpu.memory_space<hbm>>
      tpu.enqueue_dma source(%dma_start3A_251 : memref<32x128xf32, #tpu.memory_space<hbm>>) target(%dma_start3A_249 : memref<32x128xf32, #tpu.memory_space<vmem>>) target_semaphore(%arg15 : memref<!tpu.dma_semaphore, #tpu.memory_space<semaphore_mem>>)
      %slice3A_252 = vector.extract_strided_slice %shift_left3A_152 {offsets = [6], sizes = [1], strides = [1]} : vector<16xi32> to vector<1xi32>
      %squeeze3A_253 = vector.extract %slice3A_252[0] : i32 from vector<1xi32>
      %multiple_of3A_254 = tpu.assume_multiple %squeeze3A_253, 128 : i32
      %dma_start3A_255 = arith.constant 6 : i32
      %dma_start3A_256 = arith.constant 0 : i32
      %dma_start3A_257 = arith.constant 0 : i32
      %dma_start3A_258 = tpu.memref_slice %arg11[%dma_start3A_255, %dma_start3A_256, %dma_start3A_257] : memref<8x32x128xf32, #tpu.memory_space<vmem>> -> memref<1x32x128xf32, #tpu.memory_space<vmem>>
      %dma_start3A_259 = tpu.memref_squeeze %dma_start3A_258 : memref<1x32x128xf32, #tpu.memory_space<vmem>> -> memref<32x128xf32, #tpu.memory_space<vmem>>
      %dma_start3A_260 = arith.constant 0 : i32
      %dma_start3A_261 = tpu.memref_slice %arg4[%dma_start3A_260, %multiple_of3A_254] : memref<32x1000000xf32, #tpu.memory_space<hbm>> -> memref<32x128xf32, #tpu.memory_space<hbm>>
      %dma_start3A_262 = arith.constant 0 : i32
      %dma_start3A_263 = arith.constant 0 : i32
      %dma_start3A_264 = tpu.memref_slice %arg11[%dma_start3A_255, %dma_start3A_262, %dma_start3A_263] : memref<8x32x128xf32, #tpu.memory_space<vmem>> -> memref<1x32x128xf32, #tpu.memory_space<vmem>>
      %dma_start3A_265 = tpu.memref_squeeze %dma_start3A_264 : memref<1x32x128xf32, #tpu.memory_space<vmem>> -> memref<32x128xf32, #tpu.memory_space<vmem>>
      %dma_start3A_266 = arith.constant 0 : i32
      %dma_start3A_267 = tpu.memref_slice %arg4[%dma_start3A_266, %multiple_of3A_254] : memref<32x1000000xf32, #tpu.memory_space<hbm>> -> memref<32x128xf32, #tpu.memory_space<hbm>>
      tpu.enqueue_dma source(%dma_start3A_267 : memref<32x128xf32, #tpu.memory_space<hbm>>) target(%dma_start3A_265 : memref<32x128xf32, #tpu.memory_space<vmem>>) target_semaphore(%arg15 : memref<!tpu.dma_semaphore, #tpu.memory_space<semaphore_mem>>)
      %slice3A_268 = vector.extract_strided_slice %shift_left3A_152 {offsets = [7], sizes = [1], strides = [1]} : vector<16xi32> to vector<1xi32>
      %squeeze3A_269 = vector.extract %slice3A_268[0] : i32 from vector<1xi32>
      %multiple_of3A_270 = tpu.assume_multiple %squeeze3A_269, 128 : i32
      %dma_start3A_271 = arith.constant 7 : i32
      %dma_start3A_272 = arith.constant 0 : i32
      %dma_start3A_273 = arith.constant 0 : i32
      %dma_start3A_274 = tpu.memref_slice %arg11[%dma_start3A_271, %dma_start3A_272, %dma_start3A_273] : memref<8x32x128xf32, #tpu.memory_space<vmem>> -> memref<1x32x128xf32, #tpu.memory_space<vmem>>
      %dma_start3A_275 = tpu.memref_squeeze %dma_start3A_274 : memref<1x32x128xf32, #tpu.memory_space<vmem>> -> memref<32x128xf32, #tpu.memory_space<vmem>>
      %dma_start3A_276 = arith.constant 0 : i32
      %dma_start3A_277 = tpu.memref_slice %arg4[%dma_start3A_276, %multiple_of3A_270] : memref<32x1000000xf32, #tpu.memory_space<hbm>> -> memref<32x128xf32, #tpu.memory_space<hbm>>
      %dma_start3A_278 = arith.constant 0 : i32
      %dma_start3A_279 = arith.constant 0 : i32
      %dma_start3A_280 = tpu.memref_slice %arg11[%dma_start3A_271, %dma_start3A_278, %dma_start3A_279] : memref<8x32x128xf32, #tpu.memory_space<vmem>> -> memref<1x32x128xf32, #tpu.memory_space<vmem>>
      %dma_start3A_281 = tpu.memref_squeeze %dma_start3A_280 : memref<1x32x128xf32, #tpu.memory_space<vmem>> -> memref<32x128xf32, #tpu.memory_space<vmem>>
      %dma_start3A_282 = arith.constant 0 : i32
      %dma_start3A_283 = tpu.memref_slice %arg4[%dma_start3A_282, %multiple_of3A_270] : memref<32x1000000xf32, #tpu.memory_space<hbm>> -> memref<32x128xf32, #tpu.memory_space<hbm>>
      tpu.enqueue_dma source(%dma_start3A_283 : memref<32x128xf32, #tpu.memory_space<hbm>>) target(%dma_start3A_281 : memref<32x128xf32, #tpu.memory_space<vmem>>) target_semaphore(%arg15 : memref<!tpu.dma_semaphore, #tpu.memory_space<semaphore_mem>>)
      %iota3A = tpu.iota {dimensions = array<i32: 0>} : vector<16xi32>
      %add3A_284 = arith.constant 16 : i32
      %add3A_285 = vector.broadcast %add3A_284 : i32 to vector<16xi32>
      %add3A_286 = arith.addi %iota3A, %add3A_285 : vector<16xi32>
      %dma_wait3A = arith.constant 0 : i32
      %dma_wait3A_287 = arith.constant 0 : i32
      %dma_wait3A_288 = arith.constant 0 : i32
      %dma_wait3A_289 = tpu.memref_slice %arg10[%dma_wait3A, %dma_wait3A_287, %dma_wait3A_288] : memref<8x32x128xf32, #tpu.memory_space<vmem>> -> memref<1x32x128xf32, #tpu.memory_space<vmem>>
      %dma_wait3A_290 = tpu.memref_squeeze %dma_wait3A_289 : memref<1x32x128xf32, #tpu.memory_space<vmem>> -> memref<32x128xf32, #tpu.memory_space<vmem>>
      %dma_wait3A_291 = arith.constant 0 : i32
      %dma_wait3A_292 = tpu.memref_slice %arg2[%dma_wait3A_291, %multiple_of3A_22] : memref<32x1000000xf32, #tpu.memory_space<hbm>> -> memref<32x128xf32, #tpu.memory_space<hbm>>
      %dma_wait3A_293 = arith.constant 0 : i32
      %dma_wait3A_294 = arith.constant 0 : i32
      %dma_wait3A_295 = tpu.memref_slice %arg10[%dma_wait3A, %dma_wait3A_293, %dma_wait3A_294] : memref<8x32x128xf32, #tpu.memory_space<vmem>> -> memref<1x32x128xf32, #tpu.memory_space<vmem>>
      %dma_wait3A_296 = tpu.memref_squeeze %dma_wait3A_295 : memref<1x32x128xf32, #tpu.memory_space<vmem>> -> memref<32x128xf32, #tpu.memory_space<vmem>>
      %dma_wait3A_297 = arith.constant 0 : i32
      %dma_wait3A_298 = tpu.memref_slice %arg2[%dma_wait3A_297, %multiple_of3A_22] : memref<32x1000000xf32, #tpu.memory_space<hbm>> -> memref<32x128xf32, #tpu.memory_space<hbm>>
      tpu.wait_dma2 semaphore(%arg14 : memref<!tpu.dma_semaphore, #tpu.memory_space<semaphore_mem>>) src(%dma_wait3A_298 : memref<32x128xf32, #tpu.memory_space<hbm>>) dst(%dma_wait3A_296 : memref<32x128xf32, #tpu.memory_space<vmem>>)
      %dma_wait3A_299 = arith.constant 1 : i32
      %dma_wait3A_300 = arith.constant 0 : i32
      %dma_wait3A_301 = arith.constant 0 : i32
      %dma_wait3A_302 = tpu.memref_slice %arg10[%dma_wait3A_299, %dma_wait3A_300, %dma_wait3A_301] : memref<8x32x128xf32, #tpu.memory_space<vmem>> -> memref<1x32x128xf32, #tpu.memory_space<vmem>>
      %dma_wait3A_303 = tpu.memref_squeeze %dma_wait3A_302 : memref<1x32x128xf32, #tpu.memory_space<vmem>> -> memref<32x128xf32, #tpu.memory_space<vmem>>
      %dma_wait3A_304 = arith.constant 0 : i32
      %dma_wait3A_305 = tpu.memref_slice %arg2[%dma_wait3A_304, %multiple_of3A_37] : memref<32x1000000xf32, #tpu.memory_space<hbm>> -> memref<32x128xf32, #tpu.memory_space<hbm>>
      %dma_wait3A_306 = arith.constant 0 : i32
      %dma_wait3A_307 = arith.constant 0 : i32
      %dma_wait3A_308 = tpu.memref_slice %arg10[%dma_wait3A_299, %dma_wait3A_306, %dma_wait3A_307] : memref<8x32x128xf32, #tpu.memory_space<vmem>> -> memref<1x32x128xf32, #tpu.memory_space<vmem>>
      %dma_wait3A_309 = tpu.memref_squeeze %dma_wait3A_308 : memref<1x32x128xf32, #tpu.memory_space<vmem>> -> memref<32x128xf32, #tpu.memory_space<vmem>>
      %dma_wait3A_310 = arith.constant 0 : i32
      %dma_wait3A_311 = tpu.memref_slice %arg2[%dma_wait3A_310, %multiple_of3A_37] : memref<32x1000000xf32, #tpu.memory_space<hbm>> -> memref<32x128xf32, #tpu.memory_space<hbm>>
      tpu.wait_dma2 semaphore(%arg14 : memref<!tpu.dma_semaphore, #tpu.memory_space<semaphore_mem>>) src(%dma_wait3A_311 : memref<32x128xf32, #tpu.memory_space<hbm>>) dst(%dma_wait3A_309 : memref<32x128xf32, #tpu.memory_space<vmem>>)
      %dma_wait3A_312 = arith.constant 2 : i32
      %dma_wait3A_313 = arith.constant 0 : i32
      %dma_wait3A_314 = arith.constant 0 : i32
      %dma_wait3A_315 = tpu.memref_slice %arg10[%dma_wait3A_312, %dma_wait3A_313, %dma_wait3A_314] : memref<8x32x128xf32, #tpu.memory_space<vmem>> -> memref<1x32x128xf32, #tpu.memory_space<vmem>>
      %dma_wait3A_316 = tpu.memref_squeeze %dma_wait3A_315 : memref<1x32x128xf32, #tpu.memory_space<vmem>> -> memref<32x128xf32, #tpu.memory_space<vmem>>
      %dma_wait3A_317 = arith.constant 0 : i32
      %dma_wait3A_318 = tpu.memref_slice %arg2[%dma_wait3A_317, %multiple_of3A_53] : memref<32x1000000xf32, #tpu.memory_space<hbm>> -> memref<32x128xf32, #tpu.memory_space<hbm>>
      %dma_wait3A_319 = arith.constant 0 : i32
      %dma_wait3A_320 = arith.constant 0 : i32
      %dma_wait3A_321 = tpu.memref_slice %arg10[%dma_wait3A_312, %dma_wait3A_319, %dma_wait3A_320] : memref<8x32x128xf32, #tpu.memory_space<vmem>> -> memref<1x32x128xf32, #tpu.memory_space<vmem>>
      %dma_wait3A_322 = tpu.memref_squeeze %dma_wait3A_321 : memref<1x32x128xf32, #tpu.memory_space<vmem>> -> memref<32x128xf32, #tpu.memory_space<vmem>>
      %dma_wait3A_323 = arith.constant 0 : i32
      %dma_wait3A_324 = tpu.memref_slice %arg2[%dma_wait3A_323, %multiple_of3A_53] : memref<32x1000000xf32, #tpu.memory_space<hbm>> -> memref<32x128xf32, #tpu.memory_space<hbm>>
      tpu.wait_dma2 semaphore(%arg14 : memref<!tpu.dma_semaphore, #tpu.memory_space<semaphore_mem>>) src(%dma_wait3A_324 : memref<32x128xf32, #tpu.memory_space<hbm>>) dst(%dma_wait3A_322 : memref<32x128xf32, #tpu.memory_space<vmem>>)
      %dma_wait3A_325 = arith.constant 3 : i32
      %dma_wait3A_326 = arith.constant 0 : i32
      %dma_wait3A_327 = arith.constant 0 : i32
      %dma_wait3A_328 = tpu.memref_slice %arg10[%dma_wait3A_325, %dma_wait3A_326, %dma_wait3A_327] : memref<8x32x128xf32, #tpu.memory_space<vmem>> -> memref<1x32x128xf32, #tpu.memory_space<vmem>>
      %dma_wait3A_329 = tpu.memref_squeeze %dma_wait3A_328 : memref<1x32x128xf32, #tpu.memory_space<vmem>> -> memref<32x128xf32, #tpu.memory_space<vmem>>
      %dma_wait3A_330 = arith.constant 0 : i32
      %dma_wait3A_331 = tpu.memref_slice %arg2[%dma_wait3A_330, %multiple_of3A_69] : memref<32x1000000xf32, #tpu.memory_space<hbm>> -> memref<32x128xf32, #tpu.memory_space<hbm>>
      %dma_wait3A_332 = arith.constant 0 : i32
      %dma_wait3A_333 = arith.constant 0 : i32
      %dma_wait3A_334 = tpu.memref_slice %arg10[%dma_wait3A_325, %dma_wait3A_332, %dma_wait3A_333] : memref<8x32x128xf32, #tpu.memory_space<vmem>> -> memref<1x32x128xf32, #tpu.memory_space<vmem>>
      %dma_wait3A_335 = tpu.memref_squeeze %dma_wait3A_334 : memref<1x32x128xf32, #tpu.memory_space<vmem>> -> memref<32x128xf32, #tpu.memory_space<vmem>>
      %dma_wait3A_336 = arith.constant 0 : i32
      %dma_wait3A_337 = tpu.memref_slice %arg2[%dma_wait3A_336, %multiple_of3A_69] : memref<32x1000000xf32, #tpu.memory_space<hbm>> -> memref<32x128xf32, #tpu.memory_space<hbm>>
      tpu.wait_dma2 semaphore(%arg14 : memref<!tpu.dma_semaphore, #tpu.memory_space<semaphore_mem>>) src(%dma_wait3A_337 : memref<32x128xf32, #tpu.memory_space<hbm>>) dst(%dma_wait3A_335 : memref<32x128xf32, #tpu.memory_space<vmem>>)
      %dma_wait3A_338 = arith.constant 4 : i32
      %dma_wait3A_339 = arith.constant 0 : i32
      %dma_wait3A_340 = arith.constant 0 : i32
      %dma_wait3A_341 = tpu.memref_slice %arg10[%dma_wait3A_338, %dma_wait3A_339, %dma_wait3A_340] : memref<8x32x128xf32, #tpu.memory_space<vmem>> -> memref<1x32x128xf32, #tpu.memory_space<vmem>>
      %dma_wait3A_342 = tpu.memref_squeeze %dma_wait3A_341 : memref<1x32x128xf32, #tpu.memory_space<vmem>> -> memref<32x128xf32, #tpu.memory_space<vmem>>
      %dma_wait3A_343 = arith.constant 0 : i32
      %dma_wait3A_344 = tpu.memref_slice %arg2[%dma_wait3A_343, %multiple_of3A_85] : memref<32x1000000xf32, #tpu.memory_space<hbm>> -> memref<32x128xf32, #tpu.memory_space<hbm>>
      %dma_wait3A_345 = arith.constant 0 : i32
      %dma_wait3A_346 = arith.constant 0 : i32
      %dma_wait3A_347 = tpu.memref_slice %arg10[%dma_wait3A_338, %dma_wait3A_345, %dma_wait3A_346] : memref<8x32x128xf32, #tpu.memory_space<vmem>> -> memref<1x32x128xf32, #tpu.memory_space<vmem>>
      %dma_wait3A_348 = tpu.memref_squeeze %dma_wait3A_347 : memref<1x32x128xf32, #tpu.memory_space<vmem>> -> memref<32x128xf32, #tpu.memory_space<vmem>>
      %dma_wait3A_349 = arith.constant 0 : i32
      %dma_wait3A_350 = tpu.memref_slice %arg2[%dma_wait3A_349, %multiple_of3A_85] : memref<32x1000000xf32, #tpu.memory_space<hbm>> -> memref<32x128xf32, #tpu.memory_space<hbm>>
      tpu.wait_dma2 semaphore(%arg14 : memref<!tpu.dma_semaphore, #tpu.memory_space<semaphore_mem>>) src(%dma_wait3A_350 : memref<32x128xf32, #tpu.memory_space<hbm>>) dst(%dma_wait3A_348 : memref<32x128xf32, #tpu.memory_space<vmem>>)
      %dma_wait3A_351 = arith.constant 5 : i32
      %dma_wait3A_352 = arith.constant 0 : i32
      %dma_wait3A_353 = arith.constant 0 : i32
      %dma_wait3A_354 = tpu.memref_slice %arg10[%dma_wait3A_351, %dma_wait3A_352, %dma_wait3A_353] : memref<8x32x128xf32, #tpu.memory_space<vmem>> -> memref<1x32x128xf32, #tpu.memory_space<vmem>>
      %dma_wait3A_355 = tpu.memref_squeeze %dma_wait3A_354 : memref<1x32x128xf32, #tpu.memory_space<vmem>> -> memref<32x128xf32, #tpu.memory_space<vmem>>
      %dma_wait3A_356 = arith.constant 0 : i32
      %dma_wait3A_357 = tpu.memref_slice %arg2[%dma_wait3A_356, %multiple_of3A_101] : memref<32x1000000xf32, #tpu.memory_space<hbm>> -> memref<32x128xf32, #tpu.memory_space<hbm>>
      %dma_wait3A_358 = arith.constant 0 : i32
      %dma_wait3A_359 = arith.constant 0 : i32
      %dma_wait3A_360 = tpu.memref_slice %arg10[%dma_wait3A_351, %dma_wait3A_358, %dma_wait3A_359] : memref<8x32x128xf32, #tpu.memory_space<vmem>> -> memref<1x32x128xf32, #tpu.memory_space<vmem>>
      %dma_wait3A_361 = tpu.memref_squeeze %dma_wait3A_360 : memref<1x32x128xf32, #tpu.memory_space<vmem>> -> memref<32x128xf32, #tpu.memory_space<vmem>>
      %dma_wait3A_362 = arith.constant 0 : i32
      %dma_wait3A_363 = tpu.memref_slice %arg2[%dma_wait3A_362, %multiple_of3A_101] : memref<32x1000000xf32, #tpu.memory_space<hbm>> -> memref<32x128xf32, #tpu.memory_space<hbm>>
      tpu.wait_dma2 semaphore(%arg14 : memref<!tpu.dma_semaphore, #tpu.memory_space<semaphore_mem>>) src(%dma_wait3A_363 : memref<32x128xf32, #tpu.memory_space<hbm>>) dst(%dma_wait3A_361 : memref<32x128xf32, #tpu.memory_space<vmem>>)
      %dma_wait3A_364 = arith.constant 6 : i32
      %dma_wait3A_365 = arith.constant 0 : i32
      %dma_wait3A_366 = arith.constant 0 : i32
      %dma_wait3A_367 = tpu.memref_slice %arg10[%dma_wait3A_364, %dma_wait3A_365, %dma_wait3A_366] : memref<8x32x128xf32, #tpu.memory_space<vmem>> -> memref<1x32x128xf32, #tpu.memory_space<vmem>>
      %dma_wait3A_368 = tpu.memref_squeeze %dma_wait3A_367 : memref<1x32x128xf32, #tpu.memory_space<vmem>> -> memref<32x128xf32, #tpu.memory_space<vmem>>
      %dma_wait3A_369 = arith.constant 0 : i32
      %dma_wait3A_370 = tpu.memref_slice %arg2[%dma_wait3A_369, %multiple_of3A_117] : memref<32x1000000xf32, #tpu.memory_space<hbm>> -> memref<32x128xf32, #tpu.memory_space<hbm>>
      %dma_wait3A_371 = arith.constant 0 : i32
      %dma_wait3A_372 = arith.constant 0 : i32
      %dma_wait3A_373 = tpu.memref_slice %arg10[%dma_wait3A_364, %dma_wait3A_371, %dma_wait3A_372] : memref<8x32x128xf32, #tpu.memory_space<vmem>> -> memref<1x32x128xf32, #tpu.memory_space<vmem>>
      %dma_wait3A_374 = tpu.memref_squeeze %dma_wait3A_373 : memref<1x32x128xf32, #tpu.memory_space<vmem>> -> memref<32x128xf32, #tpu.memory_space<vmem>>
      %dma_wait3A_375 = arith.constant 0 : i32
      %dma_wait3A_376 = tpu.memref_slice %arg2[%dma_wait3A_375, %multiple_of3A_117] : memref<32x1000000xf32, #tpu.memory_space<hbm>> -> memref<32x128xf32, #tpu.memory_space<hbm>>
      tpu.wait_dma2 semaphore(%arg14 : memref<!tpu.dma_semaphore, #tpu.memory_space<semaphore_mem>>) src(%dma_wait3A_376 : memref<32x128xf32, #tpu.memory_space<hbm>>) dst(%dma_wait3A_374 : memref<32x128xf32, #tpu.memory_space<vmem>>)
      %dma_wait3A_377 = arith.constant 7 : i32
      %dma_wait3A_378 = arith.constant 0 : i32
      %dma_wait3A_379 = arith.constant 0 : i32
      %dma_wait3A_380 = tpu.memref_slice %arg10[%dma_wait3A_377, %dma_wait3A_378, %dma_wait3A_379] : memref<8x32x128xf32, #tpu.memory_space<vmem>> -> memref<1x32x128xf32, #tpu.memory_space<vmem>>
      %dma_wait3A_381 = tpu.memref_squeeze %dma_wait3A_380 : memref<1x32x128xf32, #tpu.memory_space<vmem>> -> memref<32x128xf32, #tpu.memory_space<vmem>>
      %dma_wait3A_382 = arith.constant 0 : i32
      %dma_wait3A_383 = tpu.memref_slice %arg2[%dma_wait3A_382, %multiple_of3A_133] : memref<32x1000000xf32, #tpu.memory_space<hbm>> -> memref<32x128xf32, #tpu.memory_space<hbm>>
      %dma_wait3A_384 = arith.constant 0 : i32
      %dma_wait3A_385 = arith.constant 0 : i32
      %dma_wait3A_386 = tpu.memref_slice %arg10[%dma_wait3A_377, %dma_wait3A_384, %dma_wait3A_385] : memref<8x32x128xf32, #tpu.memory_space<vmem>> -> memref<1x32x128xf32, #tpu.memory_space<vmem>>
      %dma_wait3A_387 = tpu.memref_squeeze %dma_wait3A_386 : memref<1x32x128xf32, #tpu.memory_space<vmem>> -> memref<32x128xf32, #tpu.memory_space<vmem>>
      %dma_wait3A_388 = arith.constant 0 : i32
      %dma_wait3A_389 = tpu.memref_slice %arg2[%dma_wait3A_388, %multiple_of3A_133] : memref<32x1000000xf32, #tpu.memory_space<hbm>> -> memref<32x128xf32, #tpu.memory_space<hbm>>
      tpu.wait_dma2 semaphore(%arg14 : memref<!tpu.dma_semaphore, #tpu.memory_space<semaphore_mem>>) src(%dma_wait3A_389 : memref<32x128xf32, #tpu.memory_space<hbm>>) dst(%dma_wait3A_387 : memref<32x128xf32, #tpu.memory_space<vmem>>)
      %slice3A_390 = vector.extract_strided_slice %and3A_21 {offsets = [0], sizes = [1], strides = [1]} : vector<16xi32> to vector<1xi32>
      %squeeze3A_391 = vector.extract %slice3A_390[0] : i32 from vector<1xi32>
      %broadcast_in_dim3A = vector.broadcast %squeeze3A_391 : i32 to vector<16xi32>
      %add3A_392 = arith.constant 0 : i32
      %add3A_393 = arith.addi %multiple_of3A, %add3A_392 : i32
      %broadcast_in_dim3A_394 = vector.broadcast %add3A_393 : i32 to vector<16xi32>
      %gather3A = arith.constant 0 : i32
      %gather3A_395 = arith.constant 0 : i32
      %gather3A_396 = arith.constant 0 : i32
      %gather3A_397 = tpu.memref_slice %arg10[%gather3A, %gather3A_395, %gather3A_396] : memref<8x32x128xf32, #tpu.memory_space<vmem>> -> memref<1x32x128xf32, #tpu.memory_space<vmem>>
      %gather3A_398 = tpu.memref_squeeze %gather3A_397 : memref<1x32x128xf32, #tpu.memory_space<vmem>> -> memref<32x128xf32, #tpu.memory_space<vmem>>
      %gather3A_399 = tpu.vector_load_idx %gather3A_398[%iota3A, %broadcast_in_dim3A] : memref<32x128xf32, #tpu.memory_space<vmem>>[vector<16xi32>, vector<16xi32>], vector<16xf32>,
      %gather3A_400 = arith.constant 0 : i32
      %gather3A_401 = arith.constant 0 : i32
      %gather3A_402 = arith.constant 0 : i32
      %gather3A_403 = tpu.memref_slice %arg10[%gather3A_400, %gather3A_401, %gather3A_402] : memref<8x32x128xf32, #tpu.memory_space<vmem>> -> memref<1x32x128xf32, #tpu.memory_space<vmem>>
      %gather3A_404 = tpu.memref_squeeze %gather3A_403 : memref<1x32x128xf32, #tpu.memory_space<vmem>> -> memref<32x128xf32, #tpu.memory_space<vmem>>
      %gather3A_405 = tpu.vector_load_idx %gather3A_404[%add3A_286, %broadcast_in_dim3A] : memref<32x128xf32, #tpu.memory_space<vmem>>[vector<16xi32>, vector<16xi32>], vector<16xf32>,
      tpu.vector_store_idx %arg12[%iota3A, %broadcast_in_dim3A_394], %gather3A_399 : memref<32x128xf32, #tpu.memory_space<vmem>>[vector<16xi32>, vector<16xi32>], vector<16xf32>,
      tpu.vector_store_idx %arg12[%add3A_286, %broadcast_in_dim3A_394], %gather3A_405 : memref<32x128xf32, #tpu.memory_space<vmem>>[vector<16xi32>, vector<16xi32>], vector<16xf32>,
      %slice3A_406 = vector.extract_strided_slice %and3A_21 {offsets = [1], sizes = [1], strides = [1]} : vector<16xi32> to vector<1xi32>
      %squeeze3A_407 = vector.extract %slice3A_406[0] : i32 from vector<1xi32>
      %broadcast_in_dim3A_408 = vector.broadcast %squeeze3A_407 : i32 to vector<16xi32>
      %add3A_409 = arith.constant 1 : i32
      %add3A_410 = arith.addi %multiple_of3A, %add3A_409 : i32
      %broadcast_in_dim3A_411 = vector.broadcast %add3A_410 : i32 to vector<16xi32>
      %gather3A_412 = arith.constant 1 : i32
      %gather3A_413 = arith.constant 0 : i32
      %gather3A_414 = arith.constant 0 : i32
      %gather3A_415 = tpu.memref_slice %arg10[%gather3A_412, %gather3A_413, %gather3A_414] : memref<8x32x128xf32, #tpu.memory_space<vmem>> -> memref<1x32x128xf32, #tpu.memory_space<vmem>>
      %gather3A_416 = tpu.memref_squeeze %gather3A_415 : memref<1x32x128xf32, #tpu.memory_space<vmem>> -> memref<32x128xf32, #tpu.memory_space<vmem>>
      %gather3A_417 = tpu.vector_load_idx %gather3A_416[%iota3A, %broadcast_in_dim3A_408] : memref<32x128xf32, #tpu.memory_space<vmem>>[vector<16xi32>, vector<16xi32>], vector<16xf32>,
      %gather3A_418 = arith.constant 1 : i32
      %gather3A_419 = arith.constant 0 : i32
      %gather3A_420 = arith.constant 0 : i32
      %gather3A_421 = tpu.memref_slice %arg10[%gather3A_418, %gather3A_419, %gather3A_420] : memref<8x32x128xf32, #tpu.memory_space<vmem>> -> memref<1x32x128xf32, #tpu.memory_space<vmem>>
      %gather3A_422 = tpu.memref_squeeze %gather3A_421 : memref<1x32x128xf32, #tpu.memory_space<vmem>> -> memref<32x128xf32, #tpu.memory_space<vmem>>
      %gather3A_423 = tpu.vector_load_idx %gather3A_422[%add3A_286, %broadcast_in_dim3A_408] : memref<32x128xf32, #tpu.memory_space<vmem>>[vector<16xi32>, vector<16xi32>], vector<16xf32>,
      tpu.vector_store_idx %arg12[%iota3A, %broadcast_in_dim3A_411], %gather3A_417 : memref<32x128xf32, #tpu.memory_space<vmem>>[vector<16xi32>, vector<16xi32>], vector<16xf32>,
      tpu.vector_store_idx %arg12[%add3A_286, %broadcast_in_dim3A_411], %gather3A_423 : memref<32x128xf32, #tpu.memory_space<vmem>>[vector<16xi32>, vector<16xi32>], vector<16xf32>,
      %slice3A_424 = vector.extract_strided_slice %and3A_21 {offsets = [2], sizes = [1], strides = [1]} : vector<16xi32> to vector<1xi32>
      %squeeze3A_425 = vector.extract %slice3A_424[0] : i32 from vector<1xi32>
      %broadcast_in_dim3A_426 = vector.broadcast %squeeze3A_425 : i32 to vector<16xi32>
      %add3A_427 = arith.constant 2 : i32
      %add3A_428 = arith.addi %multiple_of3A, %add3A_427 : i32
      %broadcast_in_dim3A_429 = vector.broadcast %add3A_428 : i32 to vector<16xi32>
      %gather3A_430 = arith.constant 2 : i32
      %gather3A_431 = arith.constant 0 : i32
      %gather3A_432 = arith.constant 0 : i32
      %gather3A_433 = tpu.memref_slice %arg10[%gather3A_430, %gather3A_431, %gather3A_432] : memref<8x32x128xf32, #tpu.memory_space<vmem>> -> memref<1x32x128xf32, #tpu.memory_space<vmem>>
      %gather3A_434 = tpu.memref_squeeze %gather3A_433 : memref<1x32x128xf32, #tpu.memory_space<vmem>> -> memref<32x128xf32, #tpu.memory_space<vmem>>
      %gather3A_435 = tpu.vector_load_idx %gather3A_434[%iota3A, %broadcast_in_dim3A_426] : memref<32x128xf32, #tpu.memory_space<vmem>>[vector<16xi32>, vector<16xi32>], vector<16xf32>,
      %gather3A_436 = arith.constant 2 : i32
      %gather3A_437 = arith.constant 0 : i32
      %gather3A_438 = arith.constant 0 : i32
      %gather3A_439 = tpu.memref_slice %arg10[%gather3A_436, %gather3A_437, %gather3A_438] : memref<8x32x128xf32, #tpu.memory_space<vmem>> -> memref<1x32x128xf32, #tpu.memory_space<vmem>>
      %gather3A_440 = tpu.memref_squeeze %gather3A_439 : memref<1x32x128xf32, #tpu.memory_space<vmem>> -> memref<32x128xf32, #tpu.memory_space<vmem>>
      %gather3A_441 = tpu.vector_load_idx %gather3A_440[%add3A_286, %broadcast_in_dim3A_426] : memref<32x128xf32, #tpu.memory_space<vmem>>[vector<16xi32>, vector<16xi32>], vector<16xf32>,
      tpu.vector_store_idx %arg12[%iota3A, %broadcast_in_dim3A_429], %gather3A_435 : memref<32x128xf32, #tpu.memory_space<vmem>>[vector<16xi32>, vector<16xi32>], vector<16xf32>,
      tpu.vector_store_idx %arg12[%add3A_286, %broadcast_in_dim3A_429], %gather3A_441 : memref<32x128xf32, #tpu.memory_space<vmem>>[vector<16xi32>, vector<16xi32>], vector<16xf32>,
      %slice3A_442 = vector.extract_strided_slice %and3A_21 {offsets = [3], sizes = [1], strides = [1]} : vector<16xi32> to vector<1xi32>
      %squeeze3A_443 = vector.extract %slice3A_442[0] : i32 from vector<1xi32>
      %broadcast_in_dim3A_444 = vector.broadcast %squeeze3A_443 : i32 to vector<16xi32>
      %add3A_445 = arith.constant 3 : i32
      %add3A_446 = arith.addi %multiple_of3A, %add3A_445 : i32
      %broadcast_in_dim3A_447 = vector.broadcast %add3A_446 : i32 to vector<16xi32>
      %gather3A_448 = arith.constant 3 : i32
      %gather3A_449 = arith.constant 0 : i32
      %gather3A_450 = arith.constant 0 : i32
      %gather3A_451 = tpu.memref_slice %arg10[%gather3A_448, %gather3A_449, %gather3A_450] : memref<8x32x128xf32, #tpu.memory_space<vmem>> -> memref<1x32x128xf32, #tpu.memory_space<vmem>>
      %gather3A_452 = tpu.memref_squeeze %gather3A_451 : memref<1x32x128xf32, #tpu.memory_space<vmem>> -> memref<32x128xf32, #tpu.memory_space<vmem>>
      %gather3A_453 = tpu.vector_load_idx %gather3A_452[%iota3A, %broadcast_in_dim3A_444] : memref<32x128xf32, #tpu.memory_space<vmem>>[vector<16xi32>, vector<16xi32>], vector<16xf32>,
      %gather3A_454 = arith.constant 3 : i32
      %gather3A_455 = arith.constant 0 : i32
      %gather3A_456 = arith.constant 0 : i32
      %gather3A_457 = tpu.memref_slice %arg10[%gather3A_454, %gather3A_455, %gather3A_456] : memref<8x32x128xf32, #tpu.memory_space<vmem>> -> memref<1x32x128xf32, #tpu.memory_space<vmem>>
      %gather3A_458 = tpu.memref_squeeze %gather3A_457 : memref<1x32x128xf32, #tpu.memory_space<vmem>> -> memref<32x128xf32, #tpu.memory_space<vmem>>
      %gather3A_459 = tpu.vector_load_idx %gather3A_458[%add3A_286, %broadcast_in_dim3A_444] : memref<32x128xf32, #tpu.memory_space<vmem>>[vector<16xi32>, vector<16xi32>], vector<16xf32>,
      tpu.vector_store_idx %arg12[%iota3A, %broadcast_in_dim3A_447], %gather3A_453 : memref<32x128xf32, #tpu.memory_space<vmem>>[vector<16xi32>, vector<16xi32>], vector<16xf32>,
      tpu.vector_store_idx %arg12[%add3A_286, %broadcast_in_dim3A_447], %gather3A_459 : memref<32x128xf32, #tpu.memory_space<vmem>>[vector<16xi32>, vector<16xi32>], vector<16xf32>,
      %slice3A_460 = vector.extract_strided_slice %and3A_21 {offsets = [4], sizes = [1], strides = [1]} : vector<16xi32> to vector<1xi32>
      %squeeze3A_461 = vector.extract %slice3A_460[0] : i32 from vector<1xi32>
      %broadcast_in_dim3A_462 = vector.broadcast %squeeze3A_461 : i32 to vector<16xi32>
      %add3A_463 = arith.constant 4 : i32
      %add3A_464 = arith.addi %multiple_of3A, %add3A_463 : i32
      %broadcast_in_dim3A_465 = vector.broadcast %add3A_464 : i32 to vector<16xi32>
      %gather3A_466 = arith.constant 4 : i32
      %gather3A_467 = arith.constant 0 : i32
      %gather3A_468 = arith.constant 0 : i32
      %gather3A_469 = tpu.memref_slice %arg10[%gather3A_466, %gather3A_467, %gather3A_468] : memref<8x32x128xf32, #tpu.memory_space<vmem>> -> memref<1x32x128xf32, #tpu.memory_space<vmem>>
      %gather3A_470 = tpu.memref_squeeze %gather3A_469 : memref<1x32x128xf32, #tpu.memory_space<vmem>> -> memref<32x128xf32, #tpu.memory_space<vmem>>
      %gather3A_471 = tpu.vector_load_idx %gather3A_470[%iota3A, %broadcast_in_dim3A_462] : memref<32x128xf32, #tpu.memory_space<vmem>>[vector<16xi32>, vector<16xi32>], vector<16xf32>,
      %gather3A_472 = arith.constant 4 : i32
      %gather3A_473 = arith.constant 0 : i32
      %gather3A_474 = arith.constant 0 : i32
      %gather3A_475 = tpu.memref_slice %arg10[%gather3A_472, %gather3A_473, %gather3A_474] : memref<8x32x128xf32, #tpu.memory_space<vmem>> -> memref<1x32x128xf32, #tpu.memory_space<vmem>>
      %gather3A_476 = tpu.memref_squeeze %gather3A_475 : memref<1x32x128xf32, #tpu.memory_space<vmem>> -> memref<32x128xf32, #tpu.memory_space<vmem>>
      %gather3A_477 = tpu.vector_load_idx %gather3A_476[%add3A_286, %broadcast_in_dim3A_462] : memref<32x128xf32, #tpu.memory_space<vmem>>[vector<16xi32>, vector<16xi32>], vector<16xf32>,
      tpu.vector_store_idx %arg12[%iota3A, %broadcast_in_dim3A_465], %gather3A_471 : memref<32x128xf32, #tpu.memory_space<vmem>>[vector<16xi32>, vector<16xi32>], vector<16xf32>,
      tpu.vector_store_idx %arg12[%add3A_286, %broadcast_in_dim3A_465], %gather3A_477 : memref<32x128xf32, #tpu.memory_space<vmem>>[vector<16xi32>, vector<16xi32>], vector<16xf32>,
      %slice3A_478 = vector.extract_strided_slice %and3A_21 {offsets = [5], sizes = [1], strides = [1]} : vector<16xi32> to vector<1xi32>
      %squeeze3A_479 = vector.extract %slice3A_478[0] : i32 from vector<1xi32>
      %broadcast_in_dim3A_480 = vector.broadcast %squeeze3A_479 : i32 to vector<16xi32>
      %add3A_481 = arith.constant 5 : i32
      %add3A_482 = arith.addi %multiple_of3A, %add3A_481 : i32
      %broadcast_in_dim3A_483 = vector.broadcast %add3A_482 : i32 to vector<16xi32>
      %gather3A_484 = arith.constant 5 : i32
      %gather3A_485 = arith.constant 0 : i32
      %gather3A_486 = arith.constant 0 : i32
      %gather3A_487 = tpu.memref_slice %arg10[%gather3A_484, %gather3A_485, %gather3A_486] : memref<8x32x128xf32, #tpu.memory_space<vmem>> -> memref<1x32x128xf32, #tpu.memory_space<vmem>>
      %gather3A_488 = tpu.memref_squeeze %gather3A_487 : memref<1x32x128xf32, #tpu.memory_space<vmem>> -> memref<32x128xf32, #tpu.memory_space<vmem>>
      %gather3A_489 = tpu.vector_load_idx %gather3A_488[%iota3A, %broadcast_in_dim3A_480] : memref<32x128xf32, #tpu.memory_space<vmem>>[vector<16xi32>, vector<16xi32>], vector<16xf32>,
      %gather3A_490 = arith.constant 5 : i32
      %gather3A_491 = arith.constant 0 : i32
      %gather3A_492 = arith.constant 0 : i32
      %gather3A_493 = tpu.memref_slice %arg10[%gather3A_490, %gather3A_491, %gather3A_492] : memref<8x32x128xf32, #tpu.memory_space<vmem>> -> memref<1x32x128xf32, #tpu.memory_space<vmem>>
      %gather3A_494 = tpu.memref_squeeze %gather3A_493 : memref<1x32x128xf32, #tpu.memory_space<vmem>> -> memref<32x128xf32, #tpu.memory_space<vmem>>
      %gather3A_495 = tpu.vector_load_idx %gather3A_494[%add3A_286, %broadcast_in_dim3A_480] : memref<32x128xf32, #tpu.memory_space<vmem>>[vector<16xi32>, vector<16xi32>], vector<16xf32>,
      tpu.vector_store_idx %arg12[%iota3A, %broadcast_in_dim3A_483], %gather3A_489 : memref<32x128xf32, #tpu.memory_space<vmem>>[vector<16xi32>, vector<16xi32>], vector<16xf32>,
      tpu.vector_store_idx %arg12[%add3A_286, %broadcast_in_dim3A_483], %gather3A_495 : memref<32x128xf32, #tpu.memory_space<vmem>>[vector<16xi32>, vector<16xi32>], vector<16xf32>,
      %slice3A_496 = vector.extract_strided_slice %and3A_21 {offsets = [6], sizes = [1], strides = [1]} : vector<16xi32> to vector<1xi32>
      %squeeze3A_497 = vector.extract %slice3A_496[0] : i32 from vector<1xi32>
      %broadcast_in_dim3A_498 = vector.broadcast %squeeze3A_497 : i32 to vector<16xi32>
      %add3A_499 = arith.constant 6 : i32
      %add3A_500 = arith.addi %multiple_of3A, %add3A_499 : i32
      %broadcast_in_dim3A_501 = vector.broadcast %add3A_500 : i32 to vector<16xi32>
      %gather3A_502 = arith.constant 6 : i32
      %gather3A_503 = arith.constant 0 : i32
      %gather3A_504 = arith.constant 0 : i32
      %gather3A_505 = tpu.memref_slice %arg10[%gather3A_502, %gather3A_503, %gather3A_504] : memref<8x32x128xf32, #tpu.memory_space<vmem>> -> memref<1x32x128xf32, #tpu.memory_space<vmem>>
      %gather3A_506 = tpu.memref_squeeze %gather3A_505 : memref<1x32x128xf32, #tpu.memory_space<vmem>> -> memref<32x128xf32, #tpu.memory_space<vmem>>
      %gather3A_507 = tpu.vector_load_idx %gather3A_506[%iota3A, %broadcast_in_dim3A_498] : memref<32x128xf32, #tpu.memory_space<vmem>>[vector<16xi32>, vector<16xi32>], vector<16xf32>,
      %gather3A_508 = arith.constant 6 : i32
      %gather3A_509 = arith.constant 0 : i32
      %gather3A_510 = arith.constant 0 : i32
      %gather3A_511 = tpu.memref_slice %arg10[%gather3A_508, %gather3A_509, %gather3A_510] : memref<8x32x128xf32, #tpu.memory_space<vmem>> -> memref<1x32x128xf32, #tpu.memory_space<vmem>>
      %gather3A_512 = tpu.memref_squeeze %gather3A_511 : memref<1x32x128xf32, #tpu.memory_space<vmem>> -> memref<32x128xf32, #tpu.memory_space<vmem>>
      %gather3A_513 = tpu.vector_load_idx %gather3A_512[%add3A_286, %broadcast_in_dim3A_498] : memref<32x128xf32, #tpu.memory_space<vmem>>[vector<16xi32>, vector<16xi32>], vector<16xf32>,
      tpu.vector_store_idx %arg12[%iota3A, %broadcast_in_dim3A_501], %gather3A_507 : memref<32x128xf32, #tpu.memory_space<vmem>>[vector<16xi32>, vector<16xi32>], vector<16xf32>,
      tpu.vector_store_idx %arg12[%add3A_286, %broadcast_in_dim3A_501], %gather3A_513 : memref<32x128xf32, #tpu.memory_space<vmem>>[vector<16xi32>, vector<16xi32>], vector<16xf32>,
      %slice3A_514 = vector.extract_strided_slice %and3A_21 {offsets = [7], sizes = [1], strides = [1]} : vector<16xi32> to vector<1xi32>
      %squeeze3A_515 = vector.extract %slice3A_514[0] : i32 from vector<1xi32>
      %broadcast_in_dim3A_516 = vector.broadcast %squeeze3A_515 : i32 to vector<16xi32>
      %add3A_517 = arith.constant 7 : i32
      %add3A_518 = arith.addi %multiple_of3A, %add3A_517 : i32
      %broadcast_in_dim3A_519 = vector.broadcast %add3A_518 : i32 to vector<16xi32>
      %gather3A_520 = arith.constant 7 : i32
      %gather3A_521 = arith.constant 0 : i32
      %gather3A_522 = arith.constant 0 : i32
      %gather3A_523 = tpu.memref_slice %arg10[%gather3A_520, %gather3A_521, %gather3A_522] : memref<8x32x128xf32, #tpu.memory_space<vmem>> -> memref<1x32x128xf32, #tpu.memory_space<vmem>>
      %gather3A_524 = tpu.memref_squeeze %gather3A_523 : memref<1x32x128xf32, #tpu.memory_space<vmem>> -> memref<32x128xf32, #tpu.memory_space<vmem>>
      %gather3A_525 = tpu.vector_load_idx %gather3A_524[%iota3A, %broadcast_in_dim3A_516] : memref<32x128xf32, #tpu.memory_space<vmem>>[vector<16xi32>, vector<16xi32>], vector<16xf32>,
      %gather3A_526 = arith.constant 7 : i32
      %gather3A_527 = arith.constant 0 : i32
      %gather3A_528 = arith.constant 0 : i32
      %gather3A_529 = tpu.memref_slice %arg10[%gather3A_526, %gather3A_527, %gather3A_528] : memref<8x32x128xf32, #tpu.memory_space<vmem>> -> memref<1x32x128xf32, #tpu.memory_space<vmem>>
      %gather3A_530 = tpu.memref_squeeze %gather3A_529 : memref<1x32x128xf32, #tpu.memory_space<vmem>> -> memref<32x128xf32, #tpu.memory_space<vmem>>
      %gather3A_531 = tpu.vector_load_idx %gather3A_530[%add3A_286, %broadcast_in_dim3A_516] : memref<32x128xf32, #tpu.memory_space<vmem>>[vector<16xi32>, vector<16xi32>], vector<16xf32>,
      tpu.vector_store_idx %arg12[%iota3A, %broadcast_in_dim3A_519], %gather3A_525 : memref<32x128xf32, #tpu.memory_space<vmem>>[vector<16xi32>, vector<16xi32>], vector<16xf32>,
      tpu.vector_store_idx %arg12[%add3A_286, %broadcast_in_dim3A_519], %gather3A_531 : memref<32x128xf32, #tpu.memory_space<vmem>>[vector<16xi32>, vector<16xi32>], vector<16xf32>,
      %shift_right_arithmetic3A_532 = arith.constant 7 : i32
      %shift_right_arithmetic3A_533 = vector.broadcast %shift_right_arithmetic3A_532 : i32 to vector<16xi32>
      %shift_right_arithmetic3A_534 = arith.shrsi %get3A_13, %shift_right_arithmetic3A_533 : vector<16xi32>
      %shift_left3A_535 = arith.constant 7 : i32
      %shift_left3A_536 = vector.broadcast %shift_left3A_535 : i32 to vector<16xi32>
      %shift_left3A_537 = arith.shli %shift_right_arithmetic3A_534, %shift_left3A_536 : vector<16xi32>
      %and3A_538 = arith.constant 127 : i32
      %and3A_539 = vector.broadcast %and3A_538 : i32 to vector<16xi32>
      %and3A_540 = arith.andi %get3A_13, %and3A_539 : vector<16xi32>
      %slice3A_541 = vector.extract_strided_slice %shift_left3A_537 {offsets = [8], sizes = [1], strides = [1]} : vector<16xi32> to vector<1xi32>
      %squeeze3A_542 = vector.extract %slice3A_541[0] : i32 from vector<1xi32>
      %multiple_of3A_543 = tpu.assume_multiple %squeeze3A_542, 128 : i32
      %dma_start3A_544 = arith.constant 0 : i32
      %dma_start3A_545 = arith.constant 0 : i32
      %dma_start3A_546 = arith.constant 0 : i32
      %dma_start3A_547 = tpu.memref_slice %arg10[%dma_start3A_544, %dma_start3A_545, %dma_start3A_546] : memref<8x32x128xf32, #tpu.memory_space<vmem>> -> memref<1x32x128xf32, #tpu.memory_space<vmem>>
      %dma_start3A_548 = tpu.memref_squeeze %dma_start3A_547 : memref<1x32x128xf32, #tpu.memory_space<vmem>> -> memref<32x128xf32, #tpu.memory_space<vmem>>
      %dma_start3A_549 = arith.constant 0 : i32
      %dma_start3A_550 = tpu.memref_slice %arg2[%dma_start3A_549, %multiple_of3A_543] : memref<32x1000000xf32, #tpu.memory_space<hbm>> -> memref<32x128xf32, #tpu.memory_space<hbm>>
      %dma_start3A_551 = arith.constant 0 : i32
      %dma_start3A_552 = arith.constant 0 : i32
      %dma_start3A_553 = tpu.memref_slice %arg10[%dma_start3A_544, %dma_start3A_551, %dma_start3A_552] : memref<8x32x128xf32, #tpu.memory_space<vmem>> -> memref<1x32x128xf32, #tpu.memory_space<vmem>>
      %dma_start3A_554 = tpu.memref_squeeze %dma_start3A_553 : memref<1x32x128xf32, #tpu.memory_space<vmem>> -> memref<32x128xf32, #tpu.memory_space<vmem>>
      %dma_start3A_555 = arith.constant 0 : i32
      %dma_start3A_556 = tpu.memref_slice %arg2[%dma_start3A_555, %multiple_of3A_543] : memref<32x1000000xf32, #tpu.memory_space<hbm>> -> memref<32x128xf32, #tpu.memory_space<hbm>>
      tpu.enqueue_dma source(%dma_start3A_556 : memref<32x128xf32, #tpu.memory_space<hbm>>) target(%dma_start3A_554 : memref<32x128xf32, #tpu.memory_space<vmem>>) target_semaphore(%arg14 : memref<!tpu.dma_semaphore, #tpu.memory_space<semaphore_mem>>)
      %slice3A_557 = vector.extract_strided_slice %shift_left3A_537 {offsets = [9], sizes = [1], strides = [1]} : vector<16xi32> to vector<1xi32>
      %squeeze3A_558 = vector.extract %slice3A_557[0] : i32 from vector<1xi32>
      %multiple_of3A_559 = tpu.assume_multiple %squeeze3A_558, 128 : i32
      %dma_start3A_560 = arith.constant 1 : i32
      %dma_start3A_561 = arith.constant 0 : i32
      %dma_start3A_562 = arith.constant 0 : i32
      %dma_start3A_563 = tpu.memref_slice %arg10[%dma_start3A_560, %dma_start3A_561, %dma_start3A_562] : memref<8x32x128xf32, #tpu.memory_space<vmem>> -> memref<1x32x128xf32, #tpu.memory_space<vmem>>
      %dma_start3A_564 = tpu.memref_squeeze %dma_start3A_563 : memref<1x32x128xf32, #tpu.memory_space<vmem>> -> memref<32x128xf32, #tpu.memory_space<vmem>>
      %dma_start3A_565 = arith.constant 0 : i32
      %dma_start3A_566 = tpu.memref_slice %arg2[%dma_start3A_565, %multiple_of3A_559] : memref<32x1000000xf32, #tpu.memory_space<hbm>> -> memref<32x128xf32, #tpu.memory_space<hbm>>
      %dma_start3A_567 = arith.constant 0 : i32
      %dma_start3A_568 = arith.constant 0 : i32
      %dma_start3A_569 = tpu.memref_slice %arg10[%dma_start3A_560, %dma_start3A_567, %dma_start3A_568] : memref<8x32x128xf32, #tpu.memory_space<vmem>> -> memref<1x32x128xf32, #tpu.memory_space<vmem>>
      %dma_start3A_570 = tpu.memref_squeeze %dma_start3A_569 : memref<1x32x128xf32, #tpu.memory_space<vmem>> -> memref<32x128xf32, #tpu.memory_space<vmem>>
      %dma_start3A_571 = arith.constant 0 : i32
      %dma_start3A_572 = tpu.memref_slice %arg2[%dma_start3A_571, %multiple_of3A_559] : memref<32x1000000xf32, #tpu.memory_space<hbm>> -> memref<32x128xf32, #tpu.memory_space<hbm>>
      tpu.enqueue_dma source(%dma_start3A_572 : memref<32x128xf32, #tpu.memory_space<hbm>>) target(%dma_start3A_570 : memref<32x128xf32, #tpu.memory_space<vmem>>) target_semaphore(%arg14 : memref<!tpu.dma_semaphore, #tpu.memory_space<semaphore_mem>>)
      %slice3A_573 = vector.extract_strided_slice %shift_left3A_537 {offsets = [10], sizes = [1], strides = [1]} : vector<16xi32> to vector<1xi32>
      %squeeze3A_574 = vector.extract %slice3A_573[0] : i32 from vector<1xi32>
      %multiple_of3A_575 = tpu.assume_multiple %squeeze3A_574, 128 : i32
      %dma_start3A_576 = arith.constant 2 : i32
      %dma_start3A_577 = arith.constant 0 : i32
      %dma_start3A_578 = arith.constant 0 : i32
      %dma_start3A_579 = tpu.memref_slice %arg10[%dma_start3A_576, %dma_start3A_577, %dma_start3A_578] : memref<8x32x128xf32, #tpu.memory_space<vmem>> -> memref<1x32x128xf32, #tpu.memory_space<vmem>>
      %dma_start3A_580 = tpu.memref_squeeze %dma_start3A_579 : memref<1x32x128xf32, #tpu.memory_space<vmem>> -> memref<32x128xf32, #tpu.memory_space<vmem>>
      %dma_start3A_581 = arith.constant 0 : i32
      %dma_start3A_582 = tpu.memref_slice %arg2[%dma_start3A_581, %multiple_of3A_575] : memref<32x1000000xf32, #tpu.memory_space<hbm>> -> memref<32x128xf32, #tpu.memory_space<hbm>>
      %dma_start3A_583 = arith.constant 0 : i32
      %dma_start3A_584 = arith.constant 0 : i32
      %dma_start3A_585 = tpu.memref_slice %arg10[%dma_start3A_576, %dma_start3A_583, %dma_start3A_584] : memref<8x32x128xf32, #tpu.memory_space<vmem>> -> memref<1x32x128xf32, #tpu.memory_space<vmem>>
      %dma_start3A_586 = tpu.memref_squeeze %dma_start3A_585 : memref<1x32x128xf32, #tpu.memory_space<vmem>> -> memref<32x128xf32, #tpu.memory_space<vmem>>
      %dma_start3A_587 = arith.constant 0 : i32
      %dma_start3A_588 = tpu.memref_slice %arg2[%dma_start3A_587, %multiple_of3A_575] : memref<32x1000000xf32, #tpu.memory_space<hbm>> -> memref<32x128xf32, #tpu.memory_space<hbm>>
      tpu.enqueue_dma source(%dma_start3A_588 : memref<32x128xf32, #tpu.memory_space<hbm>>) target(%dma_start3A_586 : memref<32x128xf32, #tpu.memory_space<vmem>>) target_semaphore(%arg14 : memref<!tpu.dma_semaphore, #tpu.memory_space<semaphore_mem>>)
      %slice3A_589 = vector.extract_strided_slice %shift_left3A_537 {offsets = [11], sizes = [1], strides = [1]} : vector<16xi32> to vector<1xi32>
      %squeeze3A_590 = vector.extract %slice3A_589[0] : i32 from vector<1xi32>
      %multiple_of3A_591 = tpu.assume_multiple %squeeze3A_590, 128 : i32
      %dma_start3A_592 = arith.constant 3 : i32
      %dma_start3A_593 = arith.constant 0 : i32
      %dma_start3A_594 = arith.constant 0 : i32
      %dma_start3A_595 = tpu.memref_slice %arg10[%dma_start3A_592, %dma_start3A_593, %dma_start3A_594] : memref<8x32x128xf32, #tpu.memory_space<vmem>> -> memref<1x32x128xf32, #tpu.memory_space<vmem>>
      %dma_start3A_596 = tpu.memref_squeeze %dma_start3A_595 : memref<1x32x128xf32, #tpu.memory_space<vmem>> -> memref<32x128xf32, #tpu.memory_space<vmem>>
      %dma_start3A_597 = arith.constant 0 : i32
      %dma_start3A_598 = tpu.memref_slice %arg2[%dma_start3A_597, %multiple_of3A_591] : memref<32x1000000xf32, #tpu.memory_space<hbm>> -> memref<32x128xf32, #tpu.memory_space<hbm>>
      %dma_start3A_599 = arith.constant 0 : i32
      %dma_start3A_600 = arith.constant 0 : i32
      %dma_start3A_601 = tpu.memref_slice %arg10[%dma_start3A_592, %dma_start3A_599, %dma_start3A_600] : memref<8x32x128xf32, #tpu.memory_space<vmem>> -> memref<1x32x128xf32, #tpu.memory_space<vmem>>
      %dma_start3A_602 = tpu.memref_squeeze %dma_start3A_601 : memref<1x32x128xf32, #tpu.memory_space<vmem>> -> memref<32x128xf32, #tpu.memory_space<vmem>>
      %dma_start3A_603 = arith.constant 0 : i32
      %dma_start3A_604 = tpu.memref_slice %arg2[%dma_start3A_603, %multiple_of3A_591] : memref<32x1000000xf32, #tpu.memory_space<hbm>> -> memref<32x128xf32, #tpu.memory_space<hbm>>
      tpu.enqueue_dma source(%dma_start3A_604 : memref<32x128xf32, #tpu.memory_space<hbm>>) target(%dma_start3A_602 : memref<32x128xf32, #tpu.memory_space<vmem>>) target_semaphore(%arg14 : memref<!tpu.dma_semaphore, #tpu.memory_space<semaphore_mem>>)
      %slice3A_605 = vector.extract_strided_slice %shift_left3A_537 {offsets = [12], sizes = [1], strides = [1]} : vector<16xi32> to vector<1xi32>
      %squeeze3A_606 = vector.extract %slice3A_605[0] : i32 from vector<1xi32>
      %multiple_of3A_607 = tpu.assume_multiple %squeeze3A_606, 128 : i32
      %dma_start3A_608 = arith.constant 4 : i32
      %dma_start3A_609 = arith.constant 0 : i32
      %dma_start3A_610 = arith.constant 0 : i32
      %dma_start3A_611 = tpu.memref_slice %arg10[%dma_start3A_608, %dma_start3A_609, %dma_start3A_610] : memref<8x32x128xf32, #tpu.memory_space<vmem>> -> memref<1x32x128xf32, #tpu.memory_space<vmem>>
      %dma_start3A_612 = tpu.memref_squeeze %dma_start3A_611 : memref<1x32x128xf32, #tpu.memory_space<vmem>> -> memref<32x128xf32, #tpu.memory_space<vmem>>
      %dma_start3A_613 = arith.constant 0 : i32
      %dma_start3A_614 = tpu.memref_slice %arg2[%dma_start3A_613, %multiple_of3A_607] : memref<32x1000000xf32, #tpu.memory_space<hbm>> -> memref<32x128xf32, #tpu.memory_space<hbm>>
      %dma_start3A_615 = arith.constant 0 : i32
      %dma_start3A_616 = arith.constant 0 : i32
      %dma_start3A_617 = tpu.memref_slice %arg10[%dma_start3A_608, %dma_start3A_615, %dma_start3A_616] : memref<8x32x128xf32, #tpu.memory_space<vmem>> -> memref<1x32x128xf32, #tpu.memory_space<vmem>>
      %dma_start3A_618 = tpu.memref_squeeze %dma_start3A_617 : memref<1x32x128xf32, #tpu.memory_space<vmem>> -> memref<32x128xf32, #tpu.memory_space<vmem>>
      %dma_start3A_619 = arith.constant 0 : i32
      %dma_start3A_620 = tpu.memref_slice %arg2[%dma_start3A_619, %multiple_of3A_607] : memref<32x1000000xf32, #tpu.memory_space<hbm>> -> memref<32x128xf32, #tpu.memory_space<hbm>>
      tpu.enqueue_dma source(%dma_start3A_620 : memref<32x128xf32, #tpu.memory_space<hbm>>) target(%dma_start3A_618 : memref<32x128xf32, #tpu.memory_space<vmem>>) target_semaphore(%arg14 : memref<!tpu.dma_semaphore, #tpu.memory_space<semaphore_mem>>)
      %slice3A_621 = vector.extract_strided_slice %shift_left3A_537 {offsets = [13], sizes = [1], strides = [1]} : vector<16xi32> to vector<1xi32>
      %squeeze3A_622 = vector.extract %slice3A_621[0] : i32 from vector<1xi32>
      %multiple_of3A_623 = tpu.assume_multiple %squeeze3A_622, 128 : i32
      %dma_start3A_624 = arith.constant 5 : i32
      %dma_start3A_625 = arith.constant 0 : i32
      %dma_start3A_626 = arith.constant 0 : i32
      %dma_start3A_627 = tpu.memref_slice %arg10[%dma_start3A_624, %dma_start3A_625, %dma_start3A_626] : memref<8x32x128xf32, #tpu.memory_space<vmem>> -> memref<1x32x128xf32, #tpu.memory_space<vmem>>
      %dma_start3A_628 = tpu.memref_squeeze %dma_start3A_627 : memref<1x32x128xf32, #tpu.memory_space<vmem>> -> memref<32x128xf32, #tpu.memory_space<vmem>>
      %dma_start3A_629 = arith.constant 0 : i32
      %dma_start3A_630 = tpu.memref_slice %arg2[%dma_start3A_629, %multiple_of3A_623] : memref<32x1000000xf32, #tpu.memory_space<hbm>> -> memref<32x128xf32, #tpu.memory_space<hbm>>
      %dma_start3A_631 = arith.constant 0 : i32
      %dma_start3A_632 = arith.constant 0 : i32
      %dma_start3A_633 = tpu.memref_slice %arg10[%dma_start3A_624, %dma_start3A_631, %dma_start3A_632] : memref<8x32x128xf32, #tpu.memory_space<vmem>> -> memref<1x32x128xf32, #tpu.memory_space<vmem>>
      %dma_start3A_634 = tpu.memref_squeeze %dma_start3A_633 : memref<1x32x128xf32, #tpu.memory_space<vmem>> -> memref<32x128xf32, #tpu.memory_space<vmem>>
      %dma_start3A_635 = arith.constant 0 : i32
      %dma_start3A_636 = tpu.memref_slice %arg2[%dma_start3A_635, %multiple_of3A_623] : memref<32x1000000xf32, #tpu.memory_space<hbm>> -> memref<32x128xf32, #tpu.memory_space<hbm>>
      tpu.enqueue_dma source(%dma_start3A_636 : memref<32x128xf32, #tpu.memory_space<hbm>>) target(%dma_start3A_634 : memref<32x128xf32, #tpu.memory_space<vmem>>) target_semaphore(%arg14 : memref<!tpu.dma_semaphore, #tpu.memory_space<semaphore_mem>>)
      %slice3A_637 = vector.extract_strided_slice %shift_left3A_537 {offsets = [14], sizes = [1], strides = [1]} : vector<16xi32> to vector<1xi32>
      %squeeze3A_638 = vector.extract %slice3A_637[0] : i32 from vector<1xi32>
      %multiple_of3A_639 = tpu.assume_multiple %squeeze3A_638, 128 : i32
      %dma_start3A_640 = arith.constant 6 : i32
      %dma_start3A_641 = arith.constant 0 : i32
      %dma_start3A_642 = arith.constant 0 : i32
      %dma_start3A_643 = tpu.memref_slice %arg10[%dma_start3A_640, %dma_start3A_641, %dma_start3A_642] : memref<8x32x128xf32, #tpu.memory_space<vmem>> -> memref<1x32x128xf32, #tpu.memory_space<vmem>>
      %dma_start3A_644 = tpu.memref_squeeze %dma_start3A_643 : memref<1x32x128xf32, #tpu.memory_space<vmem>> -> memref<32x128xf32, #tpu.memory_space<vmem>>
      %dma_start3A_645 = arith.constant 0 : i32
      %dma_start3A_646 = tpu.memref_slice %arg2[%dma_start3A_645, %multiple_of3A_639] : memref<32x1000000xf32, #tpu.memory_space<hbm>> -> memref<32x128xf32, #tpu.memory_space<hbm>>
      %dma_start3A_647 = arith.constant 0 : i32
      %dma_start3A_648 = arith.constant 0 : i32
      %dma_start3A_649 = tpu.memref_slice %arg10[%dma_start3A_640, %dma_start3A_647, %dma_start3A_648] : memref<8x32x128xf32, #tpu.memory_space<vmem>> -> memref<1x32x128xf32, #tpu.memory_space<vmem>>
      %dma_start3A_650 = tpu.memref_squeeze %dma_start3A_649 : memref<1x32x128xf32, #tpu.memory_space<vmem>> -> memref<32x128xf32, #tpu.memory_space<vmem>>
      %dma_start3A_651 = arith.constant 0 : i32
      %dma_start3A_652 = tpu.memref_slice %arg2[%dma_start3A_651, %multiple_of3A_639] : memref<32x1000000xf32, #tpu.memory_space<hbm>> -> memref<32x128xf32, #tpu.memory_space<hbm>>
      tpu.enqueue_dma source(%dma_start3A_652 : memref<32x128xf32, #tpu.memory_space<hbm>>) target(%dma_start3A_650 : memref<32x128xf32, #tpu.memory_space<vmem>>) target_semaphore(%arg14 : memref<!tpu.dma_semaphore, #tpu.memory_space<semaphore_mem>>)
      %slice3A_653 = vector.extract_strided_slice %shift_left3A_537 {offsets = [15], sizes = [1], strides = [1]} : vector<16xi32> to vector<1xi32>
      %squeeze3A_654 = vector.extract %slice3A_653[0] : i32 from vector<1xi32>
      %multiple_of3A_655 = tpu.assume_multiple %squeeze3A_654, 128 : i32
      %dma_start3A_656 = arith.constant 7 : i32
      %dma_start3A_657 = arith.constant 0 : i32
      %dma_start3A_658 = arith.constant 0 : i32
      %dma_start3A_659 = tpu.memref_slice %arg10[%dma_start3A_656, %dma_start3A_657, %dma_start3A_658] : memref<8x32x128xf32, #tpu.memory_space<vmem>> -> memref<1x32x128xf32, #tpu.memory_space<vmem>>
      %dma_start3A_660 = tpu.memref_squeeze %dma_start3A_659 : memref<1x32x128xf32, #tpu.memory_space<vmem>> -> memref<32x128xf32, #tpu.memory_space<vmem>>
      %dma_start3A_661 = arith.constant 0 : i32
      %dma_start3A_662 = tpu.memref_slice %arg2[%dma_start3A_661, %multiple_of3A_655] : memref<32x1000000xf32, #tpu.memory_space<hbm>> -> memref<32x128xf32, #tpu.memory_space<hbm>>
      %dma_start3A_663 = arith.constant 0 : i32
      %dma_start3A_664 = arith.constant 0 : i32
      %dma_start3A_665 = tpu.memref_slice %arg10[%dma_start3A_656, %dma_start3A_663, %dma_start3A_664] : memref<8x32x128xf32, #tpu.memory_space<vmem>> -> memref<1x32x128xf32, #tpu.memory_space<vmem>>
      %dma_start3A_666 = tpu.memref_squeeze %dma_start3A_665 : memref<1x32x128xf32, #tpu.memory_space<vmem>> -> memref<32x128xf32, #tpu.memory_space<vmem>>
      %dma_start3A_667 = arith.constant 0 : i32
      %dma_start3A_668 = tpu.memref_slice %arg2[%dma_start3A_667, %multiple_of3A_655] : memref<32x1000000xf32, #tpu.memory_space<hbm>> -> memref<32x128xf32, #tpu.memory_space<hbm>>
      tpu.enqueue_dma source(%dma_start3A_668 : memref<32x128xf32, #tpu.memory_space<hbm>>) target(%dma_start3A_666 : memref<32x128xf32, #tpu.memory_space<vmem>>) target_semaphore(%arg14 : memref<!tpu.dma_semaphore, #tpu.memory_space<semaphore_mem>>)
      %iota3A_669 = tpu.iota {dimensions = array<i32: 0>} : vector<16xi32>
      %add3A_670 = arith.constant 16 : i32
      %add3A_671 = vector.broadcast %add3A_670 : i32 to vector<16xi32>
      %add3A_672 = arith.addi %iota3A_669, %add3A_671 : vector<16xi32>
      %dma_wait3A_673 = arith.constant 0 : i32
      %dma_wait3A_674 = arith.constant 0 : i32
      %dma_wait3A_675 = arith.constant 0 : i32
      %dma_wait3A_676 = tpu.memref_slice %arg11[%dma_wait3A_673, %dma_wait3A_674, %dma_wait3A_675] : memref<8x32x128xf32, #tpu.memory_space<vmem>> -> memref<1x32x128xf32, #tpu.memory_space<vmem>>
      %dma_wait3A_677 = tpu.memref_squeeze %dma_wait3A_676 : memref<1x32x128xf32, #tpu.memory_space<vmem>> -> memref<32x128xf32, #tpu.memory_space<vmem>>
      %dma_wait3A_678 = arith.constant 0 : i32
      %dma_wait3A_679 = tpu.memref_slice %arg4[%dma_wait3A_678, %multiple_of3A_158] : memref<32x1000000xf32, #tpu.memory_space<hbm>> -> memref<32x128xf32, #tpu.memory_space<hbm>>
      %dma_wait3A_680 = arith.constant 0 : i32
      %dma_wait3A_681 = arith.constant 0 : i32
      %dma_wait3A_682 = tpu.memref_slice %arg11[%dma_wait3A_673, %dma_wait3A_680, %dma_wait3A_681] : memref<8x32x128xf32, #tpu.memory_space<vmem>> -> memref<1x32x128xf32, #tpu.memory_space<vmem>>
      %dma_wait3A_683 = tpu.memref_squeeze %dma_wait3A_682 : memref<1x32x128xf32, #tpu.memory_space<vmem>> -> memref<32x128xf32, #tpu.memory_space<vmem>>
      %dma_wait3A_684 = arith.constant 0 : i32
      %dma_wait3A_685 = tpu.memref_slice %arg4[%dma_wait3A_684, %multiple_of3A_158] : memref<32x1000000xf32, #tpu.memory_space<hbm>> -> memref<32x128xf32, #tpu.memory_space<hbm>>
      tpu.wait_dma2 semaphore(%arg15 : memref<!tpu.dma_semaphore, #tpu.memory_space<semaphore_mem>>) src(%dma_wait3A_685 : memref<32x128xf32, #tpu.memory_space<hbm>>) dst(%dma_wait3A_683 : memref<32x128xf32, #tpu.memory_space<vmem>>)
      %dma_wait3A_686 = arith.constant 1 : i32
      %dma_wait3A_687 = arith.constant 0 : i32
      %dma_wait3A_688 = arith.constant 0 : i32
      %dma_wait3A_689 = tpu.memref_slice %arg11[%dma_wait3A_686, %dma_wait3A_687, %dma_wait3A_688] : memref<8x32x128xf32, #tpu.memory_space<vmem>> -> memref<1x32x128xf32, #tpu.memory_space<vmem>>
      %dma_wait3A_690 = tpu.memref_squeeze %dma_wait3A_689 : memref<1x32x128xf32, #tpu.memory_space<vmem>> -> memref<32x128xf32, #tpu.memory_space<vmem>>
      %dma_wait3A_691 = arith.constant 0 : i32
      %dma_wait3A_692 = tpu.memref_slice %arg4[%dma_wait3A_691, %multiple_of3A_174] : memref<32x1000000xf32, #tpu.memory_space<hbm>> -> memref<32x128xf32, #tpu.memory_space<hbm>>
      %dma_wait3A_693 = arith.constant 0 : i32
      %dma_wait3A_694 = arith.constant 0 : i32
      %dma_wait3A_695 = tpu.memref_slice %arg11[%dma_wait3A_686, %dma_wait3A_693, %dma_wait3A_694] : memref<8x32x128xf32, #tpu.memory_space<vmem>> -> memref<1x32x128xf32, #tpu.memory_space<vmem>>
      %dma_wait3A_696 = tpu.memref_squeeze %dma_wait3A_695 : memref<1x32x128xf32, #tpu.memory_space<vmem>> -> memref<32x128xf32, #tpu.memory_space<vmem>>
      %dma_wait3A_697 = arith.constant 0 : i32
      %dma_wait3A_698 = tpu.memref_slice %arg4[%dma_wait3A_697, %multiple_of3A_174] : memref<32x1000000xf32, #tpu.memory_space<hbm>> -> memref<32x128xf32, #tpu.memory_space<hbm>>
      tpu.wait_dma2 semaphore(%arg15 : memref<!tpu.dma_semaphore, #tpu.memory_space<semaphore_mem>>) src(%dma_wait3A_698 : memref<32x128xf32, #tpu.memory_space<hbm>>) dst(%dma_wait3A_696 : memref<32x128xf32, #tpu.memory_space<vmem>>)
      %dma_wait3A_699 = arith.constant 2 : i32
      %dma_wait3A_700 = arith.constant 0 : i32
      %dma_wait3A_701 = arith.constant 0 : i32
      %dma_wait3A_702 = tpu.memref_slice %arg11[%dma_wait3A_699, %dma_wait3A_700, %dma_wait3A_701] : memref<8x32x128xf32, #tpu.memory_space<vmem>> -> memref<1x32x128xf32, #tpu.memory_space<vmem>>
      %dma_wait3A_703 = tpu.memref_squeeze %dma_wait3A_702 : memref<1x32x128xf32, #tpu.memory_space<vmem>> -> memref<32x128xf32, #tpu.memory_space<vmem>>
      %dma_wait3A_704 = arith.constant 0 : i32
      %dma_wait3A_705 = tpu.memref_slice %arg4[%dma_wait3A_704, %multiple_of3A_190] : memref<32x1000000xf32, #tpu.memory_space<hbm>> -> memref<32x128xf32, #tpu.memory_space<hbm>>
      %dma_wait3A_706 = arith.constant 0 : i32
      %dma_wait3A_707 = arith.constant 0 : i32
      %dma_wait3A_708 = tpu.memref_slice %arg11[%dma_wait3A_699, %dma_wait3A_706, %dma_wait3A_707] : memref<8x32x128xf32, #tpu.memory_space<vmem>> -> memref<1x32x128xf32, #tpu.memory_space<vmem>>
      %dma_wait3A_709 = tpu.memref_squeeze %dma_wait3A_708 : memref<1x32x128xf32, #tpu.memory_space<vmem>> -> memref<32x128xf32, #tpu.memory_space<vmem>>
      %dma_wait3A_710 = arith.constant 0 : i32
      %dma_wait3A_711 = tpu.memref_slice %arg4[%dma_wait3A_710, %multiple_of3A_190] : memref<32x1000000xf32, #tpu.memory_space<hbm>> -> memref<32x128xf32, #tpu.memory_space<hbm>>
      tpu.wait_dma2 semaphore(%arg15 : memref<!tpu.dma_semaphore, #tpu.memory_space<semaphore_mem>>) src(%dma_wait3A_711 : memref<32x128xf32, #tpu.memory_space<hbm>>) dst(%dma_wait3A_709 : memref<32x128xf32, #tpu.memory_space<vmem>>)
      %dma_wait3A_712 = arith.constant 3 : i32
      %dma_wait3A_713 = arith.constant 0 : i32
      %dma_wait3A_714 = arith.constant 0 : i32
      %dma_wait3A_715 = tpu.memref_slice %arg11[%dma_wait3A_712, %dma_wait3A_713, %dma_wait3A_714] : memref<8x32x128xf32, #tpu.memory_space<vmem>> -> memref<1x32x128xf32, #tpu.memory_space<vmem>>
      %dma_wait3A_716 = tpu.memref_squeeze %dma_wait3A_715 : memref<1x32x128xf32, #tpu.memory_space<vmem>> -> memref<32x128xf32, #tpu.memory_space<vmem>>
      %dma_wait3A_717 = arith.constant 0 : i32
      %dma_wait3A_718 = tpu.memref_slice %arg4[%dma_wait3A_717, %multiple_of3A_206] : memref<32x1000000xf32, #tpu.memory_space<hbm>> -> memref<32x128xf32, #tpu.memory_space<hbm>>
      %dma_wait3A_719 = arith.constant 0 : i32
      %dma_wait3A_720 = arith.constant 0 : i32
      %dma_wait3A_721 = tpu.memref_slice %arg11[%dma_wait3A_712, %dma_wait3A_719, %dma_wait3A_720] : memref<8x32x128xf32, #tpu.memory_space<vmem>> -> memref<1x32x128xf32, #tpu.memory_space<vmem>>
      %dma_wait3A_722 = tpu.memref_squeeze %dma_wait3A_721 : memref<1x32x128xf32, #tpu.memory_space<vmem>> -> memref<32x128xf32, #tpu.memory_space<vmem>>
      %dma_wait3A_723 = arith.constant 0 : i32
      %dma_wait3A_724 = tpu.memref_slice %arg4[%dma_wait3A_723, %multiple_of3A_206] : memref<32x1000000xf32, #tpu.memory_space<hbm>> -> memref<32x128xf32, #tpu.memory_space<hbm>>
      tpu.wait_dma2 semaphore(%arg15 : memref<!tpu.dma_semaphore, #tpu.memory_space<semaphore_mem>>) src(%dma_wait3A_724 : memref<32x128xf32, #tpu.memory_space<hbm>>) dst(%dma_wait3A_722 : memref<32x128xf32, #tpu.memory_space<vmem>>)
      %dma_wait3A_725 = arith.constant 4 : i32
      %dma_wait3A_726 = arith.constant 0 : i32
      %dma_wait3A_727 = arith.constant 0 : i32
      %dma_wait3A_728 = tpu.memref_slice %arg11[%dma_wait3A_725, %dma_wait3A_726, %dma_wait3A_727] : memref<8x32x128xf32, #tpu.memory_space<vmem>> -> memref<1x32x128xf32, #tpu.memory_space<vmem>>
      %dma_wait3A_729 = tpu.memref_squeeze %dma_wait3A_728 : memref<1x32x128xf32, #tpu.memory_space<vmem>> -> memref<32x128xf32, #tpu.memory_space<vmem>>
      %dma_wait3A_730 = arith.constant 0 : i32
      %dma_wait3A_731 = tpu.memref_slice %arg4[%dma_wait3A_730, %multiple_of3A_222] : memref<32x1000000xf32, #tpu.memory_space<hbm>> -> memref<32x128xf32, #tpu.memory_space<hbm>>
      %dma_wait3A_732 = arith.constant 0 : i32
      %dma_wait3A_733 = arith.constant 0 : i32
      %dma_wait3A_734 = tpu.memref_slice %arg11[%dma_wait3A_725, %dma_wait3A_732, %dma_wait3A_733] : memref<8x32x128xf32, #tpu.memory_space<vmem>> -> memref<1x32x128xf32, #tpu.memory_space<vmem>>
      %dma_wait3A_735 = tpu.memref_squeeze %dma_wait3A_734 : memref<1x32x128xf32, #tpu.memory_space<vmem>> -> memref<32x128xf32, #tpu.memory_space<vmem>>
      %dma_wait3A_736 = arith.constant 0 : i32
      %dma_wait3A_737 = tpu.memref_slice %arg4[%dma_wait3A_736, %multiple_of3A_222] : memref<32x1000000xf32, #tpu.memory_space<hbm>> -> memref<32x128xf32, #tpu.memory_space<hbm>>
      tpu.wait_dma2 semaphore(%arg15 : memref<!tpu.dma_semaphore, #tpu.memory_space<semaphore_mem>>) src(%dma_wait3A_737 : memref<32x128xf32, #tpu.memory_space<hbm>>) dst(%dma_wait3A_735 : memref<32x128xf32, #tpu.memory_space<vmem>>)
      %dma_wait3A_738 = arith.constant 5 : i32
      %dma_wait3A_739 = arith.constant 0 : i32
      %dma_wait3A_740 = arith.constant 0 : i32
      %dma_wait3A_741 = tpu.memref_slice %arg11[%dma_wait3A_738, %dma_wait3A_739, %dma_wait3A_740] : memref<8x32x128xf32, #tpu.memory_space<vmem>> -> memref<1x32x128xf32, #tpu.memory_space<vmem>>
      %dma_wait3A_742 = tpu.memref_squeeze %dma_wait3A_741 : memref<1x32x128xf32, #tpu.memory_space<vmem>> -> memref<32x128xf32, #tpu.memory_space<vmem>>
      %dma_wait3A_743 = arith.constant 0 : i32
      %dma_wait3A_744 = tpu.memref_slice %arg4[%dma_wait3A_743, %multiple_of3A_238] : memref<32x1000000xf32, #tpu.memory_space<hbm>> -> memref<32x128xf32, #tpu.memory_space<hbm>>
      %dma_wait3A_745 = arith.constant 0 : i32
      %dma_wait3A_746 = arith.constant 0 : i32
      %dma_wait3A_747 = tpu.memref_slice %arg11[%dma_wait3A_738, %dma_wait3A_745, %dma_wait3A_746] : memref<8x32x128xf32, #tpu.memory_space<vmem>> -> memref<1x32x128xf32, #tpu.memory_space<vmem>>
      %dma_wait3A_748 = tpu.memref_squeeze %dma_wait3A_747 : memref<1x32x128xf32, #tpu.memory_space<vmem>> -> memref<32x128xf32, #tpu.memory_space<vmem>>
      %dma_wait3A_749 = arith.constant 0 : i32
      %dma_wait3A_750 = tpu.memref_slice %arg4[%dma_wait3A_749, %multiple_of3A_238] : memref<32x1000000xf32, #tpu.memory_space<hbm>> -> memref<32x128xf32, #tpu.memory_space<hbm>>
      tpu.wait_dma2 semaphore(%arg15 : memref<!tpu.dma_semaphore, #tpu.memory_space<semaphore_mem>>) src(%dma_wait3A_750 : memref<32x128xf32, #tpu.memory_space<hbm>>) dst(%dma_wait3A_748 : memref<32x128xf32, #tpu.memory_space<vmem>>)
      %dma_wait3A_751 = arith.constant 6 : i32
      %dma_wait3A_752 = arith.constant 0 : i32
      %dma_wait3A_753 = arith.constant 0 : i32
      %dma_wait3A_754 = tpu.memref_slice %arg11[%dma_wait3A_751, %dma_wait3A_752, %dma_wait3A_753] : memref<8x32x128xf32, #tpu.memory_space<vmem>> -> memref<1x32x128xf32, #tpu.memory_space<vmem>>
      %dma_wait3A_755 = tpu.memref_squeeze %dma_wait3A_754 : memref<1x32x128xf32, #tpu.memory_space<vmem>> -> memref<32x128xf32, #tpu.memory_space<vmem>>
      %dma_wait3A_756 = arith.constant 0 : i32
      %dma_wait3A_757 = tpu.memref_slice %arg4[%dma_wait3A_756, %multiple_of3A_254] : memref<32x1000000xf32, #tpu.memory_space<hbm>> -> memref<32x128xf32, #tpu.memory_space<hbm>>
      %dma_wait3A_758 = arith.constant 0 : i32
      %dma_wait3A_759 = arith.constant 0 : i32
      %dma_wait3A_760 = tpu.memref_slice %arg11[%dma_wait3A_751, %dma_wait3A_758, %dma_wait3A_759] : memref<8x32x128xf32, #tpu.memory_space<vmem>> -> memref<1x32x128xf32, #tpu.memory_space<vmem>>
      %dma_wait3A_761 = tpu.memref_squeeze %dma_wait3A_760 : memref<1x32x128xf32, #tpu.memory_space<vmem>> -> memref<32x128xf32, #tpu.memory_space<vmem>>
      %dma_wait3A_762 = arith.constant 0 : i32
      %dma_wait3A_763 = tpu.memref_slice %arg4[%dma_wait3A_762, %multiple_of3A_254] : memref<32x1000000xf32, #tpu.memory_space<hbm>> -> memref<32x128xf32, #tpu.memory_space<hbm>>
      tpu.wait_dma2 semaphore(%arg15 : memref<!tpu.dma_semaphore, #tpu.memory_space<semaphore_mem>>) src(%dma_wait3A_763 : memref<32x128xf32, #tpu.memory_space<hbm>>) dst(%dma_wait3A_761 : memref<32x128xf32, #tpu.memory_space<vmem>>)
      %dma_wait3A_764 = arith.constant 7 : i32
      %dma_wait3A_765 = arith.constant 0 : i32
      %dma_wait3A_766 = arith.constant 0 : i32
      %dma_wait3A_767 = tpu.memref_slice %arg11[%dma_wait3A_764, %dma_wait3A_765, %dma_wait3A_766] : memref<8x32x128xf32, #tpu.memory_space<vmem>> -> memref<1x32x128xf32, #tpu.memory_space<vmem>>
      %dma_wait3A_768 = tpu.memref_squeeze %dma_wait3A_767 : memref<1x32x128xf32, #tpu.memory_space<vmem>> -> memref<32x128xf32, #tpu.memory_space<vmem>>
      %dma_wait3A_769 = arith.constant 0 : i32
      %dma_wait3A_770 = tpu.memref_slice %arg4[%dma_wait3A_769, %multiple_of3A_270] : memref<32x1000000xf32, #tpu.memory_space<hbm>> -> memref<32x128xf32, #tpu.memory_space<hbm>>
      %dma_wait3A_771 = arith.constant 0 : i32
      %dma_wait3A_772 = arith.constant 0 : i32
      %dma_wait3A_773 = tpu.memref_slice %arg11[%dma_wait3A_764, %dma_wait3A_771, %dma_wait3A_772] : memref<8x32x128xf32, #tpu.memory_space<vmem>> -> memref<1x32x128xf32, #tpu.memory_space<vmem>>
      %dma_wait3A_774 = tpu.memref_squeeze %dma_wait3A_773 : memref<1x32x128xf32, #tpu.memory_space<vmem>> -> memref<32x128xf32, #tpu.memory_space<vmem>>
      %dma_wait3A_775 = arith.constant 0 : i32
      %dma_wait3A_776 = tpu.memref_slice %arg4[%dma_wait3A_775, %multiple_of3A_270] : memref<32x1000000xf32, #tpu.memory_space<hbm>> -> memref<32x128xf32, #tpu.memory_space<hbm>>
      tpu.wait_dma2 semaphore(%arg15 : memref<!tpu.dma_semaphore, #tpu.memory_space<semaphore_mem>>) src(%dma_wait3A_776 : memref<32x128xf32, #tpu.memory_space<hbm>>) dst(%dma_wait3A_774 : memref<32x128xf32, #tpu.memory_space<vmem>>)
      %slice3A_777 = vector.extract_strided_slice %and3A_155 {offsets = [0], sizes = [1], strides = [1]} : vector<16xi32> to vector<1xi32>
      %squeeze3A_778 = vector.extract %slice3A_777[0] : i32 from vector<1xi32>
      %broadcast_in_dim3A_779 = vector.broadcast %squeeze3A_778 : i32 to vector<16xi32>
      %add3A_780 = arith.constant 0 : i32
      %add3A_781 = arith.addi %multiple_of3A, %add3A_780 : i32
      %broadcast_in_dim3A_782 = vector.broadcast %add3A_781 : i32 to vector<16xi32>
      %gather3A_783 = arith.constant 0 : i32
      %gather3A_784 = arith.constant 0 : i32
      %gather3A_785 = arith.constant 0 : i32
      %gather3A_786 = tpu.memref_slice %arg11[%gather3A_783, %gather3A_784, %gather3A_785] : memref<8x32x128xf32, #tpu.memory_space<vmem>> -> memref<1x32x128xf32, #tpu.memory_space<vmem>>
      %gather3A_787 = tpu.memref_squeeze %gather3A_786 : memref<1x32x128xf32, #tpu.memory_space<vmem>> -> memref<32x128xf32, #tpu.memory_space<vmem>>
      %gather3A_788 = tpu.vector_load_idx %gather3A_787[%iota3A_669, %broadcast_in_dim3A_779] : memref<32x128xf32, #tpu.memory_space<vmem>>[vector<16xi32>, vector<16xi32>], vector<16xf32>,
      %gather3A_789 = arith.constant 0 : i32
      %gather3A_790 = arith.constant 0 : i32
      %gather3A_791 = arith.constant 0 : i32
      %gather3A_792 = tpu.memref_slice %arg11[%gather3A_789, %gather3A_790, %gather3A_791] : memref<8x32x128xf32, #tpu.memory_space<vmem>> -> memref<1x32x128xf32, #tpu.memory_space<vmem>>
      %gather3A_793 = tpu.memref_squeeze %gather3A_792 : memref<1x32x128xf32, #tpu.memory_space<vmem>> -> memref<32x128xf32, #tpu.memory_space<vmem>>
      %gather3A_794 = tpu.vector_load_idx %gather3A_793[%add3A_672, %broadcast_in_dim3A_779] : memref<32x128xf32, #tpu.memory_space<vmem>>[vector<16xi32>, vector<16xi32>], vector<16xf32>,
      tpu.vector_store_idx %arg13[%iota3A_669, %broadcast_in_dim3A_782], %gather3A_788 : memref<32x128xf32, #tpu.memory_space<vmem>>[vector<16xi32>, vector<16xi32>], vector<16xf32>,
      tpu.vector_store_idx %arg13[%add3A_672, %broadcast_in_dim3A_782], %gather3A_794 : memref<32x128xf32, #tpu.memory_space<vmem>>[vector<16xi32>, vector<16xi32>], vector<16xf32>,
      %slice3A_795 = vector.extract_strided_slice %and3A_155 {offsets = [1], sizes = [1], strides = [1]} : vector<16xi32> to vector<1xi32>
      %squeeze3A_796 = vector.extract %slice3A_795[0] : i32 from vector<1xi32>
      %broadcast_in_dim3A_797 = vector.broadcast %squeeze3A_796 : i32 to vector<16xi32>
      %add3A_798 = arith.constant 1 : i32
      %add3A_799 = arith.addi %multiple_of3A, %add3A_798 : i32
      %broadcast_in_dim3A_800 = vector.broadcast %add3A_799 : i32 to vector<16xi32>
      %gather3A_801 = arith.constant 1 : i32
      %gather3A_802 = arith.constant 0 : i32
      %gather3A_803 = arith.constant 0 : i32
      %gather3A_804 = tpu.memref_slice %arg11[%gather3A_801, %gather3A_802, %gather3A_803] : memref<8x32x128xf32, #tpu.memory_space<vmem>> -> memref<1x32x128xf32, #tpu.memory_space<vmem>>
      %gather3A_805 = tpu.memref_squeeze %gather3A_804 : memref<1x32x128xf32, #tpu.memory_space<vmem>> -> memref<32x128xf32, #tpu.memory_space<vmem>>
      %gather3A_806 = tpu.vector_load_idx %gather3A_805[%iota3A_669, %broadcast_in_dim3A_797] : memref<32x128xf32, #tpu.memory_space<vmem>>[vector<16xi32>, vector<16xi32>], vector<16xf32>,
      %gather3A_807 = arith.constant 1 : i32
      %gather3A_808 = arith.constant 0 : i32
      %gather3A_809 = arith.constant 0 : i32
      %gather3A_810 = tpu.memref_slice %arg11[%gather3A_807, %gather3A_808, %gather3A_809] : memref<8x32x128xf32, #tpu.memory_space<vmem>> -> memref<1x32x128xf32, #tpu.memory_space<vmem>>
      %gather3A_811 = tpu.memref_squeeze %gather3A_810 : memref<1x32x128xf32, #tpu.memory_space<vmem>> -> memref<32x128xf32, #tpu.memory_space<vmem>>
      %gather3A_812 = tpu.vector_load_idx %gather3A_811[%add3A_672, %broadcast_in_dim3A_797] : memref<32x128xf32, #tpu.memory_space<vmem>>[vector<16xi32>, vector<16xi32>], vector<16xf32>,
      tpu.vector_store_idx %arg13[%iota3A_669, %broadcast_in_dim3A_800], %gather3A_806 : memref<32x128xf32, #tpu.memory_space<vmem>>[vector<16xi32>, vector<16xi32>], vector<16xf32>,
      tpu.vector_store_idx %arg13[%add3A_672, %broadcast_in_dim3A_800], %gather3A_812 : memref<32x128xf32, #tpu.memory_space<vmem>>[vector<16xi32>, vector<16xi32>], vector<16xf32>,
      %slice3A_813 = vector.extract_strided_slice %and3A_155 {offsets = [2], sizes = [1], strides = [1]} : vector<16xi32> to vector<1xi32>
      %squeeze3A_814 = vector.extract %slice3A_813[0] : i32 from vector<1xi32>
      %broadcast_in_dim3A_815 = vector.broadcast %squeeze3A_814 : i32 to vector<16xi32>
      %add3A_816 = arith.constant 2 : i32
      %add3A_817 = arith.addi %multiple_of3A, %add3A_816 : i32
      %broadcast_in_dim3A_818 = vector.broadcast %add3A_817 : i32 to vector<16xi32>
      %gather3A_819 = arith.constant 2 : i32
      %gather3A_820 = arith.constant 0 : i32
      %gather3A_821 = arith.constant 0 : i32
      %gather3A_822 = tpu.memref_slice %arg11[%gather3A_819, %gather3A_820, %gather3A_821] : memref<8x32x128xf32, #tpu.memory_space<vmem>> -> memref<1x32x128xf32, #tpu.memory_space<vmem>>
      %gather3A_823 = tpu.memref_squeeze %gather3A_822 : memref<1x32x128xf32, #tpu.memory_space<vmem>> -> memref<32x128xf32, #tpu.memory_space<vmem>>
      %gather3A_824 = tpu.vector_load_idx %gather3A_823[%iota3A_669, %broadcast_in_dim3A_815] : memref<32x128xf32, #tpu.memory_space<vmem>>[vector<16xi32>, vector<16xi32>], vector<16xf32>,
      %gather3A_825 = arith.constant 2 : i32
      %gather3A_826 = arith.constant 0 : i32
      %gather3A_827 = arith.constant 0 : i32
      %gather3A_828 = tpu.memref_slice %arg11[%gather3A_825, %gather3A_826, %gather3A_827] : memref<8x32x128xf32, #tpu.memory_space<vmem>> -> memref<1x32x128xf32, #tpu.memory_space<vmem>>
      %gather3A_829 = tpu.memref_squeeze %gather3A_828 : memref<1x32x128xf32, #tpu.memory_space<vmem>> -> memref<32x128xf32, #tpu.memory_space<vmem>>
      %gather3A_830 = tpu.vector_load_idx %gather3A_829[%add3A_672, %broadcast_in_dim3A_815] : memref<32x128xf32, #tpu.memory_space<vmem>>[vector<16xi32>, vector<16xi32>], vector<16xf32>,
      tpu.vector_store_idx %arg13[%iota3A_669, %broadcast_in_dim3A_818], %gather3A_824 : memref<32x128xf32, #tpu.memory_space<vmem>>[vector<16xi32>, vector<16xi32>], vector<16xf32>,
      tpu.vector_store_idx %arg13[%add3A_672, %broadcast_in_dim3A_818], %gather3A_830 : memref<32x128xf32, #tpu.memory_space<vmem>>[vector<16xi32>, vector<16xi32>], vector<16xf32>,
      %slice3A_831 = vector.extract_strided_slice %and3A_155 {offsets = [3], sizes = [1], strides = [1]} : vector<16xi32> to vector<1xi32>
      %squeeze3A_832 = vector.extract %slice3A_831[0] : i32 from vector<1xi32>
      %broadcast_in_dim3A_833 = vector.broadcast %squeeze3A_832 : i32 to vector<16xi32>
      %add3A_834 = arith.constant 3 : i32
      %add3A_835 = arith.addi %multiple_of3A, %add3A_834 : i32
      %broadcast_in_dim3A_836 = vector.broadcast %add3A_835 : i32 to vector<16xi32>
      %gather3A_837 = arith.constant 3 : i32
      %gather3A_838 = arith.constant 0 : i32
      %gather3A_839 = arith.constant 0 : i32
      %gather3A_840 = tpu.memref_slice %arg11[%gather3A_837, %gather3A_838, %gather3A_839] : memref<8x32x128xf32, #tpu.memory_space<vmem>> -> memref<1x32x128xf32, #tpu.memory_space<vmem>>
      %gather3A_841 = tpu.memref_squeeze %gather3A_840 : memref<1x32x128xf32, #tpu.memory_space<vmem>> -> memref<32x128xf32, #tpu.memory_space<vmem>>
      %gather3A_842 = tpu.vector_load_idx %gather3A_841[%iota3A_669, %broadcast_in_dim3A_833] : memref<32x128xf32, #tpu.memory_space<vmem>>[vector<16xi32>, vector<16xi32>], vector<16xf32>,
      %gather3A_843 = arith.constant 3 : i32
      %gather3A_844 = arith.constant 0 : i32
      %gather3A_845 = arith.constant 0 : i32
      %gather3A_846 = tpu.memref_slice %arg11[%gather3A_843, %gather3A_844, %gather3A_845] : memref<8x32x128xf32, #tpu.memory_space<vmem>> -> memref<1x32x128xf32, #tpu.memory_space<vmem>>
      %gather3A_847 = tpu.memref_squeeze %gather3A_846 : memref<1x32x128xf32, #tpu.memory_space<vmem>> -> memref<32x128xf32, #tpu.memory_space<vmem>>
      %gather3A_848 = tpu.vector_load_idx %gather3A_847[%add3A_672, %broadcast_in_dim3A_833] : memref<32x128xf32, #tpu.memory_space<vmem>>[vector<16xi32>, vector<16xi32>], vector<16xf32>,
      tpu.vector_store_idx %arg13[%iota3A_669, %broadcast_in_dim3A_836], %gather3A_842 : memref<32x128xf32, #tpu.memory_space<vmem>>[vector<16xi32>, vector<16xi32>], vector<16xf32>,
      tpu.vector_store_idx %arg13[%add3A_672, %broadcast_in_dim3A_836], %gather3A_848 : memref<32x128xf32, #tpu.memory_space<vmem>>[vector<16xi32>, vector<16xi32>], vector<16xf32>,
      %slice3A_849 = vector.extract_strided_slice %and3A_155 {offsets = [4], sizes = [1], strides = [1]} : vector<16xi32> to vector<1xi32>
      %squeeze3A_850 = vector.extract %slice3A_849[0] : i32 from vector<1xi32>
      %broadcast_in_dim3A_851 = vector.broadcast %squeeze3A_850 : i32 to vector<16xi32>
      %add3A_852 = arith.constant 4 : i32
      %add3A_853 = arith.addi %multiple_of3A, %add3A_852 : i32
      %broadcast_in_dim3A_854 = vector.broadcast %add3A_853 : i32 to vector<16xi32>
      %gather3A_855 = arith.constant 4 : i32
      %gather3A_856 = arith.constant 0 : i32
      %gather3A_857 = arith.constant 0 : i32
      %gather3A_858 = tpu.memref_slice %arg11[%gather3A_855, %gather3A_856, %gather3A_857] : memref<8x32x128xf32, #tpu.memory_space<vmem>> -> memref<1x32x128xf32, #tpu.memory_space<vmem>>
      %gather3A_859 = tpu.memref_squeeze %gather3A_858 : memref<1x32x128xf32, #tpu.memory_space<vmem>> -> memref<32x128xf32, #tpu.memory_space<vmem>>
      %gather3A_860 = tpu.vector_load_idx %gather3A_859[%iota3A_669, %broadcast_in_dim3A_851] : memref<32x128xf32, #tpu.memory_space<vmem>>[vector<16xi32>, vector<16xi32>], vector<16xf32>,
      %gather3A_861 = arith.constant 4 : i32
      %gather3A_862 = arith.constant 0 : i32
      %gather3A_863 = arith.constant 0 : i32
      %gather3A_864 = tpu.memref_slice %arg11[%gather3A_861, %gather3A_862, %gather3A_863] : memref<8x32x128xf32, #tpu.memory_space<vmem>> -> memref<1x32x128xf32, #tpu.memory_space<vmem>>
      %gather3A_865 = tpu.memref_squeeze %gather3A_864 : memref<1x32x128xf32, #tpu.memory_space<vmem>> -> memref<32x128xf32, #tpu.memory_space<vmem>>
      %gather3A_866 = tpu.vector_load_idx %gather3A_865[%add3A_672, %broadcast_in_dim3A_851] : memref<32x128xf32, #tpu.memory_space<vmem>>[vector<16xi32>, vector<16xi32>], vector<16xf32>,
      tpu.vector_store_idx %arg13[%iota3A_669, %broadcast_in_dim3A_854], %gather3A_860 : memref<32x128xf32, #tpu.memory_space<vmem>>[vector<16xi32>, vector<16xi32>], vector<16xf32>,
      tpu.vector_store_idx %arg13[%add3A_672, %broadcast_in_dim3A_854], %gather3A_866 : memref<32x128xf32, #tpu.memory_space<vmem>>[vector<16xi32>, vector<16xi32>], vector<16xf32>,
      %slice3A_867 = vector.extract_strided_slice %and3A_155 {offsets = [5], sizes = [1], strides = [1]} : vector<16xi32> to vector<1xi32>
      %squeeze3A_868 = vector.extract %slice3A_867[0] : i32 from vector<1xi32>
      %broadcast_in_dim3A_869 = vector.broadcast %squeeze3A_868 : i32 to vector<16xi32>
      %add3A_870 = arith.constant 5 : i32
      %add3A_871 = arith.addi %multiple_of3A, %add3A_870 : i32
      %broadcast_in_dim3A_872 = vector.broadcast %add3A_871 : i32 to vector<16xi32>
      %gather3A_873 = arith.constant 5 : i32
      %gather3A_874 = arith.constant 0 : i32
      %gather3A_875 = arith.constant 0 : i32
      %gather3A_876 = tpu.memref_slice %arg11[%gather3A_873, %gather3A_874, %gather3A_875] : memref<8x32x128xf32, #tpu.memory_space<vmem>> -> memref<1x32x128xf32, #tpu.memory_space<vmem>>
      %gather3A_877 = tpu.memref_squeeze %gather3A_876 : memref<1x32x128xf32, #tpu.memory_space<vmem>> -> memref<32x128xf32, #tpu.memory_space<vmem>>
      %gather3A_878 = tpu.vector_load_idx %gather3A_877[%iota3A_669, %broadcast_in_dim3A_869] : memref<32x128xf32, #tpu.memory_space<vmem>>[vector<16xi32>, vector<16xi32>], vector<16xf32>,
      %gather3A_879 = arith.constant 5 : i32
      %gather3A_880 = arith.constant 0 : i32
      %gather3A_881 = arith.constant 0 : i32
      %gather3A_882 = tpu.memref_slice %arg11[%gather3A_879, %gather3A_880, %gather3A_881] : memref<8x32x128xf32, #tpu.memory_space<vmem>> -> memref<1x32x128xf32, #tpu.memory_space<vmem>>
      %gather3A_883 = tpu.memref_squeeze %gather3A_882 : memref<1x32x128xf32, #tpu.memory_space<vmem>> -> memref<32x128xf32, #tpu.memory_space<vmem>>
      %gather3A_884 = tpu.vector_load_idx %gather3A_883[%add3A_672, %broadcast_in_dim3A_869] : memref<32x128xf32, #tpu.memory_space<vmem>>[vector<16xi32>, vector<16xi32>], vector<16xf32>,
      tpu.vector_store_idx %arg13[%iota3A_669, %broadcast_in_dim3A_872], %gather3A_878 : memref<32x128xf32, #tpu.memory_space<vmem>>[vector<16xi32>, vector<16xi32>], vector<16xf32>,
      tpu.vector_store_idx %arg13[%add3A_672, %broadcast_in_dim3A_872], %gather3A_884 : memref<32x128xf32, #tpu.memory_space<vmem>>[vector<16xi32>, vector<16xi32>], vector<16xf32>,
      %slice3A_885 = vector.extract_strided_slice %and3A_155 {offsets = [6], sizes = [1], strides = [1]} : vector<16xi32> to vector<1xi32>
      %squeeze3A_886 = vector.extract %slice3A_885[0] : i32 from vector<1xi32>
      %broadcast_in_dim3A_887 = vector.broadcast %squeeze3A_886 : i32 to vector<16xi32>
      %add3A_888 = arith.constant 6 : i32
      %add3A_889 = arith.addi %multiple_of3A, %add3A_888 : i32
      %broadcast_in_dim3A_890 = vector.broadcast %add3A_889 : i32 to vector<16xi32>
      %gather3A_891 = arith.constant 6 : i32
      %gather3A_892 = arith.constant 0 : i32
      %gather3A_893 = arith.constant 0 : i32
      %gather3A_894 = tpu.memref_slice %arg11[%gather3A_891, %gather3A_892, %gather3A_893] : memref<8x32x128xf32, #tpu.memory_space<vmem>> -> memref<1x32x128xf32, #tpu.memory_space<vmem>>
      %gather3A_895 = tpu.memref_squeeze %gather3A_894 : memref<1x32x128xf32, #tpu.memory_space<vmem>> -> memref<32x128xf32, #tpu.memory_space<vmem>>
      %gather3A_896 = tpu.vector_load_idx %gather3A_895[%iota3A_669, %broadcast_in_dim3A_887] : memref<32x128xf32, #tpu.memory_space<vmem>>[vector<16xi32>, vector<16xi32>], vector<16xf32>,
      %gather3A_897 = arith.constant 6 : i32
      %gather3A_898 = arith.constant 0 : i32
      %gather3A_899 = arith.constant 0 : i32
      %gather3A_900 = tpu.memref_slice %arg11[%gather3A_897, %gather3A_898, %gather3A_899] : memref<8x32x128xf32, #tpu.memory_space<vmem>> -> memref<1x32x128xf32, #tpu.memory_space<vmem>>
      %gather3A_901 = tpu.memref_squeeze %gather3A_900 : memref<1x32x128xf32, #tpu.memory_space<vmem>> -> memref<32x128xf32, #tpu.memory_space<vmem>>
      %gather3A_902 = tpu.vector_load_idx %gather3A_901[%add3A_672, %broadcast_in_dim3A_887] : memref<32x128xf32, #tpu.memory_space<vmem>>[vector<16xi32>, vector<16xi32>], vector<16xf32>,
      tpu.vector_store_idx %arg13[%iota3A_669, %broadcast_in_dim3A_890], %gather3A_896 : memref<32x128xf32, #tpu.memory_space<vmem>>[vector<16xi32>, vector<16xi32>], vector<16xf32>,
      tpu.vector_store_idx %arg13[%add3A_672, %broadcast_in_dim3A_890], %gather3A_902 : memref<32x128xf32, #tpu.memory_space<vmem>>[vector<16xi32>, vector<16xi32>], vector<16xf32>,
      %slice3A_903 = vector.extract_strided_slice %and3A_155 {offsets = [7], sizes = [1], strides = [1]} : vector<16xi32> to vector<1xi32>
      %squeeze3A_904 = vector.extract %slice3A_903[0] : i32 from vector<1xi32>
      %broadcast_in_dim3A_905 = vector.broadcast %squeeze3A_904 : i32 to vector<16xi32>
      %add3A_906 = arith.constant 7 : i32
      %add3A_907 = arith.addi %multiple_of3A, %add3A_906 : i32
      %broadcast_in_dim3A_908 = vector.broadcast %add3A_907 : i32 to vector<16xi32>
      %gather3A_909 = arith.constant 7 : i32
      %gather3A_910 = arith.constant 0 : i32
      %gather3A_911 = arith.constant 0 : i32
      %gather3A_912 = tpu.memref_slice %arg11[%gather3A_909, %gather3A_910, %gather3A_911] : memref<8x32x128xf32, #tpu.memory_space<vmem>> -> memref<1x32x128xf32, #tpu.memory_space<vmem>>
      %gather3A_913 = tpu.memref_squeeze %gather3A_912 : memref<1x32x128xf32, #tpu.memory_space<vmem>> -> memref<32x128xf32, #tpu.memory_space<vmem>>
      %gather3A_914 = tpu.vector_load_idx %gather3A_913[%iota3A_669, %broadcast_in_dim3A_905] : memref<32x128xf32, #tpu.memory_space<vmem>>[vector<16xi32>, vector<16xi32>], vector<16xf32>,
      %gather3A_915 = arith.constant 7 : i32
      %gather3A_916 = arith.constant 0 : i32
      %gather3A_917 = arith.constant 0 : i32
      %gather3A_918 = tpu.memref_slice %arg11[%gather3A_915, %gather3A_916, %gather3A_917] : memref<8x32x128xf32, #tpu.memory_space<vmem>> -> memref<1x32x128xf32, #tpu.memory_space<vmem>>
      %gather3A_919 = tpu.memref_squeeze %gather3A_918 : memref<1x32x128xf32, #tpu.memory_space<vmem>> -> memref<32x128xf32, #tpu.memory_space<vmem>>
      %gather3A_920 = tpu.vector_load_idx %gather3A_919[%add3A_672, %broadcast_in_dim3A_905] : memref<32x128xf32, #tpu.memory_space<vmem>>[vector<16xi32>, vector<16xi32>], vector<16xf32>,
      tpu.vector_store_idx %arg13[%iota3A_669, %broadcast_in_dim3A_908], %gather3A_914 : memref<32x128xf32, #tpu.memory_space<vmem>>[vector<16xi32>, vector<16xi32>], vector<16xf32>,
      tpu.vector_store_idx %arg13[%add3A_672, %broadcast_in_dim3A_908], %gather3A_920 : memref<32x128xf32, #tpu.memory_space<vmem>>[vector<16xi32>, vector<16xi32>], vector<16xf32>,
      %shift_right_arithmetic3A_921 = arith.constant 7 : i32
      %shift_right_arithmetic3A_922 = vector.broadcast %shift_right_arithmetic3A_921 : i32 to vector<16xi32>
      %shift_right_arithmetic3A_923 = arith.shrsi %get3A_15, %shift_right_arithmetic3A_922 : vector<16xi32>
      %shift_left3A_924 = arith.constant 7 : i32
      %shift_left3A_925 = vector.broadcast %shift_left3A_924 : i32 to vector<16xi32>
      %shift_left3A_926 = arith.shli %shift_right_arithmetic3A_923, %shift_left3A_925 : vector<16xi32>
      %and3A_927 = arith.constant 127 : i32
      %and3A_928 = vector.broadcast %and3A_927 : i32 to vector<16xi32>
      %and3A_929 = arith.andi %get3A_15, %and3A_928 : vector<16xi32>
      %slice3A_930 = vector.extract_strided_slice %shift_left3A_926 {offsets = [8], sizes = [1], strides = [1]} : vector<16xi32> to vector<1xi32>
      %squeeze3A_931 = vector.extract %slice3A_930[0] : i32 from vector<1xi32>
      %multiple_of3A_932 = tpu.assume_multiple %squeeze3A_931, 128 : i32
      %dma_start3A_933 = arith.constant 0 : i32
      %dma_start3A_934 = arith.constant 0 : i32
      %dma_start3A_935 = arith.constant 0 : i32
      %dma_start3A_936 = tpu.memref_slice %arg11[%dma_start3A_933, %dma_start3A_934, %dma_start3A_935] : memref<8x32x128xf32, #tpu.memory_space<vmem>> -> memref<1x32x128xf32, #tpu.memory_space<vmem>>
      %dma_start3A_937 = tpu.memref_squeeze %dma_start3A_936 : memref<1x32x128xf32, #tpu.memory_space<vmem>> -> memref<32x128xf32, #tpu.memory_space<vmem>>
      %dma_start3A_938 = arith.constant 0 : i32
      %dma_start3A_939 = tpu.memref_slice %arg4[%dma_start3A_938, %multiple_of3A_932] : memref<32x1000000xf32, #tpu.memory_space<hbm>> -> memref<32x128xf32, #tpu.memory_space<hbm>>
      %dma_start3A_940 = arith.constant 0 : i32
      %dma_start3A_941 = arith.constant 0 : i32
      %dma_start3A_942 = tpu.memref_slice %arg11[%dma_start3A_933, %dma_start3A_940, %dma_start3A_941] : memref<8x32x128xf32, #tpu.memory_space<vmem>> -> memref<1x32x128xf32, #tpu.memory_space<vmem>>
      %dma_start3A_943 = tpu.memref_squeeze %dma_start3A_942 : memref<1x32x128xf32, #tpu.memory_space<vmem>> -> memref<32x128xf32, #tpu.memory_space<vmem>>
      %dma_start3A_944 = arith.constant 0 : i32
      %dma_start3A_945 = tpu.memref_slice %arg4[%dma_start3A_944, %multiple_of3A_932] : memref<32x1000000xf32, #tpu.memory_space<hbm>> -> memref<32x128xf32, #tpu.memory_space<hbm>>
      tpu.enqueue_dma source(%dma_start3A_945 : memref<32x128xf32, #tpu.memory_space<hbm>>) target(%dma_start3A_943 : memref<32x128xf32, #tpu.memory_space<vmem>>) target_semaphore(%arg15 : memref<!tpu.dma_semaphore, #tpu.memory_space<semaphore_mem>>)
      %slice3A_946 = vector.extract_strided_slice %shift_left3A_926 {offsets = [9], sizes = [1], strides = [1]} : vector<16xi32> to vector<1xi32>
      %squeeze3A_947 = vector.extract %slice3A_946[0] : i32 from vector<1xi32>
      %multiple_of3A_948 = tpu.assume_multiple %squeeze3A_947, 128 : i32
      %dma_start3A_949 = arith.constant 1 : i32
      %dma_start3A_950 = arith.constant 0 : i32
      %dma_start3A_951 = arith.constant 0 : i32
      %dma_start3A_952 = tpu.memref_slice %arg11[%dma_start3A_949, %dma_start3A_950, %dma_start3A_951] : memref<8x32x128xf32, #tpu.memory_space<vmem>> -> memref<1x32x128xf32, #tpu.memory_space<vmem>>
      %dma_start3A_953 = tpu.memref_squeeze %dma_start3A_952 : memref<1x32x128xf32, #tpu.memory_space<vmem>> -> memref<32x128xf32, #tpu.memory_space<vmem>>
      %dma_start3A_954 = arith.constant 0 : i32
      %dma_start3A_955 = tpu.memref_slice %arg4[%dma_start3A_954, %multiple_of3A_948] : memref<32x1000000xf32, #tpu.memory_space<hbm>> -> memref<32x128xf32, #tpu.memory_space<hbm>>
      %dma_start3A_956 = arith.constant 0 : i32
      %dma_start3A_957 = arith.constant 0 : i32
      %dma_start3A_958 = tpu.memref_slice %arg11[%dma_start3A_949, %dma_start3A_956, %dma_start3A_957] : memref<8x32x128xf32, #tpu.memory_space<vmem>> -> memref<1x32x128xf32, #tpu.memory_space<vmem>>
      %dma_start3A_959 = tpu.memref_squeeze %dma_start3A_958 : memref<1x32x128xf32, #tpu.memory_space<vmem>> -> memref<32x128xf32, #tpu.memory_space<vmem>>
      %dma_start3A_960 = arith.constant 0 : i32
      %dma_start3A_961 = tpu.memref_slice %arg4[%dma_start3A_960, %multiple_of3A_948] : memref<32x1000000xf32, #tpu.memory_space<hbm>> -> memref<32x128xf32, #tpu.memory_space<hbm>>
      tpu.enqueue_dma source(%dma_start3A_961 : memref<32x128xf32, #tpu.memory_space<hbm>>) target(%dma_start3A_959 : memref<32x128xf32, #tpu.memory_space<vmem>>) target_semaphore(%arg15 : memref<!tpu.dma_semaphore, #tpu.memory_space<semaphore_mem>>)
      %slice3A_962 = vector.extract_strided_slice %shift_left3A_926 {offsets = [10], sizes = [1], strides = [1]} : vector<16xi32> to vector<1xi32>
      %squeeze3A_963 = vector.extract %slice3A_962[0] : i32 from vector<1xi32>
      %multiple_of3A_964 = tpu.assume_multiple %squeeze3A_963, 128 : i32
      %dma_start3A_965 = arith.constant 2 : i32
      %dma_start3A_966 = arith.constant 0 : i32
      %dma_start3A_967 = arith.constant 0 : i32
      %dma_start3A_968 = tpu.memref_slice %arg11[%dma_start3A_965, %dma_start3A_966, %dma_start3A_967] : memref<8x32x128xf32, #tpu.memory_space<vmem>> -> memref<1x32x128xf32, #tpu.memory_space<vmem>>
      %dma_start3A_969 = tpu.memref_squeeze %dma_start3A_968 : memref<1x32x128xf32, #tpu.memory_space<vmem>> -> memref<32x128xf32, #tpu.memory_space<vmem>>
      %dma_start3A_970 = arith.constant 0 : i32
      %dma_start3A_971 = tpu.memref_slice %arg4[%dma_start3A_970, %multiple_of3A_964] : memref<32x1000000xf32, #tpu.memory_space<hbm>> -> memref<32x128xf32, #tpu.memory_space<hbm>>
      %dma_start3A_972 = arith.constant 0 : i32
      %dma_start3A_973 = arith.constant 0 : i32
      %dma_start3A_974 = tpu.memref_slice %arg11[%dma_start3A_965, %dma_start3A_972, %dma_start3A_973] : memref<8x32x128xf32, #tpu.memory_space<vmem>> -> memref<1x32x128xf32, #tpu.memory_space<vmem>>
      %dma_start3A_975 = tpu.memref_squeeze %dma_start3A_974 : memref<1x32x128xf32, #tpu.memory_space<vmem>> -> memref<32x128xf32, #tpu.memory_space<vmem>>
      %dma_start3A_976 = arith.constant 0 : i32
      %dma_start3A_977 = tpu.memref_slice %arg4[%dma_start3A_976, %multiple_of3A_964] : memref<32x1000000xf32, #tpu.memory_space<hbm>> -> memref<32x128xf32, #tpu.memory_space<hbm>>
      tpu.enqueue_dma source(%dma_start3A_977 : memref<32x128xf32, #tpu.memory_space<hbm>>) target(%dma_start3A_975 : memref<32x128xf32, #tpu.memory_space<vmem>>) target_semaphore(%arg15 : memref<!tpu.dma_semaphore, #tpu.memory_space<semaphore_mem>>)
      %slice3A_978 = vector.extract_strided_slice %shift_left3A_926 {offsets = [11], sizes = [1], strides = [1]} : vector<16xi32> to vector<1xi32>
      %squeeze3A_979 = vector.extract %slice3A_978[0] : i32 from vector<1xi32>
      %multiple_of3A_980 = tpu.assume_multiple %squeeze3A_979, 128 : i32
      %dma_start3A_981 = arith.constant 3 : i32
      %dma_start3A_982 = arith.constant 0 : i32
      %dma_start3A_983 = arith.constant 0 : i32
      %dma_start3A_984 = tpu.memref_slice %arg11[%dma_start3A_981, %dma_start3A_982, %dma_start3A_983] : memref<8x32x128xf32, #tpu.memory_space<vmem>> -> memref<1x32x128xf32, #tpu.memory_space<vmem>>
      %dma_start3A_985 = tpu.memref_squeeze %dma_start3A_984 : memref<1x32x128xf32, #tpu.memory_space<vmem>> -> memref<32x128xf32, #tpu.memory_space<vmem>>
      %dma_start3A_986 = arith.constant 0 : i32
      %dma_start3A_987 = tpu.memref_slice %arg4[%dma_start3A_986, %multiple_of3A_980] : memref<32x1000000xf32, #tpu.memory_space<hbm>> -> memref<32x128xf32, #tpu.memory_space<hbm>>
      %dma_start3A_988 = arith.constant 0 : i32
      %dma_start3A_989 = arith.constant 0 : i32
      %dma_start3A_990 = tpu.memref_slice %arg11[%dma_start3A_981, %dma_start3A_988, %dma_start3A_989] : memref<8x32x128xf32, #tpu.memory_space<vmem>> -> memref<1x32x128xf32, #tpu.memory_space<vmem>>
      %dma_start3A_991 = tpu.memref_squeeze %dma_start3A_990 : memref<1x32x128xf32, #tpu.memory_space<vmem>> -> memref<32x128xf32, #tpu.memory_space<vmem>>
      %dma_start3A_992 = arith.constant 0 : i32
      %dma_start3A_993 = tpu.memref_slice %arg4[%dma_start3A_992, %multiple_of3A_980] : memref<32x1000000xf32, #tpu.memory_space<hbm>> -> memref<32x128xf32, #tpu.memory_space<hbm>>
      tpu.enqueue_dma source(%dma_start3A_993 : memref<32x128xf32, #tpu.memory_space<hbm>>) target(%dma_start3A_991 : memref<32x128xf32, #tpu.memory_space<vmem>>) target_semaphore(%arg15 : memref<!tpu.dma_semaphore, #tpu.memory_space<semaphore_mem>>)
      %slice3A_994 = vector.extract_strided_slice %shift_left3A_926 {offsets = [12], sizes = [1], strides = [1]} : vector<16xi32> to vector<1xi32>
      %squeeze3A_995 = vector.extract %slice3A_994[0] : i32 from vector<1xi32>
      %multiple_of3A_996 = tpu.assume_multiple %squeeze3A_995, 128 : i32
      %dma_start3A_997 = arith.constant 4 : i32
      %dma_start3A_998 = arith.constant 0 : i32
      %dma_start3A_999 = arith.constant 0 : i32
      %dma_start3A_1000 = tpu.memref_slice %arg11[%dma_start3A_997, %dma_start3A_998, %dma_start3A_999] : memref<8x32x128xf32, #tpu.memory_space<vmem>> -> memref<1x32x128xf32, #tpu.memory_space<vmem>>
      %dma_start3A_1001 = tpu.memref_squeeze %dma_start3A_1000 : memref<1x32x128xf32, #tpu.memory_space<vmem>> -> memref<32x128xf32, #tpu.memory_space<vmem>>
      %dma_start3A_1002 = arith.constant 0 : i32
      %dma_start3A_1003 = tpu.memref_slice %arg4[%dma_start3A_1002, %multiple_of3A_996] : memref<32x1000000xf32, #tpu.memory_space<hbm>> -> memref<32x128xf32, #tpu.memory_space<hbm>>
      %dma_start3A_1004 = arith.constant 0 : i32
      %dma_start3A_1005 = arith.constant 0 : i32
      %dma_start3A_1006 = tpu.memref_slice %arg11[%dma_start3A_997, %dma_start3A_1004, %dma_start3A_1005] : memref<8x32x128xf32, #tpu.memory_space<vmem>> -> memref<1x32x128xf32, #tpu.memory_space<vmem>>
      %dma_start3A_1007 = tpu.memref_squeeze %dma_start3A_1006 : memref<1x32x128xf32, #tpu.memory_space<vmem>> -> memref<32x128xf32, #tpu.memory_space<vmem>>
      %dma_start3A_1008 = arith.constant 0 : i32
      %dma_start3A_1009 = tpu.memref_slice %arg4[%dma_start3A_1008, %multiple_of3A_996] : memref<32x1000000xf32, #tpu.memory_space<hbm>> -> memref<32x128xf32, #tpu.memory_space<hbm>>
      tpu.enqueue_dma source(%dma_start3A_1009 : memref<32x128xf32, #tpu.memory_space<hbm>>) target(%dma_start3A_1007 : memref<32x128xf32, #tpu.memory_space<vmem>>) target_semaphore(%arg15 : memref<!tpu.dma_semaphore, #tpu.memory_space<semaphore_mem>>)
      %slice3A_1010 = vector.extract_strided_slice %shift_left3A_926 {offsets = [13], sizes = [1], strides = [1]} : vector<16xi32> to vector<1xi32>
      %squeeze3A_1011 = vector.extract %slice3A_1010[0] : i32 from vector<1xi32>
      %multiple_of3A_1012 = tpu.assume_multiple %squeeze3A_1011, 128 : i32
      %dma_start3A_1013 = arith.constant 5 : i32
      %dma_start3A_1014 = arith.constant 0 : i32
      %dma_start3A_1015 = arith.constant 0 : i32
      %dma_start3A_1016 = tpu.memref_slice %arg11[%dma_start3A_1013, %dma_start3A_1014, %dma_start3A_1015] : memref<8x32x128xf32, #tpu.memory_space<vmem>> -> memref<1x32x128xf32, #tpu.memory_space<vmem>>
      %dma_start3A_1017 = tpu.memref_squeeze %dma_start3A_1016 : memref<1x32x128xf32, #tpu.memory_space<vmem>> -> memref<32x128xf32, #tpu.memory_space<vmem>>
      %dma_start3A_1018 = arith.constant 0 : i32
      %dma_start3A_1019 = tpu.memref_slice %arg4[%dma_start3A_1018, %multiple_of3A_1012] : memref<32x1000000xf32, #tpu.memory_space<hbm>> -> memref<32x128xf32, #tpu.memory_space<hbm>>
      %dma_start3A_1020 = arith.constant 0 : i32
      %dma_start3A_1021 = arith.constant 0 : i32
      %dma_start3A_1022 = tpu.memref_slice %arg11[%dma_start3A_1013, %dma_start3A_1020, %dma_start3A_1021] : memref<8x32x128xf32, #tpu.memory_space<vmem>> -> memref<1x32x128xf32, #tpu.memory_space<vmem>>
      %dma_start3A_1023 = tpu.memref_squeeze %dma_start3A_1022 : memref<1x32x128xf32, #tpu.memory_space<vmem>> -> memref<32x128xf32, #tpu.memory_space<vmem>>
      %dma_start3A_1024 = arith.constant 0 : i32
      %dma_start3A_1025 = tpu.memref_slice %arg4[%dma_start3A_1024, %multiple_of3A_1012] : memref<32x1000000xf32, #tpu.memory_space<hbm>> -> memref<32x128xf32, #tpu.memory_space<hbm>>
      tpu.enqueue_dma source(%dma_start3A_1025 : memref<32x128xf32, #tpu.memory_space<hbm>>) target(%dma_start3A_1023 : memref<32x128xf32, #tpu.memory_space<vmem>>) target_semaphore(%arg15 : memref<!tpu.dma_semaphore, #tpu.memory_space<semaphore_mem>>)
      %slice3A_1026 = vector.extract_strided_slice %shift_left3A_926 {offsets = [14], sizes = [1], strides = [1]} : vector<16xi32> to vector<1xi32>
      %squeeze3A_1027 = vector.extract %slice3A_1026[0] : i32 from vector<1xi32>
      %multiple_of3A_1028 = tpu.assume_multiple %squeeze3A_1027, 128 : i32
      %dma_start3A_1029 = arith.constant 6 : i32
      %dma_start3A_1030 = arith.constant 0 : i32
      %dma_start3A_1031 = arith.constant 0 : i32
      %dma_start3A_1032 = tpu.memref_slice %arg11[%dma_start3A_1029, %dma_start3A_1030, %dma_start3A_1031] : memref<8x32x128xf32, #tpu.memory_space<vmem>> -> memref<1x32x128xf32, #tpu.memory_space<vmem>>
      %dma_start3A_1033 = tpu.memref_squeeze %dma_start3A_1032 : memref<1x32x128xf32, #tpu.memory_space<vmem>> -> memref<32x128xf32, #tpu.memory_space<vmem>>
      %dma_start3A_1034 = arith.constant 0 : i32
      %dma_start3A_1035 = tpu.memref_slice %arg4[%dma_start3A_1034, %multiple_of3A_1028] : memref<32x1000000xf32, #tpu.memory_space<hbm>> -> memref<32x128xf32, #tpu.memory_space<hbm>>
      %dma_start3A_1036 = arith.constant 0 : i32
      %dma_start3A_1037 = arith.constant 0 : i32
      %dma_start3A_1038 = tpu.memref_slice %arg11[%dma_start3A_1029, %dma_start3A_1036, %dma_start3A_1037] : memref<8x32x128xf32, #tpu.memory_space<vmem>> -> memref<1x32x128xf32, #tpu.memory_space<vmem>>
      %dma_start3A_1039 = tpu.memref_squeeze %dma_start3A_1038 : memref<1x32x128xf32, #tpu.memory_space<vmem>> -> memref<32x128xf32, #tpu.memory_space<vmem>>
      %dma_start3A_1040 = arith.constant 0 : i32
      %dma_start3A_1041 = tpu.memref_slice %arg4[%dma_start3A_1040, %multiple_of3A_1028] : memref<32x1000000xf32, #tpu.memory_space<hbm>> -> memref<32x128xf32, #tpu.memory_space<hbm>>
      tpu.enqueue_dma source(%dma_start3A_1041 : memref<32x128xf32, #tpu.memory_space<hbm>>) target(%dma_start3A_1039 : memref<32x128xf32, #tpu.memory_space<vmem>>) target_semaphore(%arg15 : memref<!tpu.dma_semaphore, #tpu.memory_space<semaphore_mem>>)
      %slice3A_1042 = vector.extract_strided_slice %shift_left3A_926 {offsets = [15], sizes = [1], strides = [1]} : vector<16xi32> to vector<1xi32>
      %squeeze3A_1043 = vector.extract %slice3A_1042[0] : i32 from vector<1xi32>
      %multiple_of3A_1044 = tpu.assume_multiple %squeeze3A_1043, 128 : i32
      %dma_start3A_1045 = arith.constant 7 : i32
      %dma_start3A_1046 = arith.constant 0 : i32
      %dma_start3A_1047 = arith.constant 0 : i32
      %dma_start3A_1048 = tpu.memref_slice %arg11[%dma_start3A_1045, %dma_start3A_1046, %dma_start3A_1047] : memref<8x32x128xf32, #tpu.memory_space<vmem>> -> memref<1x32x128xf32, #tpu.memory_space<vmem>>
      %dma_start3A_1049 = tpu.memref_squeeze %dma_start3A_1048 : memref<1x32x128xf32, #tpu.memory_space<vmem>> -> memref<32x128xf32, #tpu.memory_space<vmem>>
      %dma_start3A_1050 = arith.constant 0 : i32
      %dma_start3A_1051 = tpu.memref_slice %arg4[%dma_start3A_1050, %multiple_of3A_1044] : memref<32x1000000xf32, #tpu.memory_space<hbm>> -> memref<32x128xf32, #tpu.memory_space<hbm>>
      %dma_start3A_1052 = arith.constant 0 : i32
      %dma_start3A_1053 = arith.constant 0 : i32
      %dma_start3A_1054 = tpu.memref_slice %arg11[%dma_start3A_1045, %dma_start3A_1052, %dma_start3A_1053] : memref<8x32x128xf32, #tpu.memory_space<vmem>> -> memref<1x32x128xf32, #tpu.memory_space<vmem>>
      %dma_start3A_1055 = tpu.memref_squeeze %dma_start3A_1054 : memref<1x32x128xf32, #tpu.memory_space<vmem>> -> memref<32x128xf32, #tpu.memory_space<vmem>>
      %dma_start3A_1056 = arith.constant 0 : i32
      %dma_start3A_1057 = tpu.memref_slice %arg4[%dma_start3A_1056, %multiple_of3A_1044] : memref<32x1000000xf32, #tpu.memory_space<hbm>> -> memref<32x128xf32, #tpu.memory_space<hbm>>
      tpu.enqueue_dma source(%dma_start3A_1057 : memref<32x128xf32, #tpu.memory_space<hbm>>) target(%dma_start3A_1055 : memref<32x128xf32, #tpu.memory_space<vmem>>) target_semaphore(%arg15 : memref<!tpu.dma_semaphore, #tpu.memory_space<semaphore_mem>>)
      %iota3A_1058 = tpu.iota {dimensions = array<i32: 0>} : vector<16xi32>
      %add3A_1059 = arith.constant 16 : i32
      %add3A_1060 = vector.broadcast %add3A_1059 : i32 to vector<16xi32>
      %add3A_1061 = arith.addi %iota3A_1058, %add3A_1060 : vector<16xi32>
      %dma_wait3A_1062 = arith.constant 0 : i32
      %dma_wait3A_1063 = arith.constant 0 : i32
      %dma_wait3A_1064 = arith.constant 0 : i32
      %dma_wait3A_1065 = tpu.memref_slice %arg10[%dma_wait3A_1062, %dma_wait3A_1063, %dma_wait3A_1064] : memref<8x32x128xf32, #tpu.memory_space<vmem>> -> memref<1x32x128xf32, #tpu.memory_space<vmem>>
      %dma_wait3A_1066 = tpu.memref_squeeze %dma_wait3A_1065 : memref<1x32x128xf32, #tpu.memory_space<vmem>> -> memref<32x128xf32, #tpu.memory_space<vmem>>
      %dma_wait3A_1067 = arith.constant 0 : i32
      %dma_wait3A_1068 = tpu.memref_slice %arg2[%dma_wait3A_1067, %multiple_of3A_543] : memref<32x1000000xf32, #tpu.memory_space<hbm>> -> memref<32x128xf32, #tpu.memory_space<hbm>>
      %dma_wait3A_1069 = arith.constant 0 : i32
      %dma_wait3A_1070 = arith.constant 0 : i32
      %dma_wait3A_1071 = tpu.memref_slice %arg10[%dma_wait3A_1062, %dma_wait3A_1069, %dma_wait3A_1070] : memref<8x32x128xf32, #tpu.memory_space<vmem>> -> memref<1x32x128xf32, #tpu.memory_space<vmem>>
      %dma_wait3A_1072 = tpu.memref_squeeze %dma_wait3A_1071 : memref<1x32x128xf32, #tpu.memory_space<vmem>> -> memref<32x128xf32, #tpu.memory_space<vmem>>
      %dma_wait3A_1073 = arith.constant 0 : i32
      %dma_wait3A_1074 = tpu.memref_slice %arg2[%dma_wait3A_1073, %multiple_of3A_543] : memref<32x1000000xf32, #tpu.memory_space<hbm>> -> memref<32x128xf32, #tpu.memory_space<hbm>>
      tpu.wait_dma2 semaphore(%arg14 : memref<!tpu.dma_semaphore, #tpu.memory_space<semaphore_mem>>) src(%dma_wait3A_1074 : memref<32x128xf32, #tpu.memory_space<hbm>>) dst(%dma_wait3A_1072 : memref<32x128xf32, #tpu.memory_space<vmem>>)
      %dma_wait3A_1075 = arith.constant 1 : i32
      %dma_wait3A_1076 = arith.constant 0 : i32
      %dma_wait3A_1077 = arith.constant 0 : i32
      %dma_wait3A_1078 = tpu.memref_slice %arg10[%dma_wait3A_1075, %dma_wait3A_1076, %dma_wait3A_1077] : memref<8x32x128xf32, #tpu.memory_space<vmem>> -> memref<1x32x128xf32, #tpu.memory_space<vmem>>
      %dma_wait3A_1079 = tpu.memref_squeeze %dma_wait3A_1078 : memref<1x32x128xf32, #tpu.memory_space<vmem>> -> memref<32x128xf32, #tpu.memory_space<vmem>>
      %dma_wait3A_1080 = arith.constant 0 : i32
      %dma_wait3A_1081 = tpu.memref_slice %arg2[%dma_wait3A_1080, %multiple_of3A_559] : memref<32x1000000xf32, #tpu.memory_space<hbm>> -> memref<32x128xf32, #tpu.memory_space<hbm>>
      %dma_wait3A_1082 = arith.constant 0 : i32
      %dma_wait3A_1083 = arith.constant 0 : i32
      %dma_wait3A_1084 = tpu.memref_slice %arg10[%dma_wait3A_1075, %dma_wait3A_1082, %dma_wait3A_1083] : memref<8x32x128xf32, #tpu.memory_space<vmem>> -> memref<1x32x128xf32, #tpu.memory_space<vmem>>
      %dma_wait3A_1085 = tpu.memref_squeeze %dma_wait3A_1084 : memref<1x32x128xf32, #tpu.memory_space<vmem>> -> memref<32x128xf32, #tpu.memory_space<vmem>>
      %dma_wait3A_1086 = arith.constant 0 : i32
      %dma_wait3A_1087 = tpu.memref_slice %arg2[%dma_wait3A_1086, %multiple_of3A_559] : memref<32x1000000xf32, #tpu.memory_space<hbm>> -> memref<32x128xf32, #tpu.memory_space<hbm>>
      tpu.wait_dma2 semaphore(%arg14 : memref<!tpu.dma_semaphore, #tpu.memory_space<semaphore_mem>>) src(%dma_wait3A_1087 : memref<32x128xf32, #tpu.memory_space<hbm>>) dst(%dma_wait3A_1085 : memref<32x128xf32, #tpu.memory_space<vmem>>)
      %dma_wait3A_1088 = arith.constant 2 : i32
      %dma_wait3A_1089 = arith.constant 0 : i32
      %dma_wait3A_1090 = arith.constant 0 : i32
      %dma_wait3A_1091 = tpu.memref_slice %arg10[%dma_wait3A_1088, %dma_wait3A_1089, %dma_wait3A_1090] : memref<8x32x128xf32, #tpu.memory_space<vmem>> -> memref<1x32x128xf32, #tpu.memory_space<vmem>>
      %dma_wait3A_1092 = tpu.memref_squeeze %dma_wait3A_1091 : memref<1x32x128xf32, #tpu.memory_space<vmem>> -> memref<32x128xf32, #tpu.memory_space<vmem>>
      %dma_wait3A_1093 = arith.constant 0 : i32
      %dma_wait3A_1094 = tpu.memref_slice %arg2[%dma_wait3A_1093, %multiple_of3A_575] : memref<32x1000000xf32, #tpu.memory_space<hbm>> -> memref<32x128xf32, #tpu.memory_space<hbm>>
      %dma_wait3A_1095 = arith.constant 0 : i32
      %dma_wait3A_1096 = arith.constant 0 : i32
      %dma_wait3A_1097 = tpu.memref_slice %arg10[%dma_wait3A_1088, %dma_wait3A_1095, %dma_wait3A_1096] : memref<8x32x128xf32, #tpu.memory_space<vmem>> -> memref<1x32x128xf32, #tpu.memory_space<vmem>>
      %dma_wait3A_1098 = tpu.memref_squeeze %dma_wait3A_1097 : memref<1x32x128xf32, #tpu.memory_space<vmem>> -> memref<32x128xf32, #tpu.memory_space<vmem>>
      %dma_wait3A_1099 = arith.constant 0 : i32
      %dma_wait3A_1100 = tpu.memref_slice %arg2[%dma_wait3A_1099, %multiple_of3A_575] : memref<32x1000000xf32, #tpu.memory_space<hbm>> -> memref<32x128xf32, #tpu.memory_space<hbm>>
      tpu.wait_dma2 semaphore(%arg14 : memref<!tpu.dma_semaphore, #tpu.memory_space<semaphore_mem>>) src(%dma_wait3A_1100 : memref<32x128xf32, #tpu.memory_space<hbm>>) dst(%dma_wait3A_1098 : memref<32x128xf32, #tpu.memory_space<vmem>>)
      %dma_wait3A_1101 = arith.constant 3 : i32
      %dma_wait3A_1102 = arith.constant 0 : i32
      %dma_wait3A_1103 = arith.constant 0 : i32
      %dma_wait3A_1104 = tpu.memref_slice %arg10[%dma_wait3A_1101, %dma_wait3A_1102, %dma_wait3A_1103] : memref<8x32x128xf32, #tpu.memory_space<vmem>> -> memref<1x32x128xf32, #tpu.memory_space<vmem>>
      %dma_wait3A_1105 = tpu.memref_squeeze %dma_wait3A_1104 : memref<1x32x128xf32, #tpu.memory_space<vmem>> -> memref<32x128xf32, #tpu.memory_space<vmem>>
      %dma_wait3A_1106 = arith.constant 0 : i32
      %dma_wait3A_1107 = tpu.memref_slice %arg2[%dma_wait3A_1106, %multiple_of3A_591] : memref<32x1000000xf32, #tpu.memory_space<hbm>> -> memref<32x128xf32, #tpu.memory_space<hbm>>
      %dma_wait3A_1108 = arith.constant 0 : i32
      %dma_wait3A_1109 = arith.constant 0 : i32
      %dma_wait3A_1110 = tpu.memref_slice %arg10[%dma_wait3A_1101, %dma_wait3A_1108, %dma_wait3A_1109] : memref<8x32x128xf32, #tpu.memory_space<vmem>> -> memref<1x32x128xf32, #tpu.memory_space<vmem>>
      %dma_wait3A_1111 = tpu.memref_squeeze %dma_wait3A_1110 : memref<1x32x128xf32, #tpu.memory_space<vmem>> -> memref<32x128xf32, #tpu.memory_space<vmem>>
      %dma_wait3A_1112 = arith.constant 0 : i32
      %dma_wait3A_1113 = tpu.memref_slice %arg2[%dma_wait3A_1112, %multiple_of3A_591] : memref<32x1000000xf32, #tpu.memory_space<hbm>> -> memref<32x128xf32, #tpu.memory_space<hbm>>
      tpu.wait_dma2 semaphore(%arg14 : memref<!tpu.dma_semaphore, #tpu.memory_space<semaphore_mem>>) src(%dma_wait3A_1113 : memref<32x128xf32, #tpu.memory_space<hbm>>) dst(%dma_wait3A_1111 : memref<32x128xf32, #tpu.memory_space<vmem>>)
      %dma_wait3A_1114 = arith.constant 4 : i32
      %dma_wait3A_1115 = arith.constant 0 : i32
      %dma_wait3A_1116 = arith.constant 0 : i32
      %dma_wait3A_1117 = tpu.memref_slice %arg10[%dma_wait3A_1114, %dma_wait3A_1115, %dma_wait3A_1116] : memref<8x32x128xf32, #tpu.memory_space<vmem>> -> memref<1x32x128xf32, #tpu.memory_space<vmem>>
      %dma_wait3A_1118 = tpu.memref_squeeze %dma_wait3A_1117 : memref<1x32x128xf32, #tpu.memory_space<vmem>> -> memref<32x128xf32, #tpu.memory_space<vmem>>
      %dma_wait3A_1119 = arith.constant 0 : i32
      %dma_wait3A_1120 = tpu.memref_slice %arg2[%dma_wait3A_1119, %multiple_of3A_607] : memref<32x1000000xf32, #tpu.memory_space<hbm>> -> memref<32x128xf32, #tpu.memory_space<hbm>>
      %dma_wait3A_1121 = arith.constant 0 : i32
      %dma_wait3A_1122 = arith.constant 0 : i32
      %dma_wait3A_1123 = tpu.memref_slice %arg10[%dma_wait3A_1114, %dma_wait3A_1121, %dma_wait3A_1122] : memref<8x32x128xf32, #tpu.memory_space<vmem>> -> memref<1x32x128xf32, #tpu.memory_space<vmem>>
      %dma_wait3A_1124 = tpu.memref_squeeze %dma_wait3A_1123 : memref<1x32x128xf32, #tpu.memory_space<vmem>> -> memref<32x128xf32, #tpu.memory_space<vmem>>
      %dma_wait3A_1125 = arith.constant 0 : i32
      %dma_wait3A_1126 = tpu.memref_slice %arg2[%dma_wait3A_1125, %multiple_of3A_607] : memref<32x1000000xf32, #tpu.memory_space<hbm>> -> memref<32x128xf32, #tpu.memory_space<hbm>>
      tpu.wait_dma2 semaphore(%arg14 : memref<!tpu.dma_semaphore, #tpu.memory_space<semaphore_mem>>) src(%dma_wait3A_1126 : memref<32x128xf32, #tpu.memory_space<hbm>>) dst(%dma_wait3A_1124 : memref<32x128xf32, #tpu.memory_space<vmem>>)
      %dma_wait3A_1127 = arith.constant 5 : i32
      %dma_wait3A_1128 = arith.constant 0 : i32
      %dma_wait3A_1129 = arith.constant 0 : i32
      %dma_wait3A_1130 = tpu.memref_slice %arg10[%dma_wait3A_1127, %dma_wait3A_1128, %dma_wait3A_1129] : memref<8x32x128xf32, #tpu.memory_space<vmem>> -> memref<1x32x128xf32, #tpu.memory_space<vmem>>
      %dma_wait3A_1131 = tpu.memref_squeeze %dma_wait3A_1130 : memref<1x32x128xf32, #tpu.memory_space<vmem>> -> memref<32x128xf32, #tpu.memory_space<vmem>>
      %dma_wait3A_1132 = arith.constant 0 : i32
      %dma_wait3A_1133 = tpu.memref_slice %arg2[%dma_wait3A_1132, %multiple_of3A_623] : memref<32x1000000xf32, #tpu.memory_space<hbm>> -> memref<32x128xf32, #tpu.memory_space<hbm>>
      %dma_wait3A_1134 = arith.constant 0 : i32
      %dma_wait3A_1135 = arith.constant 0 : i32
      %dma_wait3A_1136 = tpu.memref_slice %arg10[%dma_wait3A_1127, %dma_wait3A_1134, %dma_wait3A_1135] : memref<8x32x128xf32, #tpu.memory_space<vmem>> -> memref<1x32x128xf32, #tpu.memory_space<vmem>>
      %dma_wait3A_1137 = tpu.memref_squeeze %dma_wait3A_1136 : memref<1x32x128xf32, #tpu.memory_space<vmem>> -> memref<32x128xf32, #tpu.memory_space<vmem>>
      %dma_wait3A_1138 = arith.constant 0 : i32
      %dma_wait3A_1139 = tpu.memref_slice %arg2[%dma_wait3A_1138, %multiple_of3A_623] : memref<32x1000000xf32, #tpu.memory_space<hbm>> -> memref<32x128xf32, #tpu.memory_space<hbm>>
      tpu.wait_dma2 semaphore(%arg14 : memref<!tpu.dma_semaphore, #tpu.memory_space<semaphore_mem>>) src(%dma_wait3A_1139 : memref<32x128xf32, #tpu.memory_space<hbm>>) dst(%dma_wait3A_1137 : memref<32x128xf32, #tpu.memory_space<vmem>>)
      %dma_wait3A_1140 = arith.constant 6 : i32
      %dma_wait3A_1141 = arith.constant 0 : i32
      %dma_wait3A_1142 = arith.constant 0 : i32
      %dma_wait3A_1143 = tpu.memref_slice %arg10[%dma_wait3A_1140, %dma_wait3A_1141, %dma_wait3A_1142] : memref<8x32x128xf32, #tpu.memory_space<vmem>> -> memref<1x32x128xf32, #tpu.memory_space<vmem>>
      %dma_wait3A_1144 = tpu.memref_squeeze %dma_wait3A_1143 : memref<1x32x128xf32, #tpu.memory_space<vmem>> -> memref<32x128xf32, #tpu.memory_space<vmem>>
      %dma_wait3A_1145 = arith.constant 0 : i32
      %dma_wait3A_1146 = tpu.memref_slice %arg2[%dma_wait3A_1145, %multiple_of3A_639] : memref<32x1000000xf32, #tpu.memory_space<hbm>> -> memref<32x128xf32, #tpu.memory_space<hbm>>
      %dma_wait3A_1147 = arith.constant 0 : i32
      %dma_wait3A_1148 = arith.constant 0 : i32
      %dma_wait3A_1149 = tpu.memref_slice %arg10[%dma_wait3A_1140, %dma_wait3A_1147, %dma_wait3A_1148] : memref<8x32x128xf32, #tpu.memory_space<vmem>> -> memref<1x32x128xf32, #tpu.memory_space<vmem>>
      %dma_wait3A_1150 = tpu.memref_squeeze %dma_wait3A_1149 : memref<1x32x128xf32, #tpu.memory_space<vmem>> -> memref<32x128xf32, #tpu.memory_space<vmem>>
      %dma_wait3A_1151 = arith.constant 0 : i32
      %dma_wait3A_1152 = tpu.memref_slice %arg2[%dma_wait3A_1151, %multiple_of3A_639] : memref<32x1000000xf32, #tpu.memory_space<hbm>> -> memref<32x128xf32, #tpu.memory_space<hbm>>
      tpu.wait_dma2 semaphore(%arg14 : memref<!tpu.dma_semaphore, #tpu.memory_space<semaphore_mem>>) src(%dma_wait3A_1152 : memref<32x128xf32, #tpu.memory_space<hbm>>) dst(%dma_wait3A_1150 : memref<32x128xf32, #tpu.memory_space<vmem>>)
      %dma_wait3A_1153 = arith.constant 7 : i32
      %dma_wait3A_1154 = arith.constant 0 : i32
      %dma_wait3A_1155 = arith.constant 0 : i32
      %dma_wait3A_1156 = tpu.memref_slice %arg10[%dma_wait3A_1153, %dma_wait3A_1154, %dma_wait3A_1155] : memref<8x32x128xf32, #tpu.memory_space<vmem>> -> memref<1x32x128xf32, #tpu.memory_space<vmem>>
      %dma_wait3A_1157 = tpu.memref_squeeze %dma_wait3A_1156 : memref<1x32x128xf32, #tpu.memory_space<vmem>> -> memref<32x128xf32, #tpu.memory_space<vmem>>
      %dma_wait3A_1158 = arith.constant 0 : i32
      %dma_wait3A_1159 = tpu.memref_slice %arg2[%dma_wait3A_1158, %multiple_of3A_655] : memref<32x1000000xf32, #tpu.memory_space<hbm>> -> memref<32x128xf32, #tpu.memory_space<hbm>>
      %dma_wait3A_1160 = arith.constant 0 : i32
      %dma_wait3A_1161 = arith.constant 0 : i32
      %dma_wait3A_1162 = tpu.memref_slice %arg10[%dma_wait3A_1153, %dma_wait3A_1160, %dma_wait3A_1161] : memref<8x32x128xf32, #tpu.memory_space<vmem>> -> memref<1x32x128xf32, #tpu.memory_space<vmem>>
      %dma_wait3A_1163 = tpu.memref_squeeze %dma_wait3A_1162 : memref<1x32x128xf32, #tpu.memory_space<vmem>> -> memref<32x128xf32, #tpu.memory_space<vmem>>
      %dma_wait3A_1164 = arith.constant 0 : i32
      %dma_wait3A_1165 = tpu.memref_slice %arg2[%dma_wait3A_1164, %multiple_of3A_655] : memref<32x1000000xf32, #tpu.memory_space<hbm>> -> memref<32x128xf32, #tpu.memory_space<hbm>>
      tpu.wait_dma2 semaphore(%arg14 : memref<!tpu.dma_semaphore, #tpu.memory_space<semaphore_mem>>) src(%dma_wait3A_1165 : memref<32x128xf32, #tpu.memory_space<hbm>>) dst(%dma_wait3A_1163 : memref<32x128xf32, #tpu.memory_space<vmem>>)
      %slice3A_1166 = vector.extract_strided_slice %and3A_540 {offsets = [8], sizes = [1], strides = [1]} : vector<16xi32> to vector<1xi32>
      %squeeze3A_1167 = vector.extract %slice3A_1166[0] : i32 from vector<1xi32>
      %broadcast_in_dim3A_1168 = vector.broadcast %squeeze3A_1167 : i32 to vector<16xi32>
      %add3A_1169 = arith.constant 8 : i32
      %add3A_1170 = arith.addi %multiple_of3A, %add3A_1169 : i32
      %broadcast_in_dim3A_1171 = vector.broadcast %add3A_1170 : i32 to vector<16xi32>
      %gather3A_1172 = arith.constant 0 : i32
      %gather3A_1173 = arith.constant 0 : i32
      %gather3A_1174 = arith.constant 0 : i32
      %gather3A_1175 = tpu.memref_slice %arg10[%gather3A_1172, %gather3A_1173, %gather3A_1174] : memref<8x32x128xf32, #tpu.memory_space<vmem>> -> memref<1x32x128xf32, #tpu.memory_space<vmem>>
      %gather3A_1176 = tpu.memref_squeeze %gather3A_1175 : memref<1x32x128xf32, #tpu.memory_space<vmem>> -> memref<32x128xf32, #tpu.memory_space<vmem>>
      %gather3A_1177 = tpu.vector_load_idx %gather3A_1176[%iota3A_1058, %broadcast_in_dim3A_1168] : memref<32x128xf32, #tpu.memory_space<vmem>>[vector<16xi32>, vector<16xi32>], vector<16xf32>,
      %gather3A_1178 = arith.constant 0 : i32
      %gather3A_1179 = arith.constant 0 : i32
      %gather3A_1180 = arith.constant 0 : i32
      %gather3A_1181 = tpu.memref_slice %arg10[%gather3A_1178, %gather3A_1179, %gather3A_1180] : memref<8x32x128xf32, #tpu.memory_space<vmem>> -> memref<1x32x128xf32, #tpu.memory_space<vmem>>
      %gather3A_1182 = tpu.memref_squeeze %gather3A_1181 : memref<1x32x128xf32, #tpu.memory_space<vmem>> -> memref<32x128xf32, #tpu.memory_space<vmem>>
      %gather3A_1183 = tpu.vector_load_idx %gather3A_1182[%add3A_1061, %broadcast_in_dim3A_1168] : memref<32x128xf32, #tpu.memory_space<vmem>>[vector<16xi32>, vector<16xi32>], vector<16xf32>,
      tpu.vector_store_idx %arg12[%iota3A_1058, %broadcast_in_dim3A_1171], %gather3A_1177 : memref<32x128xf32, #tpu.memory_space<vmem>>[vector<16xi32>, vector<16xi32>], vector<16xf32>,
      tpu.vector_store_idx %arg12[%add3A_1061, %broadcast_in_dim3A_1171], %gather3A_1183 : memref<32x128xf32, #tpu.memory_space<vmem>>[vector<16xi32>, vector<16xi32>], vector<16xf32>,
      %slice3A_1184 = vector.extract_strided_slice %and3A_540 {offsets = [9], sizes = [1], strides = [1]} : vector<16xi32> to vector<1xi32>
      %squeeze3A_1185 = vector.extract %slice3A_1184[0] : i32 from vector<1xi32>
      %broadcast_in_dim3A_1186 = vector.broadcast %squeeze3A_1185 : i32 to vector<16xi32>
      %add3A_1187 = arith.constant 9 : i32
      %add3A_1188 = arith.addi %multiple_of3A, %add3A_1187 : i32
      %broadcast_in_dim3A_1189 = vector.broadcast %add3A_1188 : i32 to vector<16xi32>
      %gather3A_1190 = arith.constant 1 : i32
      %gather3A_1191 = arith.constant 0 : i32
      %gather3A_1192 = arith.constant 0 : i32
      %gather3A_1193 = tpu.memref_slice %arg10[%gather3A_1190, %gather3A_1191, %gather3A_1192] : memref<8x32x128xf32, #tpu.memory_space<vmem>> -> memref<1x32x128xf32, #tpu.memory_space<vmem>>
      %gather3A_1194 = tpu.memref_squeeze %gather3A_1193 : memref<1x32x128xf32, #tpu.memory_space<vmem>> -> memref<32x128xf32, #tpu.memory_space<vmem>>
      %gather3A_1195 = tpu.vector_load_idx %gather3A_1194[%iota3A_1058, %broadcast_in_dim3A_1186] : memref<32x128xf32, #tpu.memory_space<vmem>>[vector<16xi32>, vector<16xi32>], vector<16xf32>,
      %gather3A_1196 = arith.constant 1 : i32
      %gather3A_1197 = arith.constant 0 : i32
      %gather3A_1198 = arith.constant 0 : i32
      %gather3A_1199 = tpu.memref_slice %arg10[%gather3A_1196, %gather3A_1197, %gather3A_1198] : memref<8x32x128xf32, #tpu.memory_space<vmem>> -> memref<1x32x128xf32, #tpu.memory_space<vmem>>
      %gather3A_1200 = tpu.memref_squeeze %gather3A_1199 : memref<1x32x128xf32, #tpu.memory_space<vmem>> -> memref<32x128xf32, #tpu.memory_space<vmem>>
      %gather3A_1201 = tpu.vector_load_idx %gather3A_1200[%add3A_1061, %broadcast_in_dim3A_1186] : memref<32x128xf32, #tpu.memory_space<vmem>>[vector<16xi32>, vector<16xi32>], vector<16xf32>,
      tpu.vector_store_idx %arg12[%iota3A_1058, %broadcast_in_dim3A_1189], %gather3A_1195 : memref<32x128xf32, #tpu.memory_space<vmem>>[vector<16xi32>, vector<16xi32>], vector<16xf32>,
      tpu.vector_store_idx %arg12[%add3A_1061, %broadcast_in_dim3A_1189], %gather3A_1201 : memref<32x128xf32, #tpu.memory_space<vmem>>[vector<16xi32>, vector<16xi32>], vector<16xf32>,
      %slice3A_1202 = vector.extract_strided_slice %and3A_540 {offsets = [10], sizes = [1], strides = [1]} : vector<16xi32> to vector<1xi32>
      %squeeze3A_1203 = vector.extract %slice3A_1202[0] : i32 from vector<1xi32>
      %broadcast_in_dim3A_1204 = vector.broadcast %squeeze3A_1203 : i32 to vector<16xi32>
      %add3A_1205 = arith.constant 10 : i32
      %add3A_1206 = arith.addi %multiple_of3A, %add3A_1205 : i32
      %broadcast_in_dim3A_1207 = vector.broadcast %add3A_1206 : i32 to vector<16xi32>
      %gather3A_1208 = arith.constant 2 : i32
      %gather3A_1209 = arith.constant 0 : i32
      %gather3A_1210 = arith.constant 0 : i32
      %gather3A_1211 = tpu.memref_slice %arg10[%gather3A_1208, %gather3A_1209, %gather3A_1210] : memref<8x32x128xf32, #tpu.memory_space<vmem>> -> memref<1x32x128xf32, #tpu.memory_space<vmem>>
      %gather3A_1212 = tpu.memref_squeeze %gather3A_1211 : memref<1x32x128xf32, #tpu.memory_space<vmem>> -> memref<32x128xf32, #tpu.memory_space<vmem>>
      %gather3A_1213 = tpu.vector_load_idx %gather3A_1212[%iota3A_1058, %broadcast_in_dim3A_1204] : memref<32x128xf32, #tpu.memory_space<vmem>>[vector<16xi32>, vector<16xi32>], vector<16xf32>,
      %gather3A_1214 = arith.constant 2 : i32
      %gather3A_1215 = arith.constant 0 : i32
      %gather3A_1216 = arith.constant 0 : i32
      %gather3A_1217 = tpu.memref_slice %arg10[%gather3A_1214, %gather3A_1215, %gather3A_1216] : memref<8x32x128xf32, #tpu.memory_space<vmem>> -> memref<1x32x128xf32, #tpu.memory_space<vmem>>
      %gather3A_1218 = tpu.memref_squeeze %gather3A_1217 : memref<1x32x128xf32, #tpu.memory_space<vmem>> -> memref<32x128xf32, #tpu.memory_space<vmem>>
      %gather3A_1219 = tpu.vector_load_idx %gather3A_1218[%add3A_1061, %broadcast_in_dim3A_1204] : memref<32x128xf32, #tpu.memory_space<vmem>>[vector<16xi32>, vector<16xi32>], vector<16xf32>,
      tpu.vector_store_idx %arg12[%iota3A_1058, %broadcast_in_dim3A_1207], %gather3A_1213 : memref<32x128xf32, #tpu.memory_space<vmem>>[vector<16xi32>, vector<16xi32>], vector<16xf32>,
      tpu.vector_store_idx %arg12[%add3A_1061, %broadcast_in_dim3A_1207], %gather3A_1219 : memref<32x128xf32, #tpu.memory_space<vmem>>[vector<16xi32>, vector<16xi32>], vector<16xf32>,
      %slice3A_1220 = vector.extract_strided_slice %and3A_540 {offsets = [11], sizes = [1], strides = [1]} : vector<16xi32> to vector<1xi32>
      %squeeze3A_1221 = vector.extract %slice3A_1220[0] : i32 from vector<1xi32>
      %broadcast_in_dim3A_1222 = vector.broadcast %squeeze3A_1221 : i32 to vector<16xi32>
      %add3A_1223 = arith.constant 11 : i32
      %add3A_1224 = arith.addi %multiple_of3A, %add3A_1223 : i32
      %broadcast_in_dim3A_1225 = vector.broadcast %add3A_1224 : i32 to vector<16xi32>
      %gather3A_1226 = arith.constant 3 : i32
      %gather3A_1227 = arith.constant 0 : i32
      %gather3A_1228 = arith.constant 0 : i32
      %gather3A_1229 = tpu.memref_slice %arg10[%gather3A_1226, %gather3A_1227, %gather3A_1228] : memref<8x32x128xf32, #tpu.memory_space<vmem>> -> memref<1x32x128xf32, #tpu.memory_space<vmem>>
      %gather3A_1230 = tpu.memref_squeeze %gather3A_1229 : memref<1x32x128xf32, #tpu.memory_space<vmem>> -> memref<32x128xf32, #tpu.memory_space<vmem>>
      %gather3A_1231 = tpu.vector_load_idx %gather3A_1230[%iota3A_1058, %broadcast_in_dim3A_1222] : memref<32x128xf32, #tpu.memory_space<vmem>>[vector<16xi32>, vector<16xi32>], vector<16xf32>,
      %gather3A_1232 = arith.constant 3 : i32
      %gather3A_1233 = arith.constant 0 : i32
      %gather3A_1234 = arith.constant 0 : i32
      %gather3A_1235 = tpu.memref_slice %arg10[%gather3A_1232, %gather3A_1233, %gather3A_1234] : memref<8x32x128xf32, #tpu.memory_space<vmem>> -> memref<1x32x128xf32, #tpu.memory_space<vmem>>
      %gather3A_1236 = tpu.memref_squeeze %gather3A_1235 : memref<1x32x128xf32, #tpu.memory_space<vmem>> -> memref<32x128xf32, #tpu.memory_space<vmem>>
      %gather3A_1237 = tpu.vector_load_idx %gather3A_1236[%add3A_1061, %broadcast_in_dim3A_1222] : memref<32x128xf32, #tpu.memory_space<vmem>>[vector<16xi32>, vector<16xi32>], vector<16xf32>,
      tpu.vector_store_idx %arg12[%iota3A_1058, %broadcast_in_dim3A_1225], %gather3A_1231 : memref<32x128xf32, #tpu.memory_space<vmem>>[vector<16xi32>, vector<16xi32>], vector<16xf32>,
      tpu.vector_store_idx %arg12[%add3A_1061, %broadcast_in_dim3A_1225], %gather3A_1237 : memref<32x128xf32, #tpu.memory_space<vmem>>[vector<16xi32>, vector<16xi32>], vector<16xf32>,
      %slice3A_1238 = vector.extract_strided_slice %and3A_540 {offsets = [12], sizes = [1], strides = [1]} : vector<16xi32> to vector<1xi32>
      %squeeze3A_1239 = vector.extract %slice3A_1238[0] : i32 from vector<1xi32>
      %broadcast_in_dim3A_1240 = vector.broadcast %squeeze3A_1239 : i32 to vector<16xi32>
      %add3A_1241 = arith.constant 12 : i32
      %add3A_1242 = arith.addi %multiple_of3A, %add3A_1241 : i32
      %broadcast_in_dim3A_1243 = vector.broadcast %add3A_1242 : i32 to vector<16xi32>
      %gather3A_1244 = arith.constant 4 : i32
      %gather3A_1245 = arith.constant 0 : i32
      %gather3A_1246 = arith.constant 0 : i32
      %gather3A_1247 = tpu.memref_slice %arg10[%gather3A_1244, %gather3A_1245, %gather3A_1246] : memref<8x32x128xf32, #tpu.memory_space<vmem>> -> memref<1x32x128xf32, #tpu.memory_space<vmem>>
      %gather3A_1248 = tpu.memref_squeeze %gather3A_1247 : memref<1x32x128xf32, #tpu.memory_space<vmem>> -> memref<32x128xf32, #tpu.memory_space<vmem>>
      %gather3A_1249 = tpu.vector_load_idx %gather3A_1248[%iota3A_1058, %broadcast_in_dim3A_1240] : memref<32x128xf32, #tpu.memory_space<vmem>>[vector<16xi32>, vector<16xi32>], vector<16xf32>,
      %gather3A_1250 = arith.constant 4 : i32
      %gather3A_1251 = arith.constant 0 : i32
      %gather3A_1252 = arith.constant 0 : i32
      %gather3A_1253 = tpu.memref_slice %arg10[%gather3A_1250, %gather3A_1251, %gather3A_1252] : memref<8x32x128xf32, #tpu.memory_space<vmem>> -> memref<1x32x128xf32, #tpu.memory_space<vmem>>
      %gather3A_1254 = tpu.memref_squeeze %gather3A_1253 : memref<1x32x128xf32, #tpu.memory_space<vmem>> -> memref<32x128xf32, #tpu.memory_space<vmem>>
      %gather3A_1255 = tpu.vector_load_idx %gather3A_1254[%add3A_1061, %broadcast_in_dim3A_1240] : memref<32x128xf32, #tpu.memory_space<vmem>>[vector<16xi32>, vector<16xi32>], vector<16xf32>,
      tpu.vector_store_idx %arg12[%iota3A_1058, %broadcast_in_dim3A_1243], %gather3A_1249 : memref<32x128xf32, #tpu.memory_space<vmem>>[vector<16xi32>, vector<16xi32>], vector<16xf32>,
      tpu.vector_store_idx %arg12[%add3A_1061, %broadcast_in_dim3A_1243], %gather3A_1255 : memref<32x128xf32, #tpu.memory_space<vmem>>[vector<16xi32>, vector<16xi32>], vector<16xf32>,
      %slice3A_1256 = vector.extract_strided_slice %and3A_540 {offsets = [13], sizes = [1], strides = [1]} : vector<16xi32> to vector<1xi32>
      %squeeze3A_1257 = vector.extract %slice3A_1256[0] : i32 from vector<1xi32>
      %broadcast_in_dim3A_1258 = vector.broadcast %squeeze3A_1257 : i32 to vector<16xi32>
      %add3A_1259 = arith.constant 13 : i32
      %add3A_1260 = arith.addi %multiple_of3A, %add3A_1259 : i32
      %broadcast_in_dim3A_1261 = vector.broadcast %add3A_1260 : i32 to vector<16xi32>
      %gather3A_1262 = arith.constant 5 : i32
      %gather3A_1263 = arith.constant 0 : i32
      %gather3A_1264 = arith.constant 0 : i32
      %gather3A_1265 = tpu.memref_slice %arg10[%gather3A_1262, %gather3A_1263, %gather3A_1264] : memref<8x32x128xf32, #tpu.memory_space<vmem>> -> memref<1x32x128xf32, #tpu.memory_space<vmem>>
      %gather3A_1266 = tpu.memref_squeeze %gather3A_1265 : memref<1x32x128xf32, #tpu.memory_space<vmem>> -> memref<32x128xf32, #tpu.memory_space<vmem>>
      %gather3A_1267 = tpu.vector_load_idx %gather3A_1266[%iota3A_1058, %broadcast_in_dim3A_1258] : memref<32x128xf32, #tpu.memory_space<vmem>>[vector<16xi32>, vector<16xi32>], vector<16xf32>,
      %gather3A_1268 = arith.constant 5 : i32
      %gather3A_1269 = arith.constant 0 : i32
      %gather3A_1270 = arith.constant 0 : i32
      %gather3A_1271 = tpu.memref_slice %arg10[%gather3A_1268, %gather3A_1269, %gather3A_1270] : memref<8x32x128xf32, #tpu.memory_space<vmem>> -> memref<1x32x128xf32, #tpu.memory_space<vmem>>
      %gather3A_1272 = tpu.memref_squeeze %gather3A_1271 : memref<1x32x128xf32, #tpu.memory_space<vmem>> -> memref<32x128xf32, #tpu.memory_space<vmem>>
      %gather3A_1273 = tpu.vector_load_idx %gather3A_1272[%add3A_1061, %broadcast_in_dim3A_1258] : memref<32x128xf32, #tpu.memory_space<vmem>>[vector<16xi32>, vector<16xi32>], vector<16xf32>,
      tpu.vector_store_idx %arg12[%iota3A_1058, %broadcast_in_dim3A_1261], %gather3A_1267 : memref<32x128xf32, #tpu.memory_space<vmem>>[vector<16xi32>, vector<16xi32>], vector<16xf32>,
      tpu.vector_store_idx %arg12[%add3A_1061, %broadcast_in_dim3A_1261], %gather3A_1273 : memref<32x128xf32, #tpu.memory_space<vmem>>[vector<16xi32>, vector<16xi32>], vector<16xf32>,
      %slice3A_1274 = vector.extract_strided_slice %and3A_540 {offsets = [14], sizes = [1], strides = [1]} : vector<16xi32> to vector<1xi32>
      %squeeze3A_1275 = vector.extract %slice3A_1274[0] : i32 from vector<1xi32>
      %broadcast_in_dim3A_1276 = vector.broadcast %squeeze3A_1275 : i32 to vector<16xi32>
      %add3A_1277 = arith.constant 14 : i32
      %add3A_1278 = arith.addi %multiple_of3A, %add3A_1277 : i32
      %broadcast_in_dim3A_1279 = vector.broadcast %add3A_1278 : i32 to vector<16xi32>
      %gather3A_1280 = arith.constant 6 : i32
      %gather3A_1281 = arith.constant 0 : i32
      %gather3A_1282 = arith.constant 0 : i32
      %gather3A_1283 = tpu.memref_slice %arg10[%gather3A_1280, %gather3A_1281, %gather3A_1282] : memref<8x32x128xf32, #tpu.memory_space<vmem>> -> memref<1x32x128xf32, #tpu.memory_space<vmem>>
      %gather3A_1284 = tpu.memref_squeeze %gather3A_1283 : memref<1x32x128xf32, #tpu.memory_space<vmem>> -> memref<32x128xf32, #tpu.memory_space<vmem>>
      %gather3A_1285 = tpu.vector_load_idx %gather3A_1284[%iota3A_1058, %broadcast_in_dim3A_1276] : memref<32x128xf32, #tpu.memory_space<vmem>>[vector<16xi32>, vector<16xi32>], vector<16xf32>,
      %gather3A_1286 = arith.constant 6 : i32
      %gather3A_1287 = arith.constant 0 : i32
      %gather3A_1288 = arith.constant 0 : i32
      %gather3A_1289 = tpu.memref_slice %arg10[%gather3A_1286, %gather3A_1287, %gather3A_1288] : memref<8x32x128xf32, #tpu.memory_space<vmem>> -> memref<1x32x128xf32, #tpu.memory_space<vmem>>
      %gather3A_1290 = tpu.memref_squeeze %gather3A_1289 : memref<1x32x128xf32, #tpu.memory_space<vmem>> -> memref<32x128xf32, #tpu.memory_space<vmem>>
      %gather3A_1291 = tpu.vector_load_idx %gather3A_1290[%add3A_1061, %broadcast_in_dim3A_1276] : memref<32x128xf32, #tpu.memory_space<vmem>>[vector<16xi32>, vector<16xi32>], vector<16xf32>,
      tpu.vector_store_idx %arg12[%iota3A_1058, %broadcast_in_dim3A_1279], %gather3A_1285 : memref<32x128xf32, #tpu.memory_space<vmem>>[vector<16xi32>, vector<16xi32>], vector<16xf32>,
      tpu.vector_store_idx %arg12[%add3A_1061, %broadcast_in_dim3A_1279], %gather3A_1291 : memref<32x128xf32, #tpu.memory_space<vmem>>[vector<16xi32>, vector<16xi32>], vector<16xf32>,
      %slice3A_1292 = vector.extract_strided_slice %and3A_540 {offsets = [15], sizes = [1], strides = [1]} : vector<16xi32> to vector<1xi32>
      %squeeze3A_1293 = vector.extract %slice3A_1292[0] : i32 from vector<1xi32>
      %broadcast_in_dim3A_1294 = vector.broadcast %squeeze3A_1293 : i32 to vector<16xi32>
      %add3A_1295 = arith.constant 15 : i32
      %add3A_1296 = arith.addi %multiple_of3A, %add3A_1295 : i32
      %broadcast_in_dim3A_1297 = vector.broadcast %add3A_1296 : i32 to vector<16xi32>
      %gather3A_1298 = arith.constant 7 : i32
      %gather3A_1299 = arith.constant 0 : i32
      %gather3A_1300 = arith.constant 0 : i32
      %gather3A_1301 = tpu.memref_slice %arg10[%gather3A_1298, %gather3A_1299, %gather3A_1300] : memref<8x32x128xf32, #tpu.memory_space<vmem>> -> memref<1x32x128xf32, #tpu.memory_space<vmem>>
      %gather3A_1302 = tpu.memref_squeeze %gather3A_1301 : memref<1x32x128xf32, #tpu.memory_space<vmem>> -> memref<32x128xf32, #tpu.memory_space<vmem>>
      %gather3A_1303 = tpu.vector_load_idx %gather3A_1302[%iota3A_1058, %broadcast_in_dim3A_1294] : memref<32x128xf32, #tpu.memory_space<vmem>>[vector<16xi32>, vector<16xi32>], vector<16xf32>,
      %gather3A_1304 = arith.constant 7 : i32
      %gather3A_1305 = arith.constant 0 : i32
      %gather3A_1306 = arith.constant 0 : i32
      %gather3A_1307 = tpu.memref_slice %arg10[%gather3A_1304, %gather3A_1305, %gather3A_1306] : memref<8x32x128xf32, #tpu.memory_space<vmem>> -> memref<1x32x128xf32, #tpu.memory_space<vmem>>
      %gather3A_1308 = tpu.memref_squeeze %gather3A_1307 : memref<1x32x128xf32, #tpu.memory_space<vmem>> -> memref<32x128xf32, #tpu.memory_space<vmem>>
      %gather3A_1309 = tpu.vector_load_idx %gather3A_1308[%add3A_1061, %broadcast_in_dim3A_1294] : memref<32x128xf32, #tpu.memory_space<vmem>>[vector<16xi32>, vector<16xi32>], vector<16xf32>,
      tpu.vector_store_idx %arg12[%iota3A_1058, %broadcast_in_dim3A_1297], %gather3A_1303 : memref<32x128xf32, #tpu.memory_space<vmem>>[vector<16xi32>, vector<16xi32>], vector<16xf32>,
      tpu.vector_store_idx %arg12[%add3A_1061, %broadcast_in_dim3A_1297], %gather3A_1309 : memref<32x128xf32, #tpu.memory_space<vmem>>[vector<16xi32>, vector<16xi32>], vector<16xf32>,
      %iota3A_1310 = tpu.iota {dimensions = array<i32: 0>} : vector<16xi32>
      %add3A_1311 = arith.constant 16 : i32
      %add3A_1312 = vector.broadcast %add3A_1311 : i32 to vector<16xi32>
      %add3A_1313 = arith.addi %iota3A_1310, %add3A_1312 : vector<16xi32>
      %dma_wait3A_1314 = arith.constant 0 : i32
      %dma_wait3A_1315 = arith.constant 0 : i32
      %dma_wait3A_1316 = arith.constant 0 : i32
      %dma_wait3A_1317 = tpu.memref_slice %arg11[%dma_wait3A_1314, %dma_wait3A_1315, %dma_wait3A_1316] : memref<8x32x128xf32, #tpu.memory_space<vmem>> -> memref<1x32x128xf32, #tpu.memory_space<vmem>>
      %dma_wait3A_1318 = tpu.memref_squeeze %dma_wait3A_1317 : memref<1x32x128xf32, #tpu.memory_space<vmem>> -> memref<32x128xf32, #tpu.memory_space<vmem>>
      %dma_wait3A_1319 = arith.constant 0 : i32
      %dma_wait3A_1320 = tpu.memref_slice %arg4[%dma_wait3A_1319, %multiple_of3A_932] : memref<32x1000000xf32, #tpu.memory_space<hbm>> -> memref<32x128xf32, #tpu.memory_space<hbm>>
      %dma_wait3A_1321 = arith.constant 0 : i32
      %dma_wait3A_1322 = arith.constant 0 : i32
      %dma_wait3A_1323 = tpu.memref_slice %arg11[%dma_wait3A_1314, %dma_wait3A_1321, %dma_wait3A_1322] : memref<8x32x128xf32, #tpu.memory_space<vmem>> -> memref<1x32x128xf32, #tpu.memory_space<vmem>>
      %dma_wait3A_1324 = tpu.memref_squeeze %dma_wait3A_1323 : memref<1x32x128xf32, #tpu.memory_space<vmem>> -> memref<32x128xf32, #tpu.memory_space<vmem>>
      %dma_wait3A_1325 = arith.constant 0 : i32
      %dma_wait3A_1326 = tpu.memref_slice %arg4[%dma_wait3A_1325, %multiple_of3A_932] : memref<32x1000000xf32, #tpu.memory_space<hbm>> -> memref<32x128xf32, #tpu.memory_space<hbm>>
      tpu.wait_dma2 semaphore(%arg15 : memref<!tpu.dma_semaphore, #tpu.memory_space<semaphore_mem>>) src(%dma_wait3A_1326 : memref<32x128xf32, #tpu.memory_space<hbm>>) dst(%dma_wait3A_1324 : memref<32x128xf32, #tpu.memory_space<vmem>>)
      %dma_wait3A_1327 = arith.constant 1 : i32
      %dma_wait3A_1328 = arith.constant 0 : i32
      %dma_wait3A_1329 = arith.constant 0 : i32
      %dma_wait3A_1330 = tpu.memref_slice %arg11[%dma_wait3A_1327, %dma_wait3A_1328, %dma_wait3A_1329] : memref<8x32x128xf32, #tpu.memory_space<vmem>> -> memref<1x32x128xf32, #tpu.memory_space<vmem>>
      %dma_wait3A_1331 = tpu.memref_squeeze %dma_wait3A_1330 : memref<1x32x128xf32, #tpu.memory_space<vmem>> -> memref<32x128xf32, #tpu.memory_space<vmem>>
      %dma_wait3A_1332 = arith.constant 0 : i32
      %dma_wait3A_1333 = tpu.memref_slice %arg4[%dma_wait3A_1332, %multiple_of3A_948] : memref<32x1000000xf32, #tpu.memory_space<hbm>> -> memref<32x128xf32, #tpu.memory_space<hbm>>
      %dma_wait3A_1334 = arith.constant 0 : i32
      %dma_wait3A_1335 = arith.constant 0 : i32
      %dma_wait3A_1336 = tpu.memref_slice %arg11[%dma_wait3A_1327, %dma_wait3A_1334, %dma_wait3A_1335] : memref<8x32x128xf32, #tpu.memory_space<vmem>> -> memref<1x32x128xf32, #tpu.memory_space<vmem>>
      %dma_wait3A_1337 = tpu.memref_squeeze %dma_wait3A_1336 : memref<1x32x128xf32, #tpu.memory_space<vmem>> -> memref<32x128xf32, #tpu.memory_space<vmem>>
      %dma_wait3A_1338 = arith.constant 0 : i32
      %dma_wait3A_1339 = tpu.memref_slice %arg4[%dma_wait3A_1338, %multiple_of3A_948] : memref<32x1000000xf32, #tpu.memory_space<hbm>> -> memref<32x128xf32, #tpu.memory_space<hbm>>
      tpu.wait_dma2 semaphore(%arg15 : memref<!tpu.dma_semaphore, #tpu.memory_space<semaphore_mem>>) src(%dma_wait3A_1339 : memref<32x128xf32, #tpu.memory_space<hbm>>) dst(%dma_wait3A_1337 : memref<32x128xf32, #tpu.memory_space<vmem>>)
      %dma_wait3A_1340 = arith.constant 2 : i32
      %dma_wait3A_1341 = arith.constant 0 : i32
      %dma_wait3A_1342 = arith.constant 0 : i32
      %dma_wait3A_1343 = tpu.memref_slice %arg11[%dma_wait3A_1340, %dma_wait3A_1341, %dma_wait3A_1342] : memref<8x32x128xf32, #tpu.memory_space<vmem>> -> memref<1x32x128xf32, #tpu.memory_space<vmem>>
      %dma_wait3A_1344 = tpu.memref_squeeze %dma_wait3A_1343 : memref<1x32x128xf32, #tpu.memory_space<vmem>> -> memref<32x128xf32, #tpu.memory_space<vmem>>
      %dma_wait3A_1345 = arith.constant 0 : i32
      %dma_wait3A_1346 = tpu.memref_slice %arg4[%dma_wait3A_1345, %multiple_of3A_964] : memref<32x1000000xf32, #tpu.memory_space<hbm>> -> memref<32x128xf32, #tpu.memory_space<hbm>>
      %dma_wait3A_1347 = arith.constant 0 : i32
      %dma_wait3A_1348 = arith.constant 0 : i32
      %dma_wait3A_1349 = tpu.memref_slice %arg11[%dma_wait3A_1340, %dma_wait3A_1347, %dma_wait3A_1348] : memref<8x32x128xf32, #tpu.memory_space<vmem>> -> memref<1x32x128xf32, #tpu.memory_space<vmem>>
      %dma_wait3A_1350 = tpu.memref_squeeze %dma_wait3A_1349 : memref<1x32x128xf32, #tpu.memory_space<vmem>> -> memref<32x128xf32, #tpu.memory_space<vmem>>
      %dma_wait3A_1351 = arith.constant 0 : i32
      %dma_wait3A_1352 = tpu.memref_slice %arg4[%dma_wait3A_1351, %multiple_of3A_964] : memref<32x1000000xf32, #tpu.memory_space<hbm>> -> memref<32x128xf32, #tpu.memory_space<hbm>>
      tpu.wait_dma2 semaphore(%arg15 : memref<!tpu.dma_semaphore, #tpu.memory_space<semaphore_mem>>) src(%dma_wait3A_1352 : memref<32x128xf32, #tpu.memory_space<hbm>>) dst(%dma_wait3A_1350 : memref<32x128xf32, #tpu.memory_space<vmem>>)
      %dma_wait3A_1353 = arith.constant 3 : i32
      %dma_wait3A_1354 = arith.constant 0 : i32
      %dma_wait3A_1355 = arith.constant 0 : i32
      %dma_wait3A_1356 = tpu.memref_slice %arg11[%dma_wait3A_1353, %dma_wait3A_1354, %dma_wait3A_1355] : memref<8x32x128xf32, #tpu.memory_space<vmem>> -> memref<1x32x128xf32, #tpu.memory_space<vmem>>
      %dma_wait3A_1357 = tpu.memref_squeeze %dma_wait3A_1356 : memref<1x32x128xf32, #tpu.memory_space<vmem>> -> memref<32x128xf32, #tpu.memory_space<vmem>>
      %dma_wait3A_1358 = arith.constant 0 : i32
      %dma_wait3A_1359 = tpu.memref_slice %arg4[%dma_wait3A_1358, %multiple_of3A_980] : memref<32x1000000xf32, #tpu.memory_space<hbm>> -> memref<32x128xf32, #tpu.memory_space<hbm>>
      %dma_wait3A_1360 = arith.constant 0 : i32
      %dma_wait3A_1361 = arith.constant 0 : i32
      %dma_wait3A_1362 = tpu.memref_slice %arg11[%dma_wait3A_1353, %dma_wait3A_1360, %dma_wait3A_1361] : memref<8x32x128xf32, #tpu.memory_space<vmem>> -> memref<1x32x128xf32, #tpu.memory_space<vmem>>
      %dma_wait3A_1363 = tpu.memref_squeeze %dma_wait3A_1362 : memref<1x32x128xf32, #tpu.memory_space<vmem>> -> memref<32x128xf32, #tpu.memory_space<vmem>>
      %dma_wait3A_1364 = arith.constant 0 : i32
      %dma_wait3A_1365 = tpu.memref_slice %arg4[%dma_wait3A_1364, %multiple_of3A_980] : memref<32x1000000xf32, #tpu.memory_space<hbm>> -> memref<32x128xf32, #tpu.memory_space<hbm>>
      tpu.wait_dma2 semaphore(%arg15 : memref<!tpu.dma_semaphore, #tpu.memory_space<semaphore_mem>>) src(%dma_wait3A_1365 : memref<32x128xf32, #tpu.memory_space<hbm>>) dst(%dma_wait3A_1363 : memref<32x128xf32, #tpu.memory_space<vmem>>)
      %dma_wait3A_1366 = arith.constant 4 : i32
      %dma_wait3A_1367 = arith.constant 0 : i32
      %dma_wait3A_1368 = arith.constant 0 : i32
      %dma_wait3A_1369 = tpu.memref_slice %arg11[%dma_wait3A_1366, %dma_wait3A_1367, %dma_wait3A_1368] : memref<8x32x128xf32, #tpu.memory_space<vmem>> -> memref<1x32x128xf32, #tpu.memory_space<vmem>>
      %dma_wait3A_1370 = tpu.memref_squeeze %dma_wait3A_1369 : memref<1x32x128xf32, #tpu.memory_space<vmem>> -> memref<32x128xf32, #tpu.memory_space<vmem>>
      %dma_wait3A_1371 = arith.constant 0 : i32
      %dma_wait3A_1372 = tpu.memref_slice %arg4[%dma_wait3A_1371, %multiple_of3A_996] : memref<32x1000000xf32, #tpu.memory_space<hbm>> -> memref<32x128xf32, #tpu.memory_space<hbm>>
      %dma_wait3A_1373 = arith.constant 0 : i32
      %dma_wait3A_1374 = arith.constant 0 : i32
      %dma_wait3A_1375 = tpu.memref_slice %arg11[%dma_wait3A_1366, %dma_wait3A_1373, %dma_wait3A_1374] : memref<8x32x128xf32, #tpu.memory_space<vmem>> -> memref<1x32x128xf32, #tpu.memory_space<vmem>>
      %dma_wait3A_1376 = tpu.memref_squeeze %dma_wait3A_1375 : memref<1x32x128xf32, #tpu.memory_space<vmem>> -> memref<32x128xf32, #tpu.memory_space<vmem>>
      %dma_wait3A_1377 = arith.constant 0 : i32
      %dma_wait3A_1378 = tpu.memref_slice %arg4[%dma_wait3A_1377, %multiple_of3A_996] : memref<32x1000000xf32, #tpu.memory_space<hbm>> -> memref<32x128xf32, #tpu.memory_space<hbm>>
      tpu.wait_dma2 semaphore(%arg15 : memref<!tpu.dma_semaphore, #tpu.memory_space<semaphore_mem>>) src(%dma_wait3A_1378 : memref<32x128xf32, #tpu.memory_space<hbm>>) dst(%dma_wait3A_1376 : memref<32x128xf32, #tpu.memory_space<vmem>>)
      %dma_wait3A_1379 = arith.constant 5 : i32
      %dma_wait3A_1380 = arith.constant 0 : i32
      %dma_wait3A_1381 = arith.constant 0 : i32
      %dma_wait3A_1382 = tpu.memref_slice %arg11[%dma_wait3A_1379, %dma_wait3A_1380, %dma_wait3A_1381] : memref<8x32x128xf32, #tpu.memory_space<vmem>> -> memref<1x32x128xf32, #tpu.memory_space<vmem>>
      %dma_wait3A_1383 = tpu.memref_squeeze %dma_wait3A_1382 : memref<1x32x128xf32, #tpu.memory_space<vmem>> -> memref<32x128xf32, #tpu.memory_space<vmem>>
      %dma_wait3A_1384 = arith.constant 0 : i32
      %dma_wait3A_1385 = tpu.memref_slice %arg4[%dma_wait3A_1384, %multiple_of3A_1012] : memref<32x1000000xf32, #tpu.memory_space<hbm>> -> memref<32x128xf32, #tpu.memory_space<hbm>>
      %dma_wait3A_1386 = arith.constant 0 : i32
      %dma_wait3A_1387 = arith.constant 0 : i32
      %dma_wait3A_1388 = tpu.memref_slice %arg11[%dma_wait3A_1379, %dma_wait3A_1386, %dma_wait3A_1387] : memref<8x32x128xf32, #tpu.memory_space<vmem>> -> memref<1x32x128xf32, #tpu.memory_space<vmem>>
      %dma_wait3A_1389 = tpu.memref_squeeze %dma_wait3A_1388 : memref<1x32x128xf32, #tpu.memory_space<vmem>> -> memref<32x128xf32, #tpu.memory_space<vmem>>
      %dma_wait3A_1390 = arith.constant 0 : i32
      %dma_wait3A_1391 = tpu.memref_slice %arg4[%dma_wait3A_1390, %multiple_of3A_1012] : memref<32x1000000xf32, #tpu.memory_space<hbm>> -> memref<32x128xf32, #tpu.memory_space<hbm>>
      tpu.wait_dma2 semaphore(%arg15 : memref<!tpu.dma_semaphore, #tpu.memory_space<semaphore_mem>>) src(%dma_wait3A_1391 : memref<32x128xf32, #tpu.memory_space<hbm>>) dst(%dma_wait3A_1389 : memref<32x128xf32, #tpu.memory_space<vmem>>)
      %dma_wait3A_1392 = arith.constant 6 : i32
      %dma_wait3A_1393 = arith.constant 0 : i32
      %dma_wait3A_1394 = arith.constant 0 : i32
      %dma_wait3A_1395 = tpu.memref_slice %arg11[%dma_wait3A_1392, %dma_wait3A_1393, %dma_wait3A_1394] : memref<8x32x128xf32, #tpu.memory_space<vmem>> -> memref<1x32x128xf32, #tpu.memory_space<vmem>>
      %dma_wait3A_1396 = tpu.memref_squeeze %dma_wait3A_1395 : memref<1x32x128xf32, #tpu.memory_space<vmem>> -> memref<32x128xf32, #tpu.memory_space<vmem>>
      %dma_wait3A_1397 = arith.constant 0 : i32
      %dma_wait3A_1398 = tpu.memref_slice %arg4[%dma_wait3A_1397, %multiple_of3A_1028] : memref<32x1000000xf32, #tpu.memory_space<hbm>> -> memref<32x128xf32, #tpu.memory_space<hbm>>
      %dma_wait3A_1399 = arith.constant 0 : i32
      %dma_wait3A_1400 = arith.constant 0 : i32
      %dma_wait3A_1401 = tpu.memref_slice %arg11[%dma_wait3A_1392, %dma_wait3A_1399, %dma_wait3A_1400] : memref<8x32x128xf32, #tpu.memory_space<vmem>> -> memref<1x32x128xf32, #tpu.memory_space<vmem>>
      %dma_wait3A_1402 = tpu.memref_squeeze %dma_wait3A_1401 : memref<1x32x128xf32, #tpu.memory_space<vmem>> -> memref<32x128xf32, #tpu.memory_space<vmem>>
      %dma_wait3A_1403 = arith.constant 0 : i32
      %dma_wait3A_1404 = tpu.memref_slice %arg4[%dma_wait3A_1403, %multiple_of3A_1028] : memref<32x1000000xf32, #tpu.memory_space<hbm>> -> memref<32x128xf32, #tpu.memory_space<hbm>>
      tpu.wait_dma2 semaphore(%arg15 : memref<!tpu.dma_semaphore, #tpu.memory_space<semaphore_mem>>) src(%dma_wait3A_1404 : memref<32x128xf32, #tpu.memory_space<hbm>>) dst(%dma_wait3A_1402 : memref<32x128xf32, #tpu.memory_space<vmem>>)
      %dma_wait3A_1405 = arith.constant 7 : i32
      %dma_wait3A_1406 = arith.constant 0 : i32
      %dma_wait3A_1407 = arith.constant 0 : i32
      %dma_wait3A_1408 = tpu.memref_slice %arg11[%dma_wait3A_1405, %dma_wait3A_1406, %dma_wait3A_1407] : memref<8x32x128xf32, #tpu.memory_space<vmem>> -> memref<1x32x128xf32, #tpu.memory_space<vmem>>
      %dma_wait3A_1409 = tpu.memref_squeeze %dma_wait3A_1408 : memref<1x32x128xf32, #tpu.memory_space<vmem>> -> memref<32x128xf32, #tpu.memory_space<vmem>>
      %dma_wait3A_1410 = arith.constant 0 : i32
      %dma_wait3A_1411 = tpu.memref_slice %arg4[%dma_wait3A_1410, %multiple_of3A_1044] : memref<32x1000000xf32, #tpu.memory_space<hbm>> -> memref<32x128xf32, #tpu.memory_space<hbm>>
      %dma_wait3A_1412 = arith.constant 0 : i32
      %dma_wait3A_1413 = arith.constant 0 : i32
      %dma_wait3A_1414 = tpu.memref_slice %arg11[%dma_wait3A_1405, %dma_wait3A_1412, %dma_wait3A_1413] : memref<8x32x128xf32, #tpu.memory_space<vmem>> -> memref<1x32x128xf32, #tpu.memory_space<vmem>>
      %dma_wait3A_1415 = tpu.memref_squeeze %dma_wait3A_1414 : memref<1x32x128xf32, #tpu.memory_space<vmem>> -> memref<32x128xf32, #tpu.memory_space<vmem>>
      %dma_wait3A_1416 = arith.constant 0 : i32
      %dma_wait3A_1417 = tpu.memref_slice %arg4[%dma_wait3A_1416, %multiple_of3A_1044] : memref<32x1000000xf32, #tpu.memory_space<hbm>> -> memref<32x128xf32, #tpu.memory_space<hbm>>
      tpu.wait_dma2 semaphore(%arg15 : memref<!tpu.dma_semaphore, #tpu.memory_space<semaphore_mem>>) src(%dma_wait3A_1417 : memref<32x128xf32, #tpu.memory_space<hbm>>) dst(%dma_wait3A_1415 : memref<32x128xf32, #tpu.memory_space<vmem>>)
      %slice3A_1418 = vector.extract_strided_slice %and3A_929 {offsets = [8], sizes = [1], strides = [1]} : vector<16xi32> to vector<1xi32>
      %squeeze3A_1419 = vector.extract %slice3A_1418[0] : i32 from vector<1xi32>
      %broadcast_in_dim3A_1420 = vector.broadcast %squeeze3A_1419 : i32 to vector<16xi32>
      %add3A_1421 = arith.constant 8 : i32
      %add3A_1422 = arith.addi %multiple_of3A, %add3A_1421 : i32
      %broadcast_in_dim3A_1423 = vector.broadcast %add3A_1422 : i32 to vector<16xi32>
      %gather3A_1424 = arith.constant 0 : i32
      %gather3A_1425 = arith.constant 0 : i32
      %gather3A_1426 = arith.constant 0 : i32
      %gather3A_1427 = tpu.memref_slice %arg11[%gather3A_1424, %gather3A_1425, %gather3A_1426] : memref<8x32x128xf32, #tpu.memory_space<vmem>> -> memref<1x32x128xf32, #tpu.memory_space<vmem>>
      %gather3A_1428 = tpu.memref_squeeze %gather3A_1427 : memref<1x32x128xf32, #tpu.memory_space<vmem>> -> memref<32x128xf32, #tpu.memory_space<vmem>>
      %gather3A_1429 = tpu.vector_load_idx %gather3A_1428[%iota3A_1310, %broadcast_in_dim3A_1420] : memref<32x128xf32, #tpu.memory_space<vmem>>[vector<16xi32>, vector<16xi32>], vector<16xf32>,
      %gather3A_1430 = arith.constant 0 : i32
      %gather3A_1431 = arith.constant 0 : i32
      %gather3A_1432 = arith.constant 0 : i32
      %gather3A_1433 = tpu.memref_slice %arg11[%gather3A_1430, %gather3A_1431, %gather3A_1432] : memref<8x32x128xf32, #tpu.memory_space<vmem>> -> memref<1x32x128xf32, #tpu.memory_space<vmem>>
      %gather3A_1434 = tpu.memref_squeeze %gather3A_1433 : memref<1x32x128xf32, #tpu.memory_space<vmem>> -> memref<32x128xf32, #tpu.memory_space<vmem>>
      %gather3A_1435 = tpu.vector_load_idx %gather3A_1434[%add3A_1313, %broadcast_in_dim3A_1420] : memref<32x128xf32, #tpu.memory_space<vmem>>[vector<16xi32>, vector<16xi32>], vector<16xf32>,
      tpu.vector_store_idx %arg13[%iota3A_1310, %broadcast_in_dim3A_1423], %gather3A_1429 : memref<32x128xf32, #tpu.memory_space<vmem>>[vector<16xi32>, vector<16xi32>], vector<16xf32>,
      tpu.vector_store_idx %arg13[%add3A_1313, %broadcast_in_dim3A_1423], %gather3A_1435 : memref<32x128xf32, #tpu.memory_space<vmem>>[vector<16xi32>, vector<16xi32>], vector<16xf32>,
      %slice3A_1436 = vector.extract_strided_slice %and3A_929 {offsets = [9], sizes = [1], strides = [1]} : vector<16xi32> to vector<1xi32>
      %squeeze3A_1437 = vector.extract %slice3A_1436[0] : i32 from vector<1xi32>
      %broadcast_in_dim3A_1438 = vector.broadcast %squeeze3A_1437 : i32 to vector<16xi32>
      %add3A_1439 = arith.constant 9 : i32
      %add3A_1440 = arith.addi %multiple_of3A, %add3A_1439 : i32
      %broadcast_in_dim3A_1441 = vector.broadcast %add3A_1440 : i32 to vector<16xi32>
      %gather3A_1442 = arith.constant 1 : i32
      %gather3A_1443 = arith.constant 0 : i32
      %gather3A_1444 = arith.constant 0 : i32
      %gather3A_1445 = tpu.memref_slice %arg11[%gather3A_1442, %gather3A_1443, %gather3A_1444] : memref<8x32x128xf32, #tpu.memory_space<vmem>> -> memref<1x32x128xf32, #tpu.memory_space<vmem>>
      %gather3A_1446 = tpu.memref_squeeze %gather3A_1445 : memref<1x32x128xf32, #tpu.memory_space<vmem>> -> memref<32x128xf32, #tpu.memory_space<vmem>>
      %gather3A_1447 = tpu.vector_load_idx %gather3A_1446[%iota3A_1310, %broadcast_in_dim3A_1438] : memref<32x128xf32, #tpu.memory_space<vmem>>[vector<16xi32>, vector<16xi32>], vector<16xf32>,
      %gather3A_1448 = arith.constant 1 : i32
      %gather3A_1449 = arith.constant 0 : i32
      %gather3A_1450 = arith.constant 0 : i32
      %gather3A_1451 = tpu.memref_slice %arg11[%gather3A_1448, %gather3A_1449, %gather3A_1450] : memref<8x32x128xf32, #tpu.memory_space<vmem>> -> memref<1x32x128xf32, #tpu.memory_space<vmem>>
      %gather3A_1452 = tpu.memref_squeeze %gather3A_1451 : memref<1x32x128xf32, #tpu.memory_space<vmem>> -> memref<32x128xf32, #tpu.memory_space<vmem>>
      %gather3A_1453 = tpu.vector_load_idx %gather3A_1452[%add3A_1313, %broadcast_in_dim3A_1438] : memref<32x128xf32, #tpu.memory_space<vmem>>[vector<16xi32>, vector<16xi32>], vector<16xf32>,
      tpu.vector_store_idx %arg13[%iota3A_1310, %broadcast_in_dim3A_1441], %gather3A_1447 : memref<32x128xf32, #tpu.memory_space<vmem>>[vector<16xi32>, vector<16xi32>], vector<16xf32>,
      tpu.vector_store_idx %arg13[%add3A_1313, %broadcast_in_dim3A_1441], %gather3A_1453 : memref<32x128xf32, #tpu.memory_space<vmem>>[vector<16xi32>, vector<16xi32>], vector<16xf32>,
      %slice3A_1454 = vector.extract_strided_slice %and3A_929 {offsets = [10], sizes = [1], strides = [1]} : vector<16xi32> to vector<1xi32>
      %squeeze3A_1455 = vector.extract %slice3A_1454[0] : i32 from vector<1xi32>
      %broadcast_in_dim3A_1456 = vector.broadcast %squeeze3A_1455 : i32 to vector<16xi32>
      %add3A_1457 = arith.constant 10 : i32
      %add3A_1458 = arith.addi %multiple_of3A, %add3A_1457 : i32
      %broadcast_in_dim3A_1459 = vector.broadcast %add3A_1458 : i32 to vector<16xi32>
      %gather3A_1460 = arith.constant 2 : i32
      %gather3A_1461 = arith.constant 0 : i32
      %gather3A_1462 = arith.constant 0 : i32
      %gather3A_1463 = tpu.memref_slice %arg11[%gather3A_1460, %gather3A_1461, %gather3A_1462] : memref<8x32x128xf32, #tpu.memory_space<vmem>> -> memref<1x32x128xf32, #tpu.memory_space<vmem>>
      %gather3A_1464 = tpu.memref_squeeze %gather3A_1463 : memref<1x32x128xf32, #tpu.memory_space<vmem>> -> memref<32x128xf32, #tpu.memory_space<vmem>>
      %gather3A_1465 = tpu.vector_load_idx %gather3A_1464[%iota3A_1310, %broadcast_in_dim3A_1456] : memref<32x128xf32, #tpu.memory_space<vmem>>[vector<16xi32>, vector<16xi32>], vector<16xf32>,
      %gather3A_1466 = arith.constant 2 : i32
      %gather3A_1467 = arith.constant 0 : i32
      %gather3A_1468 = arith.constant 0 : i32
      %gather3A_1469 = tpu.memref_slice %arg11[%gather3A_1466, %gather3A_1467, %gather3A_1468] : memref<8x32x128xf32, #tpu.memory_space<vmem>> -> memref<1x32x128xf32, #tpu.memory_space<vmem>>
      %gather3A_1470 = tpu.memref_squeeze %gather3A_1469 : memref<1x32x128xf32, #tpu.memory_space<vmem>> -> memref<32x128xf32, #tpu.memory_space<vmem>>
      %gather3A_1471 = tpu.vector_load_idx %gather3A_1470[%add3A_1313, %broadcast_in_dim3A_1456] : memref<32x128xf32, #tpu.memory_space<vmem>>[vector<16xi32>, vector<16xi32>], vector<16xf32>,
      tpu.vector_store_idx %arg13[%iota3A_1310, %broadcast_in_dim3A_1459], %gather3A_1465 : memref<32x128xf32, #tpu.memory_space<vmem>>[vector<16xi32>, vector<16xi32>], vector<16xf32>,
      tpu.vector_store_idx %arg13[%add3A_1313, %broadcast_in_dim3A_1459], %gather3A_1471 : memref<32x128xf32, #tpu.memory_space<vmem>>[vector<16xi32>, vector<16xi32>], vector<16xf32>,
      %slice3A_1472 = vector.extract_strided_slice %and3A_929 {offsets = [11], sizes = [1], strides = [1]} : vector<16xi32> to vector<1xi32>
      %squeeze3A_1473 = vector.extract %slice3A_1472[0] : i32 from vector<1xi32>
      %broadcast_in_dim3A_1474 = vector.broadcast %squeeze3A_1473 : i32 to vector<16xi32>
      %add3A_1475 = arith.constant 11 : i32
      %add3A_1476 = arith.addi %multiple_of3A, %add3A_1475 : i32
      %broadcast_in_dim3A_1477 = vector.broadcast %add3A_1476 : i32 to vector<16xi32>
      %gather3A_1478 = arith.constant 3 : i32
      %gather3A_1479 = arith.constant 0 : i32
      %gather3A_1480 = arith.constant 0 : i32
      %gather3A_1481 = tpu.memref_slice %arg11[%gather3A_1478, %gather3A_1479, %gather3A_1480] : memref<8x32x128xf32, #tpu.memory_space<vmem>> -> memref<1x32x128xf32, #tpu.memory_space<vmem>>
      %gather3A_1482 = tpu.memref_squeeze %gather3A_1481 : memref<1x32x128xf32, #tpu.memory_space<vmem>> -> memref<32x128xf32, #tpu.memory_space<vmem>>
      %gather3A_1483 = tpu.vector_load_idx %gather3A_1482[%iota3A_1310, %broadcast_in_dim3A_1474] : memref<32x128xf32, #tpu.memory_space<vmem>>[vector<16xi32>, vector<16xi32>], vector<16xf32>,
      %gather3A_1484 = arith.constant 3 : i32
      %gather3A_1485 = arith.constant 0 : i32
      %gather3A_1486 = arith.constant 0 : i32
      %gather3A_1487 = tpu.memref_slice %arg11[%gather3A_1484, %gather3A_1485, %gather3A_1486] : memref<8x32x128xf32, #tpu.memory_space<vmem>> -> memref<1x32x128xf32, #tpu.memory_space<vmem>>
      %gather3A_1488 = tpu.memref_squeeze %gather3A_1487 : memref<1x32x128xf32, #tpu.memory_space<vmem>> -> memref<32x128xf32, #tpu.memory_space<vmem>>
      %gather3A_1489 = tpu.vector_load_idx %gather3A_1488[%add3A_1313, %broadcast_in_dim3A_1474] : memref<32x128xf32, #tpu.memory_space<vmem>>[vector<16xi32>, vector<16xi32>], vector<16xf32>,
      tpu.vector_store_idx %arg13[%iota3A_1310, %broadcast_in_dim3A_1477], %gather3A_1483 : memref<32x128xf32, #tpu.memory_space<vmem>>[vector<16xi32>, vector<16xi32>], vector<16xf32>,
      tpu.vector_store_idx %arg13[%add3A_1313, %broadcast_in_dim3A_1477], %gather3A_1489 : memref<32x128xf32, #tpu.memory_space<vmem>>[vector<16xi32>, vector<16xi32>], vector<16xf32>,
      %slice3A_1490 = vector.extract_strided_slice %and3A_929 {offsets = [12], sizes = [1], strides = [1]} : vector<16xi32> to vector<1xi32>
      %squeeze3A_1491 = vector.extract %slice3A_1490[0] : i32 from vector<1xi32>
      %broadcast_in_dim3A_1492 = vector.broadcast %squeeze3A_1491 : i32 to vector<16xi32>
      %add3A_1493 = arith.constant 12 : i32
      %add3A_1494 = arith.addi %multiple_of3A, %add3A_1493 : i32
      %broadcast_in_dim3A_1495 = vector.broadcast %add3A_1494 : i32 to vector<16xi32>
      %gather3A_1496 = arith.constant 4 : i32
      %gather3A_1497 = arith.constant 0 : i32
      %gather3A_1498 = arith.constant 0 : i32
      %gather3A_1499 = tpu.memref_slice %arg11[%gather3A_1496, %gather3A_1497, %gather3A_1498] : memref<8x32x128xf32, #tpu.memory_space<vmem>> -> memref<1x32x128xf32, #tpu.memory_space<vmem>>
      %gather3A_1500 = tpu.memref_squeeze %gather3A_1499 : memref<1x32x128xf32, #tpu.memory_space<vmem>> -> memref<32x128xf32, #tpu.memory_space<vmem>>
      %gather3A_1501 = tpu.vector_load_idx %gather3A_1500[%iota3A_1310, %broadcast_in_dim3A_1492] : memref<32x128xf32, #tpu.memory_space<vmem>>[vector<16xi32>, vector<16xi32>], vector<16xf32>,
      %gather3A_1502 = arith.constant 4 : i32
      %gather3A_1503 = arith.constant 0 : i32
      %gather3A_1504 = arith.constant 0 : i32
      %gather3A_1505 = tpu.memref_slice %arg11[%gather3A_1502, %gather3A_1503, %gather3A_1504] : memref<8x32x128xf32, #tpu.memory_space<vmem>> -> memref<1x32x128xf32, #tpu.memory_space<vmem>>
      %gather3A_1506 = tpu.memref_squeeze %gather3A_1505 : memref<1x32x128xf32, #tpu.memory_space<vmem>> -> memref<32x128xf32, #tpu.memory_space<vmem>>
      %gather3A_1507 = tpu.vector_load_idx %gather3A_1506[%add3A_1313, %broadcast_in_dim3A_1492] : memref<32x128xf32, #tpu.memory_space<vmem>>[vector<16xi32>, vector<16xi32>], vector<16xf32>,
      tpu.vector_store_idx %arg13[%iota3A_1310, %broadcast_in_dim3A_1495], %gather3A_1501 : memref<32x128xf32, #tpu.memory_space<vmem>>[vector<16xi32>, vector<16xi32>], vector<16xf32>,
      tpu.vector_store_idx %arg13[%add3A_1313, %broadcast_in_dim3A_1495], %gather3A_1507 : memref<32x128xf32, #tpu.memory_space<vmem>>[vector<16xi32>, vector<16xi32>], vector<16xf32>,
      %slice3A_1508 = vector.extract_strided_slice %and3A_929 {offsets = [13], sizes = [1], strides = [1]} : vector<16xi32> to vector<1xi32>
      %squeeze3A_1509 = vector.extract %slice3A_1508[0] : i32 from vector<1xi32>
      %broadcast_in_dim3A_1510 = vector.broadcast %squeeze3A_1509 : i32 to vector<16xi32>
      %add3A_1511 = arith.constant 13 : i32
      %add3A_1512 = arith.addi %multiple_of3A, %add3A_1511 : i32
      %broadcast_in_dim3A_1513 = vector.broadcast %add3A_1512 : i32 to vector<16xi32>
      %gather3A_1514 = arith.constant 5 : i32
      %gather3A_1515 = arith.constant 0 : i32
      %gather3A_1516 = arith.constant 0 : i32
      %gather3A_1517 = tpu.memref_slice %arg11[%gather3A_1514, %gather3A_1515, %gather3A_1516] : memref<8x32x128xf32, #tpu.memory_space<vmem>> -> memref<1x32x128xf32, #tpu.memory_space<vmem>>
      %gather3A_1518 = tpu.memref_squeeze %gather3A_1517 : memref<1x32x128xf32, #tpu.memory_space<vmem>> -> memref<32x128xf32, #tpu.memory_space<vmem>>
      %gather3A_1519 = tpu.vector_load_idx %gather3A_1518[%iota3A_1310, %broadcast_in_dim3A_1510] : memref<32x128xf32, #tpu.memory_space<vmem>>[vector<16xi32>, vector<16xi32>], vector<16xf32>,
      %gather3A_1520 = arith.constant 5 : i32
      %gather3A_1521 = arith.constant 0 : i32
      %gather3A_1522 = arith.constant 0 : i32
      %gather3A_1523 = tpu.memref_slice %arg11[%gather3A_1520, %gather3A_1521, %gather3A_1522] : memref<8x32x128xf32, #tpu.memory_space<vmem>> -> memref<1x32x128xf32, #tpu.memory_space<vmem>>
      %gather3A_1524 = tpu.memref_squeeze %gather3A_1523 : memref<1x32x128xf32, #tpu.memory_space<vmem>> -> memref<32x128xf32, #tpu.memory_space<vmem>>
      %gather3A_1525 = tpu.vector_load_idx %gather3A_1524[%add3A_1313, %broadcast_in_dim3A_1510] : memref<32x128xf32, #tpu.memory_space<vmem>>[vector<16xi32>, vector<16xi32>], vector<16xf32>,
      tpu.vector_store_idx %arg13[%iota3A_1310, %broadcast_in_dim3A_1513], %gather3A_1519 : memref<32x128xf32, #tpu.memory_space<vmem>>[vector<16xi32>, vector<16xi32>], vector<16xf32>,
      tpu.vector_store_idx %arg13[%add3A_1313, %broadcast_in_dim3A_1513], %gather3A_1525 : memref<32x128xf32, #tpu.memory_space<vmem>>[vector<16xi32>, vector<16xi32>], vector<16xf32>,
      %slice3A_1526 = vector.extract_strided_slice %and3A_929 {offsets = [14], sizes = [1], strides = [1]} : vector<16xi32> to vector<1xi32>
      %squeeze3A_1527 = vector.extract %slice3A_1526[0] : i32 from vector<1xi32>
      %broadcast_in_dim3A_1528 = vector.broadcast %squeeze3A_1527 : i32 to vector<16xi32>
      %add3A_1529 = arith.constant 14 : i32
      %add3A_1530 = arith.addi %multiple_of3A, %add3A_1529 : i32
      %broadcast_in_dim3A_1531 = vector.broadcast %add3A_1530 : i32 to vector<16xi32>
      %gather3A_1532 = arith.constant 6 : i32
      %gather3A_1533 = arith.constant 0 : i32
      %gather3A_1534 = arith.constant 0 : i32
      %gather3A_1535 = tpu.memref_slice %arg11[%gather3A_1532, %gather3A_1533, %gather3A_1534] : memref<8x32x128xf32, #tpu.memory_space<vmem>> -> memref<1x32x128xf32, #tpu.memory_space<vmem>>
      %gather3A_1536 = tpu.memref_squeeze %gather3A_1535 : memref<1x32x128xf32, #tpu.memory_space<vmem>> -> memref<32x128xf32, #tpu.memory_space<vmem>>
      %gather3A_1537 = tpu.vector_load_idx %gather3A_1536[%iota3A_1310, %broadcast_in_dim3A_1528] : memref<32x128xf32, #tpu.memory_space<vmem>>[vector<16xi32>, vector<16xi32>], vector<16xf32>,
      %gather3A_1538 = arith.constant 6 : i32
      %gather3A_1539 = arith.constant 0 : i32
      %gather3A_1540 = arith.constant 0 : i32
      %gather3A_1541 = tpu.memref_slice %arg11[%gather3A_1538, %gather3A_1539, %gather3A_1540] : memref<8x32x128xf32, #tpu.memory_space<vmem>> -> memref<1x32x128xf32, #tpu.memory_space<vmem>>
      %gather3A_1542 = tpu.memref_squeeze %gather3A_1541 : memref<1x32x128xf32, #tpu.memory_space<vmem>> -> memref<32x128xf32, #tpu.memory_space<vmem>>
      %gather3A_1543 = tpu.vector_load_idx %gather3A_1542[%add3A_1313, %broadcast_in_dim3A_1528] : memref<32x128xf32, #tpu.memory_space<vmem>>[vector<16xi32>, vector<16xi32>], vector<16xf32>,
      tpu.vector_store_idx %arg13[%iota3A_1310, %broadcast_in_dim3A_1531], %gather3A_1537 : memref<32x128xf32, #tpu.memory_space<vmem>>[vector<16xi32>, vector<16xi32>], vector<16xf32>,
      tpu.vector_store_idx %arg13[%add3A_1313, %broadcast_in_dim3A_1531], %gather3A_1543 : memref<32x128xf32, #tpu.memory_space<vmem>>[vector<16xi32>, vector<16xi32>], vector<16xf32>,
      %slice3A_1544 = vector.extract_strided_slice %and3A_929 {offsets = [15], sizes = [1], strides = [1]} : vector<16xi32> to vector<1xi32>
      %squeeze3A_1545 = vector.extract %slice3A_1544[0] : i32 from vector<1xi32>
      %broadcast_in_dim3A_1546 = vector.broadcast %squeeze3A_1545 : i32 to vector<16xi32>
      %add3A_1547 = arith.constant 15 : i32
      %add3A_1548 = arith.addi %multiple_of3A, %add3A_1547 : i32
      %broadcast_in_dim3A_1549 = vector.broadcast %add3A_1548 : i32 to vector<16xi32>
      %gather3A_1550 = arith.constant 7 : i32
      %gather3A_1551 = arith.constant 0 : i32
      %gather3A_1552 = arith.constant 0 : i32
      %gather3A_1553 = tpu.memref_slice %arg11[%gather3A_1550, %gather3A_1551, %gather3A_1552] : memref<8x32x128xf32, #tpu.memory_space<vmem>> -> memref<1x32x128xf32, #tpu.memory_space<vmem>>
      %gather3A_1554 = tpu.memref_squeeze %gather3A_1553 : memref<1x32x128xf32, #tpu.memory_space<vmem>> -> memref<32x128xf32, #tpu.memory_space<vmem>>
      %gather3A_1555 = tpu.vector_load_idx %gather3A_1554[%iota3A_1310, %broadcast_in_dim3A_1546] : memref<32x128xf32, #tpu.memory_space<vmem>>[vector<16xi32>, vector<16xi32>], vector<16xf32>,
      %gather3A_1556 = arith.constant 7 : i32
      %gather3A_1557 = arith.constant 0 : i32
      %gather3A_1558 = arith.constant 0 : i32
      %gather3A_1559 = tpu.memref_slice %arg11[%gather3A_1556, %gather3A_1557, %gather3A_1558] : memref<8x32x128xf32, #tpu.memory_space<vmem>> -> memref<1x32x128xf32, #tpu.memory_space<vmem>>
      %gather3A_1560 = tpu.memref_squeeze %gather3A_1559 : memref<1x32x128xf32, #tpu.memory_space<vmem>> -> memref<32x128xf32, #tpu.memory_space<vmem>>
      %gather3A_1561 = tpu.vector_load_idx %gather3A_1560[%add3A_1313, %broadcast_in_dim3A_1546] : memref<32x128xf32, #tpu.memory_space<vmem>>[vector<16xi32>, vector<16xi32>], vector<16xf32>,
      tpu.vector_store_idx %arg13[%iota3A_1310, %broadcast_in_dim3A_1549], %gather3A_1555 : memref<32x128xf32, #tpu.memory_space<vmem>>[vector<16xi32>, vector<16xi32>], vector<16xf32>,
      tpu.vector_store_idx %arg13[%add3A_1313, %broadcast_in_dim3A_1549], %gather3A_1561 : memref<32x128xf32, #tpu.memory_space<vmem>>[vector<16xi32>, vector<16xi32>], vector<16xf32>,
      %scan3A_1562 = arith.constant 0 : i32
      scf.yield %scan3A_1562 : i32
    }
    %scan3A_8 = arith.constant 8 : i32
    "tpu.region"() ({
      %run_scoped3A = tpu.sem_alloc : memref<!tpu.dma_semaphore, #tpu.memory_space<semaphore_mem>>
      %dma_start3A = arith.constant 0 : i32
      %dma_start3A_9 = tpu.memref_slice %arg6[%dma_start3A, %mul3A_2] : memref<32x4096xf32, #tpu.memory_space<hbm>> -> memref<32x128xf32, #tpu.memory_space<hbm>>
      %dma_start3A_10 = arith.constant 0 : i32
      %dma_start3A_11 = tpu.memref_slice %arg6[%dma_start3A_10, %mul3A_2] : memref<32x4096xf32, #tpu.memory_space<hbm>> -> memref<32x128xf32, #tpu.memory_space<hbm>>
      tpu.enqueue_dma source(%arg12 : memref<32x128xf32, #tpu.memory_space<vmem>>) target(%dma_start3A_11 : memref<32x128xf32, #tpu.memory_space<hbm>>) target_semaphore(%run_scoped3A : memref<!tpu.dma_semaphore, #tpu.memory_space<semaphore_mem>>)
      %dma_wait3A = arith.constant 0 : i32
      %dma_wait3A_12 = tpu.memref_slice %arg6[%dma_wait3A, %mul3A_2] : memref<32x4096xf32, #tpu.memory_space<hbm>> -> memref<32x128xf32, #tpu.memory_space<hbm>>
      %dma_wait3A_13 = arith.constant 0 : i32
      %dma_wait3A_14 = tpu.memref_slice %arg6[%dma_wait3A_13, %mul3A_2] : memref<32x4096xf32, #tpu.memory_space<hbm>> -> memref<32x128xf32, #tpu.memory_space<hbm>>
      tpu.wait_dma2 semaphore(%run_scoped3A : memref<!tpu.dma_semaphore, #tpu.memory_space<semaphore_mem>>) src(%arg12 : memref<32x128xf32, #tpu.memory_space<vmem>>) dst(%dma_wait3A_14 : memref<32x128xf32, #tpu.memory_space<hbm>>)
      tpu.yield
    }) : () -> ()
    "tpu.region"() ({
      %run_scoped3A = tpu.sem_alloc : memref<!tpu.dma_semaphore, #tpu.memory_space<semaphore_mem>>
      %dma_start3A = arith.constant 0 : i32
      %dma_start3A_9 = tpu.memref_slice %arg7[%dma_start3A, %mul3A_2] : memref<32x4096xf32, #tpu.memory_space<hbm>> -> memref<32x128xf32, #tpu.memory_space<hbm>>
      %dma_start3A_10 = arith.constant 0 : i32
      %dma_start3A_11 = tpu.memref_slice %arg7[%dma_start3A_10, %mul3A_2] : memref<32x4096xf32, #tpu.memory_space<hbm>> -> memref<32x128xf32, #tpu.memory_space<hbm>>
      tpu.enqueue_dma source(%arg13 : memref<32x128xf32, #tpu.memory_space<vmem>>) target(%dma_start3A_11 : memref<32x128xf32, #tpu.memory_space<hbm>>) target_semaphore(%run_scoped3A : memref<!tpu.dma_semaphore, #tpu.memory_space<semaphore_mem>>)
      %dma_wait3A = arith.constant 0 : i32
      %dma_wait3A_12 = tpu.memref_slice %arg7[%dma_wait3A, %mul3A_2] : memref<32x4096xf32, #tpu.memory_space<hbm>> -> memref<32x128xf32, #tpu.memory_space<hbm>>
      %dma_wait3A_13 = arith.constant 0 : i32
      %dma_wait3A_14 = tpu.memref_slice %arg7[%dma_wait3A_13, %mul3A_2] : memref<32x4096xf32, #tpu.memory_space<hbm>> -> memref<32x128xf32, #tpu.memory_space<hbm>>
      tpu.wait_dma2 semaphore(%run_scoped3A : memref<!tpu.dma_semaphore, #tpu.memory_space<semaphore_mem>>) src(%arg13 : memref<32x128xf32, #tpu.memory_space<vmem>>) dst(%dma_wait3A_14 : memref<32x128xf32, #tpu.memory_space<hbm>>)
      tpu.yield
    }) : () -> ()
    return
  }
}

module attributes {stable_mosaic.version = 14 : i64} {
  func.func @_mm_body(%arg0: i32, %arg1: memref<32x512xf32, #tpu.memory_space<vmem>>, %arg2: memref<32x4096xf32, #tpu.memory_space<vmem>>, %arg3: memref<512x4096xf32, #tpu.memory_space<vmem>>) attributes {dimension_semantics = [#tpu.dimension_semantics<arbitrary>], iteration_bounds = array<i64: 8>, scalar_prefetch = 0 : i64, scratch_operands = 0 : i64, tpu.core_type = #tpu.core_type<tc>, window_params = [{transform_indices = @transform_0, window_bounds = array<i64: 32, 512>}, {pipeline_mode = #tpu.pipeline_mode<synchronous>, transform_indices = @transform_1, window_bounds = array<i64: 32, 4096>}, {transform_indices = @transform_2, window_bounds = array<i64: 512, 4096>}]} {
    %get3A = arith.constant 0 : index
    %get3A_0 = arith.constant 0 : index
    %get3A_1 = vector.load %arg1[%get3A, %get3A_0] : memref<32x512xf32, #tpu.memory_space<vmem>>, vector<32x512xf32>
    %get3A_2 = arith.constant 0 : index
    %get3A_3 = arith.constant 0 : index
    %get3A_4 = vector.load %arg2[%get3A_2, %get3A_3] : memref<32x4096xf32, #tpu.memory_space<vmem>>, vector<32x4096xf32>
    %dot_general3A = arith.constant dense<0.000000e+00> : vector<512x4096xf32>
    %dot_general3A_5 = tpu.matmul %get3A_1, %get3A_4, %dot_general3A {dimension_numbers = #tpu.dot_dimension_numbers<[0], [0], [1], [1], [0, 1, 1, 1], [], []>, transpose_lhs_hint = false} : vector<32x512xf32>, vector<32x4096xf32>, vector<512x4096xf32> -> vector<512x4096xf32>
    %swap3A = arith.constant 0 : index
    %swap3A_6 = arith.constant 0 : index
    %swap3A_7 = vector.load %arg3[%swap3A, %swap3A_6] : memref<512x4096xf32, #tpu.memory_space<vmem>>, vector<512x4096xf32>
    tpu.vector_store %arg3[%swap3A, %swap3A_6], %dot_general3A_5 {strides = array<i32>} : memref<512x4096xf32, #tpu.memory_space<vmem>>, vector<512x4096xf32>,
    return
  }
  func.func @transform_0(%arg0: i32) -> (i32, i32) {
    %c0_i32 = arith.constant 0 : i32
    %c0_i32_0 = arith.constant 0 : i32
    return %c0_i32, %arg0 : i32, i32
  }
  func.func @transform_1(%arg0: i32) -> (i32, i32) {
    %c0_i32 = arith.constant 0 : i32
    %c0_i32_0 = arith.constant 0 : i32
    %c0_i32_1 = arith.constant 0 : i32
    return %c0_i32, %c0_i32_0 : i32, i32
  }
  func.func @transform_2(%arg0: i32) -> (i32, i32) {
    %c0_i32 = arith.constant 0 : i32
    %c0_i32_0 = arith.constant 0 : i32
    return %arg0, %c0_i32 : i32, i32
  }
}

</mosaic_0001>

<sc_bundles>
// kernel: kernel.4.cloned.1.call-start
scs
__scs_entry_jumppad:
0x0: {  	(pc) =	sbr.rel $0x88, $3  }
0x1: {  	(tag) =	ssettag $0x0;
	lr =	simm.s32 $0x1  }
0x2: {  	[smem:$0x3F9D] =	sst lr;
	_ =	strace $0xD0000000  }
0x3: {  	_ = 	snop  }
0x4: {  	_ = 	snop  }
0x5: {  	_ = 	snop  }
0x6: {  	_ = 	snop  }
0x7: {  	_ = 	snop  }
__scs_overlays_trampoline_lowered:
0x8: {  	[smem:$0x3FAC] =	sst s0  }
0x9: {  	[smem:$0x3FAD] =	sst s1  }
0xa: {  	[smem:$0x3FAE] =	sst s2  }
0xb: {  	[smem:$0x3FAF] =	sst s3  }
0xc: {  	[smem:$0x3FB0] =	sst s4  }
0xd: {  	[smem:$0x3FB1] =	sst s5  }
0xe: {  	[smem:$0x3FB2] =	sst s6  }
0xf: {  	[smem:$0x3FB3] =	sst s7  }
0x10: {  	[smem:$0x3FB4] =	sst s8  }
0x11: {  	[smem:$0x3FB5] =	sst s9;
	s0 =	simm.s32 @!p0 $0x0  }
0x12: {  	s1 =	sld [smem:$0x3F9B];
	s0 =	simm.s32 @p0 $0x1  }
0x13: {  	[smem:$0x3FB6] =	sst s0;
	s0 =	simm.s32 @!p1 $0x0  }
0x14: {  	s2 =	sld [smem:$0x3F9A];
	s0 =	simm.s32 @p1 $0x1  }
0x15: {  	[smem:$0x3FB7] =	sst s0;
	s0 =	simm.s32 @!p2 $0x0  }
0x16: {  	s3 =	sld [smem:$0x3FDB];
	s0 =	simm.s32 @p2 $0x1  }
0x17: {  	s4 =	simm.s32 $0x1BF5;
	[smem:$0x3FB9] =	sst s0  }
0x18: {  	s0 =	sld [smem:$0x3F9C];
	_ =	swait.ge [sflag:s4], $0x0  }
0x19: {  	s7 =	sld [smem:$0x3F9D]  }
0x1a: {  	s8 =	sadd.s32 $0xFFFFE003, lr  }
0x1b: {  	s9 =	sadd.s32 $0xFFFFFEF7, lr;
	s5 =	simm.s32 $0xFFFFFFFF;
	p2 =	slt.u32 s8, $0xFFFFF086  }
0x1c: {  	p1 =	slt.u32 s9, $0xF7A;
	s5 =	simm.s32 @!p2 $0x0  }
0x1d: {  	s5 =	simm.s32 @p1 $0x1;
	p0 =	seq.s32 s7, s2  }
0x1e: {  	s7 =	smul.u32 @!p0 $0xF7A, s2;
	p2 =	seq.s32 @!p0 s5, $0x0  }
0x1f: {  	s9 =	smul.u32 $0xF7A, s1;
	s8 =	simm.s32 @!p0 $0x1BF5;
	p2 =	por !p2, p0  }
0x20: {  	[sflag:s8] =	ssyncset.s32 @!p0 $0xFFFFF086;
	s6 =	sadd.s32 @!p0 s3, s7;
	s7 =	simm.s32 @!p0 $0x108  }
0x21: {  	s3 =	sadd.s32 s3, s9;
	s6 =	sadd.s32 @!p0 $0x88, s6;
	s7 =	simm.s32 @p2 $0x1082  }
0x22: {  	[simem:s7], [sflag:s8] =	dma.local @!p0 [hbm:s6], $0xF7A  }
0x23: {  	s9 =	sor.u32 $0xD0000000, s2;
	s6 =	simm.s32 $0x108;
	_ =	swait.ge @!p0 [sflag:s8], $0x0  }
0x24: {  	s3 =	sadd.s32 $0x88, s3;
	s6 =	simm.s32 @!p1 $0x1082;
	[sflag:s4] =	ssyncset.s32 $0xFFFFF086  }
0x25: {  	[simem:s6], [sflag:s4] =	dma.local [hbm:s3], $0xF7A  }
0x26: {  	[smem:$0x3F9D] =	sst s1;
	(tag) =	ssettag s2;
	_ =	strace s9  }
0x27: {  	s1 =	sld [smem:$0x3FAD]  }
0x28: {  	s2 =	sld [smem:$0x3FAE]  }
0x29: {  	s4 =	sld [smem:$0x3FB0]  }
0x2a: {  	p0 =	seq.s32 s5, $0x0;
	s5 =	sld [smem:$0x3FB1]  }
0x2b: {  	s6 =	sld [smem:$0x3FB2]  }
0x2c: {  	s7 =	sld [smem:$0x3FB3]  }
0x2d: {  	s3 =	simm.s32 $0x108;
	s8 =	sld [smem:$0x3FB4]  }
0x2e: {  	s3 =	simm.s32 @!p0 $0x1082;
	s9 =	sld [smem:$0x3FB5]  }
0x2f: {  	lr =	sadd.s32 s0, s3;
	s0 =	sld [smem:$0x3FAC]  }
0x30: {  	s3 =	sld [smem:$0x3FAF]  }
0x31: {  	[smem:$0x3FB8] =	sst s10  }
0x32: {  	s10 =	sld [smem:$0x3FB6];
	_ =	sdelay $0x3  }
0x33: {  	p0 =	seq.s32 s10, $0x1;
	s10 =	sld [smem:$0x3FB8];
	_ =	sdelay $0x3  }
0x34: {  	[smem:$0x3FB8] =	sst s10  }
0x35: {  	s10 =	sld [smem:$0x3FB7];
	_ =	sdelay $0x3  }
0x36: {  	p1 =	seq.s32 s10, $0x1;
	s10 =	sld [smem:$0x3FB8];
	_ =	sdelay $0x3  }
0x37: {  	[smem:$0x3FB8] =	sst s10  }
0x38: {  	s10 =	sld [smem:$0x3FB9]  }
0x39: {  	_ = 	snop;
	(pc) =	sbr.ind lr, $3  }
0x3a: {  	_ = 	snop  }
0x3b: {  	_ = 	snop  }
0x3c: {  	p2 =	seq.s32 s10, $0x1;
	s10 =	sld [smem:$0x3FB8]  }
0x3d: {  	_ =	shalt  }
0x3e: {  	_ =	shalt  }
0x3f: {  	_ =	shalt  }
0x40: {  	_ =	shalt  }
0x41: {  	_ =	shalt  }
0x42: {  	_ =	shalt  }
0x43: {  	_ =	shalt  }
0x44: {  	_ =	shalt  }
0x45: {  	_ =	shalt  }
0x46: {  	_ =	shalt  }
0x47: {  	_ =	shalt  }
0x48: {  	_ =	shalt  }
0x49: {  	_ =	shalt  }
0x4a: {  	_ =	shalt  }
0x4b: {  	_ =	shalt  }
0x4c: {  	_ =	shalt  }
0x4d: {  	_ =	shalt  }
0x4e: {  	_ =	shalt  }
0x4f: {  	_ =	shalt  }
0x50: {  	_ =	shalt  }
0x51: {  	_ =	shalt  }
0x52: {  	_ =	shalt  }
0x53: {  	_ =	shalt  }
0x54: {  	_ =	shalt  }
0x55: {  	_ =	shalt  }
0x56: {  	_ =	shalt  }
0x57: {  	_ =	shalt  }
0x58: {  	_ =	shalt  }
0x59: {  	_ =	shalt  }
0x5a: {  	_ =	shalt  }
0x5b: {  	_ =	shalt  }
0x5c: {  	_ =	shalt  }
0x5d: {  	_ =	shalt  }
0x5e: {  	_ =	shalt  }
0x5f: {  	_ =	shalt  }
0x60: {  	_ =	shalt  }
0x61: {  	_ =	shalt  }
0x62: {  	_ =	shalt  }
0x63: {  	_ =	shalt  }
0x64: {  	_ =	shalt  }
0x65: {  	_ =	shalt  }
0x66: {  	_ =	shalt  }
0x67: {  	_ =	shalt  }
0x68: {  	_ =	shalt  }
0x69: {  	_ =	shalt  }
0x6a: {  	_ =	shalt  }
0x6b: {  	_ =	shalt  }
0x6c: {  	_ =	shalt  }
0x6d: {  	_ =	shalt  }
0x6e: {  	_ =	shalt  }
0x6f: {  	_ =	shalt  }
0x70: {  	_ =	shalt  }
0x71: {  	_ =	shalt  }
0x72: {  	_ =	shalt  }
0x73: {  	_ =	shalt  }
0x74: {  	_ =	shalt  }
0x75: {  	_ =	shalt  }
0x76: {  	_ =	shalt  }
0x77: {  	_ =	shalt  }
0x78: {  	_ =	shalt  }
0x79: {  	_ =	shalt  }
0x7a: {  	_ =	shalt  }
0x7b: {  	_ =	shalt  }
0x7c: {  	_ =	shalt  }
0x7d: {  	_ =	shalt  }
0x7e: {  	_ =	shalt  }
0x7f: {  	_ =	shalt  }
0x80: {  	_ =	shalt  }
0x81: {  	_ =	shalt  }
0x82: {  	_ =	shalt  }
0x83: {  	_ =	shalt  }
0x84: {  	_ =	shalt  }
0x85: {  	_ =	shalt  }
0x86: {  	_ =	shalt  }
0x87: {  	_ =	shalt  }
.Lfunc_end0:
.L_simem_size_0:
called_computation_lowered:
.L_overlay_start_0:
0x88: {  	s2 =	sld [smem:$0x3FD9]  }
0x89: {  	s3 =	sld [smem:$0x3FFE];
	_ =	sdelay $0x1  }
0x8a: {  	s1 =	srdreg.scid  }
0x8b: {  	s0 =	sand.u32 $0x1, s1  }
0x8c: {  	s17 =	sshll.u32 s0, $0xA;
	s2 =	sadd.s32 s3, s2  }
0x8d: {  	s2 =	sadd.s32 s2, s17  }
0x8e: {  	[smem:$0x3FC4] =	sst s2  }
0x8f: {  	_ = 	snop  }
0x90: {  	s2 =	sld [smem:$0x3FC9]  }
0x91: {  	s18 =	sld [smem:$0x3FC8]  }
0x92: {  	s4 =	sld [smem:$0x3FC7]  }
0x93: {  	s5 =	sld [smem:$0x3FC6]  }
0x94: {  	s6 =	sld [smem:$0x3FD0];
	(tm) =	ssettm $0x1  }
0x95: {  	s7 =	sld [smem:$0x3FFB];
	_ =	sdelay $0x3  }
0x96: {  	_ =	strace s7  }
0x97: {  	s7 =	sld [smem:$0x3FFC];
	_ =	sdelay $0x3  }
0x98: {  	_ =	strace s7  }
0x99: {  	s7 =	sld [smem:$0x3FFD];
	_ =	sdelay $0x3  }
0x9a: {  	_ =	strace s7  }
0x9b: {  	_ =	strace $0x8FFFFFFF  }
0x9c: {  	s19 =	sld [smem:$0x3FDB];
	_ =	sdelay $0x1  }
0x9d: {  	s8 =	simm.s32 $_scs_section_size  }
0x9e: {  	s9 =	simm.s32 $_size__tile_overlayer_lowered;
	s10 =	simm.s32 $_tile_overlayer_lowered  }
0x9f: {  	s22 =	simm.s32 $0x1BFF;
	s21 =	sshll.u32 s10, $0x1;
	s7 =	sadd.s32 s8, s19  }
0xa0: {  	s11 =	simm.s32 $0x0;
	s20 =	sshll.u32 s9, $0x1;
	s9 =	sadd.s32 s21, s7  }
0xa1: {  	[timem:s11], [sflag:s22] =	dma.local [hbm:s9], s20  }
0xa2: {  	_ =	swait.ge [sflag:s22], s20  }
0xa3: {  	s8 =	ssub.s32 $0x0, s20;
	[sflag:s22] =	ssyncset.done $0x0  }
0xa4: {  	[sflag:s22] =	ssyncadd.s32 s8;
	_ =	sdelay $0x1  }
0xa5: {  	s23 =	simm.s32 $0x1B8B  }
0xa6: {  	_ =	swait.ge [sflag:s23], $0x1  }
0xa7: {  	[sflag:s23] =	ssyncset.done $0x0  }
0xa8: {  	s25 =	simm.s32 $0x1B8E;
	s24 =	sld [smem:$0x3FFE];
	[sflag:s23] =	ssyncadd.s32 $0xFFFFFFFF  }
0xa9: {  	s26 =	simm.s32 $execute0_lowered;
	[smem:$0x3FD2] =	sst s25  }
0xaa: {  	s9 =	sshll.u32 s26, $0x1;
	_ =	strace $0x80000046;
	[dreg:$0x1] =	wrdreg $0xFFFFFFFF  }
0xab: {  	s28 =	simm.s32 $_size_execute0_lowered;
	s7 =	sadd.s32 s7, s9;
	[dreg:$0x0] =	wrdreg $0x0  }
0xac: {  	s9 =	sshll.u32 s28, $0x1;
	[dreg:$0x2] =	wrdreg s7  }
0xad: {  	[dreg:$0x3] =	wrdreg s9  }
0xae: {  	[dreg:$0x4] =	wrdreg $0xC0  }
0xaf: {  	_ =	task [dreg:s11], $0x5FFFF  }
0xb0: {  	[dreg:$0x1] =	wrdreg $0xFFFFFFFF  }
0xb1: {  	[dreg:$0x0] =	wrdreg $0x60  }
0xb2: {  	[dreg:$0x2] =	wrdreg s4  }
0xb3: {  	[dreg:$0x3] =	wrdreg s2  }
0xb4: {  	[dreg:$0x4] =	wrdreg s5  }
0xb5: {  	[dreg:$0x5] =	wrdreg s18  }
0xb6: {  	[dreg:$0x6] =	wrdreg s6  }
0xb7: {  	[dreg:$0x7] =	wrdreg s24  }
0xb8: {  	[dreg:$0x8] =	wrdreg $0x9  }
0xb9: {  	_ =	task.clear_ibuf [dreg:s11], $0x9FFFF;
	_ =	strace $0x90000046  }
0xba: {  	s29 =	simm.s32 $0x9;
	_ =	strace $0x80000048  }
0xbb: {  	_ =	swait.ge [sflag:s29], $0x1  }
0xbc: {  	[sflag:s29] =	ssyncadd.s32 $0xFFFFFFFF  }
0xbd: {  	_ =	strace $0x90000048  }
0xbe: {  	_ =	sfence  }
0xbf: {  	s30 =	sld [smem:$0x0];
	_ =	sdelay $0x2  }
0xc0: {  	s31 =	sshll.u32 s1, $0xD;
	s1 =	sshrl.u32 s1, $0x2  }
0xc1: {  	s3 =	sand.u32 $0x4000, s31;
	s1 =	sadd.s32 s1, s30  }
0xc2: {  	s0 =	sor.u32 s3, s0;
	s1 =	sshll.u32 s1, $0x11  }
0xc3: {  	s0 =	sor.u32 s1, s0  }
0xc4: {  	s0 =	sadd.s32 $0x8F2B, s0  }
0xc5: {  	[sflag:s0] =	ssyncadd.remote.s32 $0x1  }
0xc6: {  	_ =	sfence.sel $0xFFFF  }
0xc7: {  	[dreg:$0x0] =	wrdreg $0xFFFFFFFF;
	(pc) =	sbr.abs _section_cstart, $3  }
0xc8: {  	[dreg:$0x1] =	wrdreg $0xFFFFFFFF  }
0xc9: {  	_ =	task.clear_ibuf [dreg:s11], $0x2FFFF;
	_ =	strace $0x9FFFFFFF  }
0xca: {  	(tm) =	ssettm $0x7FFFFFFF  }
0xcb: {  	_ =	shalt  }
tec
execute0_lowered:
.L_overlay_start_1:
0x0: {  	(tag) =	ssettag $0x1  }
0x1: {  	s0 =	rddreg [dreg:$0x0]  }
0x2: {  	s22 =	rddreg [dreg:$0x1]  }
0x3: {  	s1 =	rddreg [dreg:$0x2]  }
0x4: {  	s23 =	rddreg [dreg:$0x3]  }
0x5: {  	s2 =	rddreg [dreg:$0x4]  }
0x6: {  	s3 =	rddreg [dreg:$0x5];
	s4 =	srdreg.scid  }
0x7: {  	s5 =	stileid.u32;
	s6 =	simm.s32 $0x0;
	s8 =	simm.s32 $0x3  }
0x8: {  	s9 =	simm.s32 $0x400;
	s10 =	simm.s32 $0x7A1400;
	s11 =	simm.s32 $0x100  }
0x9: {  	s12 =	simm.s32 $0x1100;
	s13 =	simm.s32 $0x2100;
	s14 =	simm.s32 $0x3100  }
0xa: {  	s15 =	simm.s32 $0x4100;
	s16 =	simm.s32 $0x5100;
	s17 =	simm.s32 $0x6100  }
0xb: {  	s18 =	simm.s32 $0x7100;
	s19 =	simm.s32 $0x8100;
	s20 =	simm.s32 $0x9100  }
0xc: {  	s21 =	simm.s32 $0xA100;
	s28 =	simm.s32 $0x1;
	s29 =	simm.s32 $0x10100  }
0xd: {  	s30 =	simm.s32 $0x2;
	s31 =	simm.s32 $0x11100;
	[dreg:$0x7] =	wrdreg s0  }
0xe: {  	[dreg:$0x8] =	wrdreg s1;
	s4 =	sand.u32 $0x1, s4;
	s5 =	sshll.u32 s5, $0x1  }
0xf: {  	[smem:$0x7FF] =	sst s6;
	s1 =	simm.s32 $0x0;
	s5 =	sor.u32 s4, s5  }
0x10: {  	s4 =	ssub.s32 $0x2, s4;
	_ =	strace $0x80000047;
	s24 =	sshll.u32 s5, $0x7  }
0x11: {  	s7 =	sshrl.u32 s4, $0x1;
	s5 =	sshll.u32 s5, $0x4;
	s3 =	sadd.s32 s24, s3  }
0x12: {  	s4 =	ssub.s32 s4, s7;
	s0 =	sadd.s32 s22, s5;
	s25 =	sadd.s32 s23, s5  }
0x13: {  	v0 =	vlaneseq.u32;
	s26 =	sadd.s32 s2, s24;
	s22 =	simm.s32 $0xB100;
	[dreg:$0x9] =	wrdreg s0  }
0x14: {  	v0 =	vmul.u32 $0x80, v0;
	s23 =	simm.s32 $0xC100;
	s24 =	simm.s32 $0xD100;
	[dreg:$0xa] =	wrdreg s25  }
0x15: {  	[dreg:$0xb] =	wrdreg s26;
	s6 =	sadd.s32 $0xC00, s3;
	s7 =	smax.u32 s4, $0x1  }
0x16: {  	v1 =	vor.u32 $0x800, v0;
	s25 =	simm.s32 $0xE100;
	s26 =	simm.s32 $0xF100;
	s0 =	simm.s32 $0x8000  }
.LBB2_1:
0x17: {  	s3 =	simm.s32 $0x0;
	s2 =	rddreg [dreg:$0x9]  }
0x18: {  	[tilespmem:s3], [sflag:$0x3] =	stream.linear.gather [hbm4b:s2+s3], $0x80, $0x38;
	[tilespmem:$0x12100] =	vst v63  }
0x19: {  	_ =	swait.ge [sflag:s8], $0x80  }
0x1a: {  	[sflag:s8] =	ssyncset.done $0x0  }
0x1b: {  	s2 =	simm.s32 $0x80;
	s4 =	rddreg [dreg:$0xa];
	[sflag:s8] =	ssyncadd.s32 $0xFFFFFF80  }
0x1c: {  	[tilespmem:s2], [sflag:$0x3] =	stream.linear.gather [hbm4b:s4+s3], $0x80, $0x38;
	[tilespmem:$0x12100] =	vst v63  }
0x1d: {  	_ =	swait.ge [sflag:s8], $0x80  }
0x1e: {  	[sflag:s8] =	ssyncset.done $0x0  }
0x1f: {  	s3 =	simm.s32 $0xF;
	s4 =	simm.s32 $0x0;
	[sflag:s8] =	ssyncadd.s32 $0xFFFFFF80  }
.LBB2_2:
0x20: {  	v2 =	vld [tilespmem:s4+$0x0];
	_ =	sdelay $0x4  }
0x21: {  	s5 =	rddreg [dreg:$0x7];
	v3 =	vand.u32 $0xFFFFFF80, v2  }
0x22: {  	v5 =	vadd.s32 s5, v3  }
0x23: {  	(v2sf) =	vpush v5, $0x0;
	_ =	sdelay $0x1  }
0x24: {  	(v2sf) =	vpush v5, $0x1;
	_ =	sdelay $0x1  }
0x25: {  	(v2sf) =	vpush v5, $0x2;
	_ =	sdelay $0x1  }
0x26: {  	(v2sf) =	vpush v5, $0x3;
	_ =	sdelay $0x1  }
0x27: {  	(v2sf) =	vpush v5, $0x4  }
0x28: {  	v3 =	vld [tilespmem:s2+$0x0]  }
0x29: {  	(v2sf) =	vpush v5, $0x5;
	_ =	sdelay $0x1  }
0x2a: {  	(v2sf) =	vpush v5, $0x6;
	_ =	sdelay $0x1  }
0x2b: {  	s5 =	rddreg [dreg:$0x8];
	v4 =	vand.u32 $0xFFFFFF80, v3;
	(v2sf) =	vpush v5, $0x7  }
0x2c: {  	v4 =	vadd.s32 s5, v4;
	s5 =	spop (v2sf)  }
0x2d: {  	(v2sf) =	vpush v4, $0x0;
	[tilespmem:s11], [sflag:$0x1] =	stream.strided.gather [hbm4b:s5+s9], $0x1000, s10, s9, $0x38;
	[tilespmem:$0x12100] =	vst v63  }
0x2e: {  	s5 =	spop (v2sf)  }
0x2f: {  	(v2sf) =	vpush v4, $0x1;
	[tilespmem:s12], [sflag:$0x1] =	stream.strided.gather [hbm4b:s5+s9], $0x1000, s10, s9, $0x38;
	[tilespmem:$0x12100] =	vst v63  }
0x30: {  	s5 =	spop (v2sf)  }
0x31: {  	(v2sf) =	vpush v4, $0x2;
	[tilespmem:s13], [sflag:$0x1] =	stream.strided.gather [hbm4b:s5+s9], $0x1000, s10, s9, $0x38;
	[tilespmem:$0x12100] =	vst v63  }
0x32: {  	s5 =	spop (v2sf)  }
0x33: {  	(v2sf) =	vpush v4, $0x3;
	[tilespmem:s14], [sflag:$0x1] =	stream.strided.gather [hbm4b:s5+s9], $0x1000, s10, s9, $0x38;
	[tilespmem:$0x12100] =	vst v63  }
0x34: {  	s5 =	spop (v2sf)  }
0x35: {  	(v2sf) =	vpush v4, $0x4;
	[tilespmem:s15], [sflag:$0x1] =	stream.strided.gather [hbm4b:s5+s9], $0x1000, s10, s9, $0x38;
	[tilespmem:$0x12100] =	vst v63  }
0x36: {  	s5 =	spop (v2sf)  }
0x37: {  	(v2sf) =	vpush v4, $0x5;
	[tilespmem:s16], [sflag:$0x1] =	stream.strided.gather [hbm4b:s5+s9], $0x1000, s10, s9, $0x38;
	[tilespmem:$0x12100] =	vst v63  }
0x38: {  	s5 =	spop (v2sf)  }
0x39: {  	(v2sf) =	vpush v4, $0x6;
	[tilespmem:s17], [sflag:$0x1] =	stream.strided.gather [hbm4b:s5+s9], $0x1000, s10, s9, $0x38;
	[tilespmem:$0x12100] =	vst v63  }
0x3a: {  	s5 =	spop (v2sf)  }
0x3b: {  	(v2sf) =	vpush v4, $0x7;
	[tilespmem:s18], [sflag:$0x1] =	stream.strided.gather [hbm4b:s5+s9], $0x1000, s10, s9, $0x38;
	[tilespmem:$0x12100] =	vst v63  }
0x3c: {  	s5 =	spop (v2sf)  }
0x3d: {  	[tilespmem:s19], [sflag:$0x2] =	stream.strided.gather [hbm4b:s5+s9], $0x1000, s10, s9, $0x38;
	[tilespmem:$0x12100] =	vst v63  }
0x3e: {  	s5 =	spop (v2sf)  }
0x3f: {  	[tilespmem:s20], [sflag:$0x2] =	stream.strided.gather [hbm4b:s5+s9], $0x1000, s10, s9, $0x38;
	[tilespmem:$0x12100] =	vst v63  }
0x40: {  	s5 =	spop (v2sf)  }
0x41: {  	[tilespmem:s21], [sflag:$0x2] =	stream.strided.gather [hbm4b:s5+s9], $0x1000, s10, s9, $0x38;
	[tilespmem:$0x12100] =	vst v63  }
0x42: {  	s5 =	spop (v2sf)  }
0x43: {  	[tilespmem:s22], [sflag:$0x2] =	stream.strided.gather [hbm4b:s5+s9], $0x1000, s10, s9, $0x38;
	[tilespmem:$0x12100] =	vst v63  }
0x44: {  	s5 =	spop (v2sf)  }
0x45: {  	[tilespmem:s23], [sflag:$0x2] =	stream.strided.gather [hbm4b:s5+s9], $0x1000, s10, s9, $0x38;
	[tilespmem:$0x12100] =	vst v63  }
0x46: {  	s5 =	spop (v2sf)  }
0x47: {  	[tilespmem:s24], [sflag:$0x2] =	stream.strided.gather [hbm4b:s5+s9], $0x1000, s10, s9, $0x38;
	[tilespmem:$0x12100] =	vst v63  }
0x48: {  	s5 =	spop (v2sf)  }
0x49: {  	[tilespmem:s25], [sflag:$0x2] =	stream.strided.gather [hbm4b:s5+s9], $0x1000, s10, s9, $0x38;
	[tilespmem:$0x12100] =	vst v63  }
0x4a: {  	s5 =	spop (v2sf)  }
0x4b: {  	[tilespmem:s26], [sflag:$0x2] =	stream.strided.gather [hbm4b:s5+s9], $0x1000, s10, s9, $0x38;
	[tilespmem:$0x12100] =	vst v63  }
0x4c: {  	_ =	swait.ge [sflag:s28], $0x1000  }
0x4d: {  	[sflag:s28] =	ssyncset.done $0x0  }
0x4e: {  	[sflag:s28] =	ssyncadd.s32 $0xFFFFF000  }
0x4f: {  	_ =	swait.ge [sflag:s28], $0x1000  }
0x50: {  	[sflag:s28] =	ssyncset.done $0x0  }
0x51: {  	[sflag:s28] =	ssyncadd.s32 $0xFFFFF000  }
0x52: {  	_ =	swait.ge [sflag:s28], $0x1000  }
0x53: {  	[sflag:s28] =	ssyncset.done $0x0  }
0x54: {  	[sflag:s28] =	ssyncadd.s32 $0xFFFFF000  }
0x55: {  	_ =	swait.ge [sflag:s28], $0x1000  }
0x56: {  	[sflag:s28] =	ssyncset.done $0x0  }
0x57: {  	[sflag:s28] =	ssyncadd.s32 $0xFFFFF000  }
0x58: {  	_ =	swait.ge [sflag:s28], $0x1000  }
0x59: {  	[sflag:s28] =	ssyncset.done $0x0  }
0x5a: {  	[sflag:s28] =	ssyncadd.s32 $0xFFFFF000  }
0x5b: {  	_ =	swait.ge [sflag:s28], $0x1000  }
0x5c: {  	v2 =	vand.u32 $0x7F, v2;
	[sflag:s28] =	ssyncset.done $0x0  }
0x5d: {  	v6 =	vbroadcast v2, $0x0;
	[sflag:s28] =	ssyncadd.s32 $0xFFFFF000  }
0x5e: {  	_ =	swait.ge [sflag:s28], $0x1000  }
0x5f: {  	v7 =	vor.u32 v0, v6;
	s5 =	sadd.s32 $0xFFFFFFF1, s3;
	[sflag:s28] =	ssyncset.done $0x0  }
0x60: {  	v9 =	vor.u32 v1, v6;
	v8 =	vmov s5;
	[sflag:s28] =	ssyncadd.s32 $0xFFFFF000  }
0x61: {  	v47 =	vand.u32 $0x70, v8;
	_ =	swait.ge [sflag:s28], $0x1000  }
0x62: {  	v8 =	vbroadcast v47, $0x0;
	[sflag:s28] =	ssyncset.done $0x0  }
0x63: {  	[sflag:s28] =	ssyncadd.s32 $0xFFFFF000  }
0x64: {  	v11 =	vbroadcast v2, $0x1;
	v6 =	vor.u32 v0, v8;
	v10 =	vld.idx.msk [tilespmem:v7+s11+$0x0], $0xffff  }
0x65: {  	v48 =	vor.u32 v1, v8;
	v9 =	vld.idx.msk [tilespmem:v9+s11+$0x0], $0xffff  }
0x66: {  	v49 =	vor.u32 v0, v11;
	s5 =	sadd.s32 $0xFFFFFFF2, s3  }
0x67: {  	v11 =	vor.u32 v1, v11;
	v12 =	vmov s5  }
0x68: {  	v12 =	vand.u32 $0x71, v12  }
0x69: {  	v50 =	vbroadcast v12, $0x0;
	[tilespmem:v6+s29+$0x0] =	vst.idx.msk $0xffff, v10  }
0x6a: {  	[tilespmem:v48+s29+$0x0] =	vst.idx.msk $0xffff, v9  }
0x6b: {  	v13 =	vbroadcast v2, $0x2;
	v52 =	vor.u32 v0, v50;
	v51 =	vld.idx.msk [tilespmem:v49+s12+$0x0], $0xffff  }
0x6c: {  	v53 =	vor.u32 v1, v50;
	v11 =	vld.idx.msk [tilespmem:v11+s12+$0x0], $0xffff  }
0x6d: {  	v54 =	vor.u32 v0, v13;
	s5 =	sadd.s32 $0xFFFFFFF3, s3  }
0x6e: {  	v13 =	vor.u32 v1, v13;
	v14 =	vmov s5  }
0x6f: {  	v14 =	vand.u32 $0x72, v14  }
0x70: {  	v55 =	vbroadcast v14, $0x0;
	[tilespmem:v52+s29+$0x0] =	vst.idx.msk $0xffff, v51  }
0x71: {  	[tilespmem:v53+s29+$0x0] =	vst.idx.msk $0xffff, v11  }
0x72: {  	v15 =	vbroadcast v2, $0x3;
	v57 =	vor.u32 v0, v55;
	v56 =	vld.idx.msk [tilespmem:v54+s13+$0x0], $0xffff  }
0x73: {  	v58 =	vor.u32 v1, v55;
	v13 =	vld.idx.msk [tilespmem:v13+s13+$0x0], $0xffff  }
0x74: {  	v59 =	vor.u32 v0, v15;
	s5 =	sadd.s32 $0xFFFFFFF4, s3  }
0x75: {  	v15 =	vor.u32 v1, v15;
	v16 =	vmov s5  }
0x76: {  	v16 =	vand.u32 $0x73, v16  }
0x77: {  	v60 =	vbroadcast v16, $0x0;
	[tilespmem:v57+s29+$0x0] =	vst.idx.msk $0xffff, v56  }
0x78: {  	[tilespmem:v58+s29+$0x0] =	vst.idx.msk $0xffff, v13  }
0x79: {  	v17 =	vbroadcast v2, $0x4;
	v62 =	vor.u32 v0, v60;
	v61 =	vld.idx.msk [tilespmem:v59+s14+$0x0], $0xffff  }
0x7a: {  	v63 =	vor.u32 v1, v60;
	v15 =	vld.idx.msk [tilespmem:v15+s14+$0x0], $0xffff  }
0x7b: {  	v27 =	vor.u32 v0, v17;
	s5 =	sadd.s32 $0xFFFFFFF5, s3  }
0x7c: {  	v17 =	vor.u32 v1, v17;
	v18 =	vmov s5  }
0x7d: {  	v18 =	vand.u32 $0x74, v18  }
0x7e: {  	v28 =	vbroadcast v18, $0x0;
	[tilespmem:v62+s29+$0x0] =	vst.idx.msk $0xffff, v61  }
0x7f: {  	[tilespmem:v63+s29+$0x0] =	vst.idx.msk $0xffff, v15  }
0x80: {  	v30 =	vbroadcast v2, $0x5;
	v29 =	vor.u32 v0, v28;
	v15 =	vld.idx.msk [tilespmem:v27+s15+$0x0], $0xffff  }
0x81: {  	v16 =	vor.u32 v1, v28;
	v17 =	vld.idx.msk [tilespmem:v17+s15+$0x0], $0xffff  }
0x82: {  	v19 =	vor.u32 v0, v30;
	s5 =	sadd.s32 $0xFFFFFFF6, s3  }
0x83: {  	v20 =	vmov s5;
	v18 =	vor.u32 v1, v30  }
0x84: {  	v20 =	vand.u32 $0x75, v20  }
0x85: {  	v31 =	vbroadcast v20, $0x0;
	[tilespmem:v29+s29+$0x0] =	vst.idx.msk $0xffff, v15  }
0x86: {  	[tilespmem:v16+s29+$0x0] =	vst.idx.msk $0xffff, v17  }
0x87: {  	v33 =	vbroadcast v2, $0x6;
	v32 =	vor.u32 v0, v31;
	v17 =	vld.idx.msk [tilespmem:v19+s16+$0x0], $0xffff  }
0x88: {  	v15 =	vor.u32 v1, v31;
	v18 =	vld.idx.msk [tilespmem:v18+s16+$0x0], $0xffff  }
0x89: {  	v21 =	vor.u32 v0, v33;
	s5 =	sadd.s32 $0xFFFFFFF7, s3  }
0x8a: {  	v22 =	vmov s5;
	v20 =	vor.u32 v1, v33  }
0x8b: {  	v22 =	vand.u32 $0x76, v22  }
0x8c: {  	v34 =	vbroadcast v22, $0x0;
	(v2sf) =	vpush v5, $0x8;
	[tilespmem:v32+s29+$0x0] =	vst.idx.msk $0xffff, v17  }
0x8d: {  	[tilespmem:v15+s29+$0x0] =	vst.idx.msk $0xffff, v18  }
0x8e: {  	v36 =	vbroadcast v2, $0x7;
	v35 =	vor.u32 v0, v34;
	(v2sf) =	vpush v5, $0x9;
	v18 =	vld.idx.msk [tilespmem:v21+s17+$0x0], $0xffff  }
0x8f: {  	v17 =	vor.u32 v1, v34;
	v20 =	vld.idx.msk [tilespmem:v20+s17+$0x0], $0xffff  }
0x90: {  	v23 =	vor.u32 v0, v36;
	s5 =	sadd.s32 $0xFFFFFFF8, s3;
	(v2sf) =	vpush v5, $0xA  }
0x91: {  	v24 =	vmov s5;
	v22 =	vor.u32 v1, v36  }
0x92: {  	v24 =	vand.u32 $0x77, v24;
	(v2sf) =	vpush v5, $0xB  }
0x93: {  	v37 =	vbroadcast v24, $0x0;
	[tilespmem:v35+s29+$0x0] =	vst.idx.msk $0xffff, v18  }
0x94: {  	(v2sf) =	vpush v5, $0xC;
	[tilespmem:v17+s29+$0x0] =	vst.idx.msk $0xffff, v20  }
0x95: {  	v38 =	vor.u32 v0, v37;
	v20 =	vld.idx.msk [tilespmem:v23+s18+$0x0], $0xffff  }
0x96: {  	(v2sf) =	vpush v5, $0xD;
	v18 =	vor.u32 v1, v37;
	v22 =	vld.idx.msk [tilespmem:v22+s18+$0x0], $0xffff;
	_ =	sdelay $0x1  }
0x97: {  	(v2sf) =	vpush v5, $0xE;
	_ =	sdelay $0x1  }
0x98: {  	(v2sf) =	vpush v5, $0xF;
	[tilespmem:v38+s29+$0x0] =	vst.idx.msk $0xffff, v20  }
0x99: {  	s5 =	spop (v2sf);
	[tilespmem:v18+s29+$0x0] =	vst.idx.msk $0xffff, v22  }
0x9a: {  	[tilespmem:s11], [sflag:$0x1] =	stream.strided.gather [hbm4b:s5+s9], $0x1000, s10, s9, $0x38;
	[tilespmem:$0x12100] =	vst v63  }
0x9b: {  	s5 =	spop (v2sf)  }
0x9c: {  	[tilespmem:s12], [sflag:$0x1] =	stream.strided.gather [hbm4b:s5+s9], $0x1000, s10, s9, $0x38;
	[tilespmem:$0x12100] =	vst v63  }
0x9d: {  	s5 =	spop (v2sf)  }
0x9e: {  	[tilespmem:s13], [sflag:$0x1] =	stream.strided.gather [hbm4b:s5+s9], $0x1000, s10, s9, $0x38;
	[tilespmem:$0x12100] =	vst v63  }
0x9f: {  	s5 =	spop (v2sf)  }
0xa0: {  	[tilespmem:s14], [sflag:$0x1] =	stream.strided.gather [hbm4b:s5+s9], $0x1000, s10, s9, $0x38;
	[tilespmem:$0x12100] =	vst v63  }
0xa1: {  	s5 =	spop (v2sf)  }
0xa2: {  	[tilespmem:s15], [sflag:$0x1] =	stream.strided.gather [hbm4b:s5+s9], $0x1000, s10, s9, $0x38;
	[tilespmem:$0x12100] =	vst v63  }
0xa3: {  	s5 =	spop (v2sf)  }
0xa4: {  	[tilespmem:s16], [sflag:$0x1] =	stream.strided.gather [hbm4b:s5+s9], $0x1000, s10, s9, $0x38;
	[tilespmem:$0x12100] =	vst v63  }
0xa5: {  	s5 =	spop (v2sf)  }
0xa6: {  	[tilespmem:s17], [sflag:$0x1] =	stream.strided.gather [hbm4b:s5+s9], $0x1000, s10, s9, $0x38;
	[tilespmem:$0x12100] =	vst v63  }
0xa7: {  	s5 =	spop (v2sf)  }
0xa8: {  	[tilespmem:s18], [sflag:$0x1] =	stream.strided.gather [hbm4b:s5+s9], $0x1000, s10, s9, $0x38;
	[tilespmem:$0x12100] =	vst v63  }
0xa9: {  	_ =	swait.ge [sflag:s30], $0x1000  }
0xaa: {  	[sflag:s30] =	ssyncset.done $0x0  }
0xab: {  	[sflag:s30] =	ssyncadd.s32 $0xFFFFF000  }
0xac: {  	_ =	swait.ge [sflag:s30], $0x1000  }
0xad: {  	[sflag:s30] =	ssyncset.done $0x0  }
0xae: {  	[sflag:s30] =	ssyncadd.s32 $0xFFFFF000  }
0xaf: {  	_ =	swait.ge [sflag:s30], $0x1000  }
0xb0: {  	[sflag:s30] =	ssyncset.done $0x0  }
0xb1: {  	[sflag:s30] =	ssyncadd.s32 $0xFFFFF000  }
0xb2: {  	_ =	swait.ge [sflag:s30], $0x1000  }
0xb3: {  	[sflag:s30] =	ssyncset.done $0x0  }
0xb4: {  	[sflag:s30] =	ssyncadd.s32 $0xFFFFF000  }
0xb5: {  	_ =	swait.ge [sflag:s30], $0x1000  }
0xb6: {  	[sflag:s30] =	ssyncset.done $0x0  }
0xb7: {  	[sflag:s30] =	ssyncadd.s32 $0xFFFFF000  }
0xb8: {  	_ =	swait.ge [sflag:s30], $0x1000  }
0xb9: {  	v3 =	vand.u32 $0x7F, v3;
	[sflag:s30] =	ssyncset.done $0x0  }
0xba: {  	v39 =	vbroadcast v3, $0x0;
	[sflag:s30] =	ssyncadd.s32 $0xFFFFF000  }
0xbb: {  	_ =	swait.ge [sflag:s30], $0x1000  }
0xbc: {  	v40 =	vor.u32 v0, v39;
	[sflag:s30] =	ssyncset.done $0x0  }
0xbd: {  	v5 =	vor.u32 v1, v39;
	[sflag:s30] =	ssyncadd.s32 $0xFFFFF000  }
0xbe: {  	_ =	swait.ge [sflag:s30], $0x1000  }
0xbf: {  	[sflag:s30] =	ssyncset.done $0x0  }
0xc0: {  	[sflag:s30] =	ssyncadd.s32 $0xFFFFF000  }
0xc1: {  	v41 =	vbroadcast v3, $0x1;
	v20 =	vld.idx.msk [tilespmem:v40+s19+$0x0], $0xffff  }
0xc2: {  	v5 =	vld.idx.msk [tilespmem:v5+s19+$0x0], $0xffff  }
0xc3: {  	v42 =	vor.u32 v0, v41  }
0xc4: {  	v22 =	vor.u32 v1, v41;
	_ =	sdelay $0x1  }
0xc5: {  	[tilespmem:v6+s31+$0x0] =	vst.idx.msk $0xffff, v20  }
0xc6: {  	[tilespmem:v48+s31+$0x0] =	vst.idx.msk $0xffff, v5  }
0xc7: {  	v43 =	vbroadcast v3, $0x2;
	v5 =	vld.idx.msk [tilespmem:v42+s20+$0x0], $0xffff  }
0xc8: {  	v7 =	vld.idx.msk [tilespmem:v22+s20+$0x0], $0xffff  }
0xc9: {  	v44 =	vor.u32 v0, v43  }
0xca: {  	v6 =	vor.u32 v1, v43;
	_ =	sdelay $0x1  }
0xcb: {  	[tilespmem:v52+s31+$0x0] =	vst.idx.msk $0xffff, v5  }
0xcc: {  	[tilespmem:v53+s31+$0x0] =	vst.idx.msk $0xffff, v7  }
0xcd: {  	v45 =	vbroadcast v3, $0x3;
	v5 =	vld.idx.msk [tilespmem:v44+s21+$0x0], $0xffff  }
0xce: {  	v6 =	vld.idx.msk [tilespmem:v6+s21+$0x0], $0xffff  }
0xcf: {  	v46 =	vor.u32 v0, v45  }
0xd0: {  	v7 =	vor.u32 v1, v45;
	_ =	sdelay $0x1  }
0xd1: {  	[tilespmem:v57+s31+$0x0] =	vst.idx.msk $0xffff, v5  }
0xd2: {  	[tilespmem:v58+s31+$0x0] =	vst.idx.msk $0xffff, v6  }
0xd3: {  	v47 =	vbroadcast v3, $0x4;
	v5 =	vld.idx.msk [tilespmem:v46+s22+$0x0], $0xffff  }
0xd4: {  	v7 =	vld.idx.msk [tilespmem:v7+s22+$0x0], $0xffff  }
0xd5: {  	v48 =	vor.u32 v0, v47  }
0xd6: {  	v6 =	vor.u32 v1, v47;
	_ =	sdelay $0x1  }
0xd7: {  	[tilespmem:v62+s31+$0x0] =	vst.idx.msk $0xffff, v5  }
0xd8: {  	[tilespmem:v63+s31+$0x0] =	vst.idx.msk $0xffff, v7  }
0xd9: {  	v49 =	vbroadcast v3, $0x5;
	v5 =	vld.idx.msk [tilespmem:v48+s23+$0x0], $0xffff  }
0xda: {  	v6 =	vld.idx.msk [tilespmem:v6+s23+$0x0], $0xffff  }
0xdb: {  	v50 =	vor.u32 v0, v49  }
0xdc: {  	v7 =	vor.u32 v1, v49;
	_ =	sdelay $0x1  }
0xdd: {  	[tilespmem:v29+s31+$0x0] =	vst.idx.msk $0xffff, v5  }
0xde: {  	[tilespmem:v16+s31+$0x0] =	vst.idx.msk $0xffff, v6  }
0xdf: {  	v51 =	vbroadcast v3, $0x6;
	v5 =	vld.idx.msk [tilespmem:v50+s24+$0x0], $0xffff  }
0xe0: {  	v7 =	vld.idx.msk [tilespmem:v7+s24+$0x0], $0xffff  }
0xe1: {  	v52 =	vor.u32 v0, v51  }
0xe2: {  	v6 =	vor.u32 v1, v51;
	_ =	sdelay $0x1  }
0xe3: {  	(v2sf) =	vpush v4, $0x8;
	[tilespmem:v32+s31+$0x0] =	vst.idx.msk $0xffff, v5  }
0xe4: {  	[tilespmem:v15+s31+$0x0] =	vst.idx.msk $0xffff, v7  }
0xe5: {  	(v2sf) =	vpush v4, $0x9;
	v53 =	vbroadcast v3, $0x7;
	v5 =	vld.idx.msk [tilespmem:v52+s25+$0x0], $0xffff  }
0xe6: {  	v6 =	vld.idx.msk [tilespmem:v6+s25+$0x0], $0xffff  }
0xe7: {  	(v2sf) =	vpush v4, $0xA;
	v54 =	vor.u32 v0, v53  }
0xe8: {  	v7 =	vor.u32 v1, v53  }
0xe9: {  	(v2sf) =	vpush v4, $0xB  }
0xea: {  	[tilespmem:v35+s31+$0x0] =	vst.idx.msk $0xffff, v5  }
0xeb: {  	(v2sf) =	vpush v4, $0xC;
	[tilespmem:v17+s31+$0x0] =	vst.idx.msk $0xffff, v6  }
0xec: {  	v5 =	vld.idx.msk [tilespmem:v54+s26+$0x0], $0xffff  }
0xed: {  	(v2sf) =	vpush v4, $0xD;
	v6 =	vld.idx.msk [tilespmem:v7+s26+$0x0], $0xffff;
	_ =	sdelay $0x1  }
0xee: {  	(v2sf) =	vpush v4, $0xE;
	_ =	sdelay $0x1  }
0xef: {  	(v2sf) =	vpush v4, $0xF;
	[tilespmem:v38+s31+$0x0] =	vst.idx.msk $0xffff, v5  }
0xf0: {  	s5 =	spop (v2sf);
	[tilespmem:v18+s31+$0x0] =	vst.idx.msk $0xffff, v6  }
0xf1: {  	[tilespmem:s19], [sflag:$0x2] =	stream.strided.gather [hbm4b:s5+s9], $0x1000, s10, s9, $0x38;
	[tilespmem:$0x12100] =	vst v63  }
0xf2: {  	s5 =	spop (v2sf)  }
0xf3: {  	[tilespmem:s20], [sflag:$0x2] =	stream.strided.gather [hbm4b:s5+s9], $0x1000, s10, s9, $0x38;
	[tilespmem:$0x12100] =	vst v63  }
0xf4: {  	s5 =	spop (v2sf)  }
0xf5: {  	[tilespmem:s21], [sflag:$0x2] =	stream.strided.gather [hbm4b:s5+s9], $0x1000, s10, s9, $0x38;
	[tilespmem:$0x12100] =	vst v63  }
0xf6: {  	s5 =	spop (v2sf)  }
0xf7: {  	[tilespmem:s22], [sflag:$0x2] =	stream.strided.gather [hbm4b:s5+s9], $0x1000, s10, s9, $0x38;
	[tilespmem:$0x12100] =	vst v63  }
0xf8: {  	s5 =	spop (v2sf)  }
0xf9: {  	[tilespmem:s23], [sflag:$0x2] =	stream.strided.gather [hbm4b:s5+s9], $0x1000, s10, s9, $0x38;
	[tilespmem:$0x12100] =	vst v63  }
0xfa: {  	s5 =	spop (v2sf)  }
0xfb: {  	[tilespmem:s24], [sflag:$0x2] =	stream.strided.gather [hbm4b:s5+s9], $0x1000, s10, s9, $0x38;
	[tilespmem:$0x12100] =	vst v63  }
0xfc: {  	s5 =	spop (v2sf)  }
0xfd: {  	[tilespmem:s25], [sflag:$0x2] =	stream.strided.gather [hbm4b:s5+s9], $0x1000, s10, s9, $0x38;
	[tilespmem:$0x12100] =	vst v63  }
0xfe: {  	s5 =	spop (v2sf)  }
0xff: {  	[tilespmem:s26], [sflag:$0x2] =	stream.strided.gather [hbm4b:s5+s9], $0x1000, s10, s9, $0x38;
	[tilespmem:$0x12100] =	vst v63  }
0x100: {  	_ =	swait.ge [sflag:s28], $0x1000  }
0x101: {  	[sflag:s28] =	ssyncset.done $0x0  }
0x102: {  	[sflag:s28] =	ssyncadd.s32 $0xFFFFF000  }
0x103: {  	_ =	swait.ge [sflag:s28], $0x1000  }
0x104: {  	[sflag:s28] =	ssyncset.done $0x0  }
0x105: {  	[sflag:s28] =	ssyncadd.s32 $0xFFFFF000  }
0x106: {  	_ =	swait.ge [sflag:s28], $0x1000  }
0x107: {  	[sflag:s28] =	ssyncset.done $0x0  }
0x108: {  	[sflag:s28] =	ssyncadd.s32 $0xFFFFF000  }
0x109: {  	_ =	swait.ge [sflag:s28], $0x1000  }
0x10a: {  	[sflag:s28] =	ssyncset.done $0x0  }
0x10b: {  	[sflag:s28] =	ssyncadd.s32 $0xFFFFF000  }
0x10c: {  	_ =	swait.ge [sflag:s28], $0x1000  }
0x10d: {  	[sflag:s28] =	ssyncset.done $0x0  }
0x10e: {  	[sflag:s28] =	ssyncadd.s32 $0xFFFFF000  }
0x10f: {  	_ =	swait.ge [sflag:s28], $0x1000  }
0x110: {  	[sflag:s28] =	ssyncset.done $0x0  }
0x111: {  	v55 =	vbroadcast v2, $0x8;
	[sflag:s28] =	ssyncadd.s32 $0xFFFFF000  }
0x112: {  	_ =	swait.ge [sflag:s28], $0x1000  }
0x113: {  	v56 =	vor.u32 v0, v55;
	s5 =	sadd.s32 $0xFFFFFFF9, s3;
	[sflag:s28] =	ssyncset.done $0x0  }
0x114: {  	v4 =	vor.u32 v1, v55;
	v57 =	vmov s5;
	[sflag:s28] =	ssyncadd.s32 $0xFFFFF000  }
0x115: {  	v6 =	vand.u32 $0x78, v57;
	_ =	swait.ge [sflag:s28], $0x1000  }
0x116: {  	v6 =	vbroadcast v6, $0x0;
	[sflag:s28] =	ssyncset.done $0x0  }
0x117: {  	[sflag:s28] =	ssyncadd.s32 $0xFFFFF000  }
0x118: {  	v59 =	vbroadcast v2, $0x9;
	v58 =	vor.u32 v0, v6;
	v5 =	vld.idx.msk [tilespmem:v56+s11+$0x0], $0xffff  }
0x119: {  	v6 =	vor.u32 v1, v6;
	v4 =	vld.idx.msk [tilespmem:v4+s11+$0x0], $0xffff  }
0x11a: {  	v60 =	vor.u32 v0, v59;
	s5 =	sadd.s32 $0xFFFFFFFA, s3  }
0x11b: {  	v8 =	vor.u32 v1, v59;
	v61 =	vmov s5  }
0x11c: {  	v10 =	vand.u32 $0x79, v61  }
0x11d: {  	v62 =	vbroadcast v10, $0x0;
	[tilespmem:v58+s29+$0x0] =	vst.idx.msk $0xffff, v5  }
0x11e: {  	[tilespmem:v6+s29+$0x0] =	vst.idx.msk $0xffff, v4  }
0x11f: {  	v21 =	vbroadcast v2, $0xA;
	v63 =	vor.u32 v0, v62;
	v4 =	vld.idx.msk [tilespmem:v60+s12+$0x0], $0xffff  }
0x120: {  	v5 =	vor.u32 v1, v62;
	v8 =	vld.idx.msk [tilespmem:v8+s12+$0x0], $0xffff  }
0x121: {  	v22 =	vor.u32 v0, v21;
	s5 =	sadd.s32 $0xFFFFFFFB, s3  }
0x122: {  	v23 =	vmov s5;
	v10 =	vor.u32 v1, v21  }
0x123: {  	v12 =	vand.u32 $0x7A, v23  }
0x124: {  	v24 =	vbroadcast v12, $0x0;
	[tilespmem:v63+s29+$0x0] =	vst.idx.msk $0xffff, v4  }
0x125: {  	[tilespmem:v5+s29+$0x0] =	vst.idx.msk $0xffff, v8  }
0x126: {  	v26 =	vbroadcast v2, $0xB;
	v25 =	vor.u32 v0, v24;
	v8 =	vld.idx.msk [tilespmem:v22+s13+$0x0], $0xffff  }
0x127: {  	v4 =	vor.u32 v1, v24;
	v10 =	vld.idx.msk [tilespmem:v10+s13+$0x0], $0xffff  }
0x128: {  	v27 =	vor.u32 v0, v26;
	s5 =	sadd.s32 $0xFFFFFFFC, s3  }
0x129: {  	v28 =	vmov s5;
	v12 =	vor.u32 v1, v26  }
0x12a: {  	v14 =	vand.u32 $0x7B, v28  }
0x12b: {  	v29 =	vbroadcast v14, $0x0;
	[tilespmem:v25+s29+$0x0] =	vst.idx.msk $0xffff, v8  }
0x12c: {  	[tilespmem:v4+s29+$0x0] =	vst.idx.msk $0xffff, v10  }
0x12d: {  	v31 =	vbroadcast v2, $0xC;
	v30 =	vor.u32 v0, v29;
	v10 =	vld.idx.msk [tilespmem:v27+s14+$0x0], $0xffff  }
0x12e: {  	v8 =	vor.u32 v1, v29;
	v12 =	vld.idx.msk [tilespmem:v12+s14+$0x0], $0xffff  }
0x12f: {  	v32 =	vor.u32 v0, v31;
	s5 =	sadd.s32 $0xFFFFFFFD, s3  }
0x130: {  	v33 =	vmov s5;
	v14 =	vor.u32 v1, v31  }
0x131: {  	v16 =	vand.u32 $0x7C, v33  }
0x132: {  	v34 =	vbroadcast v16, $0x0;
	[tilespmem:v30+s29+$0x0] =	vst.idx.msk $0xffff, v10  }
0x133: {  	[tilespmem:v8+s29+$0x0] =	vst.idx.msk $0xffff, v12  }
0x134: {  	v36 =	vbroadcast v2, $0xD;
	v35 =	vor.u32 v0, v34;
	v12 =	vld.idx.msk [tilespmem:v32+s15+$0x0], $0xffff  }
0x135: {  	v10 =	vor.u32 v1, v34;
	v14 =	vld.idx.msk [tilespmem:v14+s15+$0x0], $0xffff  }
0x136: {  	v37 =	vor.u32 v0, v36;
	s5 =	sadd.s32 $0xFFFFFFFE, s3  }
0x137: {  	v38 =	vmov s5;
	v16 =	vor.u32 v1, v36  }
0x138: {  	v18 =	vand.u32 $0x7D, v38  }
0x139: {  	v39 =	vbroadcast v18, $0x0;
	[tilespmem:v35+s29+$0x0] =	vst.idx.msk $0xffff, v12  }
0x13a: {  	[tilespmem:v10+s29+$0x0] =	vst.idx.msk $0xffff, v14  }
0x13b: {  	v41 =	vbroadcast v2, $0xE;
	v40 =	vor.u32 v0, v39;
	v14 =	vld.idx.msk [tilespmem:v37+s16+$0x0], $0xffff  }
0x13c: {  	v12 =	vor.u32 v1, v39;
	v16 =	vld.idx.msk [tilespmem:v16+s16+$0x0], $0xffff  }
0x13d: {  	v42 =	vor.u32 v0, v41;
	s5 =	sadd.s32 $0xFFFFFFFF, s3  }
0x13e: {  	v43 =	vmov s5;
	v18 =	vor.u32 v1, v41  }
0x13f: {  	v20 =	vand.u32 $0x7E, v43  }
0x140: {  	v44 =	vbroadcast v20, $0x0;
	[tilespmem:v40+s29+$0x0] =	vst.idx.msk $0xffff, v14  }
0x141: {  	[tilespmem:v12+s29+$0x0] =	vst.idx.msk $0xffff, v16  }
0x142: {  	v2 =	vbroadcast v2, $0xF;
	v45 =	vor.u32 v0, v44;
	v16 =	vld.idx.msk [tilespmem:v42+s17+$0x0], $0xffff  }
0x143: {  	v14 =	vor.u32 v1, v44;
	v18 =	vld.idx.msk [tilespmem:v18+s17+$0x0], $0xffff  }
0x144: {  	v46 =	vor.u32 v0, v2  }
0x145: {  	v47 =	vmov s3;
	v2 =	vor.u32 v1, v2  }
0x146: {  	v21 =	vand.u32 $0x7F, v47  }
0x147: {  	v48 =	vbroadcast v21, $0x0;
	[tilespmem:v45+s29+$0x0] =	vst.idx.msk $0xffff, v16  }
0x148: {  	[tilespmem:v14+s29+$0x0] =	vst.idx.msk $0xffff, v18  }
0x149: {  	v49 =	vor.u32 v0, v48;
	v18 =	vld.idx.msk [tilespmem:v46+s18+$0x0], $0xffff  }
0x14a: {  	v16 =	vor.u32 v1, v48;
	v2 =	vld.idx.msk [tilespmem:v2+s18+$0x0], $0xffff;
	_ =	sdelay $0x3  }
0x14b: {  	[tilespmem:v49+s29+$0x0] =	vst.idx.msk $0xffff, v18  }
0x14c: {  	[tilespmem:v16+s29+$0x0] =	vst.idx.msk $0xffff, v2  }
0x14d: {  	_ =	swait.ge [sflag:s30], $0x1000  }
0x14e: {  	[sflag:s30] =	ssyncset.done $0x0  }
0x14f: {  	[sflag:s30] =	ssyncadd.s32 $0xFFFFF000  }
0x150: {  	_ =	swait.ge [sflag:s30], $0x1000  }
0x151: {  	[sflag:s30] =	ssyncset.done $0x0  }
0x152: {  	[sflag:s30] =	ssyncadd.s32 $0xFFFFF000  }
0x153: {  	_ =	swait.ge [sflag:s30], $0x1000  }
0x154: {  	[sflag:s30] =	ssyncset.done $0x0  }
0x155: {  	[sflag:s30] =	ssyncadd.s32 $0xFFFFF000  }
0x156: {  	_ =	swait.ge [sflag:s30], $0x1000  }
0x157: {  	[sflag:s30] =	ssyncset.done $0x0  }
0x158: {  	[sflag:s30] =	ssyncadd.s32 $0xFFFFF000  }
0x159: {  	_ =	swait.ge [sflag:s30], $0x1000  }
0x15a: {  	[sflag:s30] =	ssyncset.done $0x0  }
0x15b: {  	[sflag:s30] =	ssyncadd.s32 $0xFFFFF000  }
0x15c: {  	_ =	swait.ge [sflag:s30], $0x1000  }
0x15d: {  	[sflag:s30] =	ssyncset.done $0x0  }
0x15e: {  	v2 =	vbroadcast v3, $0x8;
	[sflag:s30] =	ssyncadd.s32 $0xFFFFF000  }
0x15f: {  	_ =	swait.ge [sflag:s30], $0x1000  }
0x160: {  	v50 =	vor.u32 v0, v2;
	[sflag:s30] =	ssyncset.done $0x0  }
0x161: {  	v2 =	vor.u32 v1, v2;
	[sflag:s30] =	ssyncadd.s32 $0xFFFFF000  }
0x162: {  	_ =	swait.ge [sflag:s30], $0x1000  }
0x163: {  	[sflag:s30] =	ssyncset.done $0x0  }
0x164: {  	[sflag:s30] =	ssyncadd.s32 $0xFFFFF000  }
0x165: {  	v51 =	vbroadcast v3, $0x9;
	v18 =	vld.idx.msk [tilespmem:v50+s19+$0x0], $0xffff  }
0x166: {  	v2 =	vld.idx.msk [tilespmem:v2+s19+$0x0], $0xffff  }
0x167: {  	v52 =	vor.u32 v0, v51  }
0x168: {  	v21 =	vor.u32 v1, v51;
	_ =	sdelay $0x1  }
0x169: {  	[tilespmem:v58+s31+$0x0] =	vst.idx.msk $0xffff, v18  }
0x16a: {  	[tilespmem:v6+s31+$0x0] =	vst.idx.msk $0xffff, v2  }
0x16b: {  	v53 =	vbroadcast v3, $0xA;
	v2 =	vld.idx.msk [tilespmem:v52+s20+$0x0], $0xffff  }
0x16c: {  	v7 =	vld.idx.msk [tilespmem:v21+s20+$0x0], $0xffff  }
0x16d: {  	v54 =	vor.u32 v0, v53  }
0x16e: {  	v6 =	vor.u32 v1, v53;
	_ =	sdelay $0x1  }
0x16f: {  	[tilespmem:v63+s31+$0x0] =	vst.idx.msk $0xffff, v2  }
0x170: {  	[tilespmem:v5+s31+$0x0] =	vst.idx.msk $0xffff, v7  }
0x171: {  	v55 =	vbroadcast v3, $0xB;
	v2 =	vld.idx.msk [tilespmem:v54+s21+$0x0], $0xffff  }
0x172: {  	v6 =	vld.idx.msk [tilespmem:v6+s21+$0x0], $0xffff  }
0x173: {  	v56 =	vor.u32 v0, v55  }
0x174: {  	v5 =	vor.u32 v1, v55;
	_ =	sdelay $0x1  }
0x175: {  	[tilespmem:v25+s31+$0x0] =	vst.idx.msk $0xffff, v2  }
0x176: {  	[tilespmem:v4+s31+$0x0] =	vst.idx.msk $0xffff, v6  }
0x177: {  	v57 =	vbroadcast v3, $0xC;
	v2 =	vld.idx.msk [tilespmem:v56+s22+$0x0], $0xffff  }
0x178: {  	v5 =	vld.idx.msk [tilespmem:v5+s22+$0x0], $0xffff  }
0x179: {  	v58 =	vor.u32 v0, v57  }
0x17a: {  	v4 =	vor.u32 v1, v57;
	_ =	sdelay $0x1  }
0x17b: {  	[tilespmem:v30+s31+$0x0] =	vst.idx.msk $0xffff, v2  }
0x17c: {  	[tilespmem:v8+s31+$0x0] =	vst.idx.msk $0xffff, v5  }
0x17d: {  	v59 =	vbroadcast v3, $0xD;
	v2 =	vld.idx.msk [tilespmem:v58+s23+$0x0], $0xffff  }
0x17e: {  	v4 =	vld.idx.msk [tilespmem:v4+s23+$0x0], $0xffff  }
0x17f: {  	v60 =	vor.u32 v0, v59  }
0x180: {  	v5 =	vor.u32 v1, v59;
	_ =	sdelay $0x1  }
0x181: {  	[tilespmem:v35+s31+$0x0] =	vst.idx.msk $0xffff, v2  }
0x182: {  	[tilespmem:v10+s31+$0x0] =	vst.idx.msk $0xffff, v4  }
0x183: {  	v61 =	vbroadcast v3, $0xE;
	v2 =	vld.idx.msk [tilespmem:v60+s24+$0x0], $0xffff  }
0x184: {  	v5 =	vld.idx.msk [tilespmem:v5+s24+$0x0], $0xffff  }
0x185: {  	v62 =	vor.u32 v0, v61  }
0x186: {  	v4 =	vor.u32 v1, v61;
	_ =	sdelay $0x1  }
0x187: {  	[tilespmem:v40+s31+$0x0] =	vst.idx.msk $0xffff, v2  }
0x188: {  	[tilespmem:v12+s31+$0x0] =	vst.idx.msk $0xffff, v5  }
0x189: {  	v3 =	vbroadcast v3, $0xF;
	v2 =	vld.idx.msk [tilespmem:v62+s25+$0x0], $0xffff  }
0x18a: {  	v4 =	vld.idx.msk [tilespmem:v4+s25+$0x0], $0xffff  }
0x18b: {  	v63 =	vor.u32 v0, v3  }
0x18c: {  	v3 =	vor.u32 v1, v3;
	_ =	sdelay $0x1  }
0x18d: {  	[tilespmem:v45+s31+$0x0] =	vst.idx.msk $0xffff, v2  }
0x18e: {  	[tilespmem:v14+s31+$0x0] =	vst.idx.msk $0xffff, v4  }
0x18f: {  	v2 =	vld.idx.msk [tilespmem:v63+s26+$0x0], $0xffff  }
0x190: {  	p0 =	sne.s32 s3, $0x7F;
	v3 =	vld.idx.msk [tilespmem:v3+s26+$0x0], $0xffff  }
.Ltmp0:
0x191: {  	_ = 	snop;
	(pc) =	sbr.rel @p0 .LBB2_2-.Ltmp0, $3  }
0x192: {  	_ =	sdelay $0x1  }
0x193: {  	[tilespmem:v49+s31+$0x0] =	vst.idx.msk $0xffff, v2  }
0x194: {  	s4 =	sadd.s32 $0x10, s4;
	s2 =	sadd.s32 $0x10, s2;
	s3 =	sadd.s32 $0x10, s3;
	[tilespmem:v16+s31+$0x0] =	vst.idx.msk $0xffff, v3  }
0x195: {  	s2 =	rddreg [dreg:$0xb]  }
0x196: {  	[hbm4b:s2+s9] =	stream.strided.scatter [tilespmem:s29], [sflag:$0x3], $0x1000, s0, s9, $0x38;
	[tilespmem:$0x12100] =	vst v63  }
0x197: {  	s1 =	sadd.s32 $0x1, s1;
	_ =	swait.ge [sflag:s8], $0x1000  }
0x198: {  	p0 =	sne.s32 s1, s7;
	[sflag:s8] =	ssyncset.done $0x0  }
.Ltmp1:
0x199: {  	[sflag:s8] =	ssyncadd.s32 $0xFFFFF000;
	(pc) =	sbr.rel @p0 .LBB2_1-.Ltmp1, $4  }
0x19a: {  	[hbm4b:s6+s9] =	stream.strided.scatter [tilespmem:s31], [sflag:$0x3], $0x1000, s0, s9, $0x38;
	[tilespmem:$0x12100] =	vst v63  }
0x19b: {  	_ =	swait.ge [sflag:s8], $0x1000  }
0x19c: {  	[sflag:s8] =	ssyncset.done $0x0  }
0x19d: {  	[sflag:s8] =	ssyncadd.s32 $0xFFFFF000  }
0x19e: {  	_ =	sfence.sel $0x180000  }
0x19f: {  	[bflag:$0x0] =	sbarrier.arrive $0xFFFF  }
0x1a0: {  	_ =	strace $0x90000047  }
0x1a1: {  	s0 =	stileid.u32;
	[bflag:$0x2] =	sbarrier.arrive $0xFFFF  }
0x1a2: {  	p0 =	sne.s32 s0, $0x0;
	s0 =	rddreg [dreg:$0x6]  }
0x1a3: {  	s0 =	sadd.s32 @!p0 $0x100000, s0  }
0x1a4: {  	[sflag:s0] =	ssyncadd.tile.s32 @!p0 $0x1;
	_ =	shalt  }
.Lfunc_end2:
_tile_overlayer_lowered:
.L_overlay_start_2:
0x1a5: {  	(tag) =	ssettag $0x2  }
0x1a6: {  	s0 =	rddreg [dreg:$0x0];
	s2 =	stileid.u32  }
0x1a7: {  	s1 =	rddreg [dreg:$0x1];
	p0 =	sne.s32 s2, $0x0  }
0x1a8: {  	s3 =	rddreg [dreg:$0x2];
	[bflag:$0x3] =	sbarrier.arrive $0xFFFF;
	s2 =	simm.s32 @!p0 $0x1C03  }
0x1a9: {  	[timem:s3], [sflag:s2] =	dma.local @!p0 [hbm:s0], s1  }
0x1aa: {  	s0 =	simm.s32 @!p0 $0x3  }
0x1ab: {  	_ =	swait.ge @!p0 [sflag:s0], s1  }
0x1ac: {  	s1 =	ssub.s32 @!p0 $0x0, s1;
	[sflag:s0] =	ssyncset.done @!p0 $0x0  }
0x1ad: {  	[sflag:s0] =	ssyncadd.s32 @!p0 s1  }
0x1ae: {  	[bflag:$0x3] =	sbarrier.arrive $0xFFFF  }
0x1af: {  	_ =	shalt  }

</sc_bundles>
